<compile_context>
chip_gen: v7x
topology: tpu7x:2x2x1
jax: 0.10.2.dev20260603
libtpu: 0.0.44.dev20260713+nightly
codegen_flags: <defaults>
</compile_context>

<pallas_src>
import functools

import jax
import jax.numpy as jnp
from jax import lax
from jax.experimental import pallas as pl
from jax.experimental.pallas import tpu as pltpu
from jax.experimental.pallas import tpu_sc as plsc

_N = 10000
_E = 320000
_DIN = 128
_DH = 64

_NC = 2
_NS = 16
_NW = _NC * _NS
_C = 128
_NCH = 80
_EPAD = _NW * _NCH * _C
_NP = 10240
_RPS = _NP // _NS

_MESH = dict(core_axis_name="c", subcore_axis_name="s", num_cores=_NC,
             num_subcores=_NS)


@functools.partial(
    pl.kernel,
    out_type=jax.ShapeDtypeStruct((_NC, _NP), jnp.float32),
    mesh=plsc.VectorSubcoreMesh(**_MESH),
    scratch_types=[
        pltpu.VMEM((_NCH, _C), jnp.int32),
        pltpu.VMEM((_C,), jnp.float32),
        [pltpu.SemaphoreType.DMA for _ in range(4)],
        pltpu.VMEM_SHARED((_NP,), jnp.float32),
    ],
    compiler_params=pltpu.CompilerParams(use_tc_tiling_on_sc=False),
)
def _deg(dst_hbm, ones_hbm, zeros_hbm, out_hbm, didx, ones_v, ssem, acc):
    c = lax.axis_index("c")
    s = lax.axis_index("s")
    wid = c * _NS + s
    pltpu.sync_copy(dst_hbm.at[wid], didx)
    pltpu.sync_copy(ones_hbm, ones_v)
    pltpu.sync_copy(zeros_hbm, acc.at[pl.ds(s * _RPS, _RPS)])
    plsc.subcore_barrier()

    def scat(j, b):
        pltpu.async_copy(ones_v, acc.at[didx.at[j]], ssem[b], add=True)

    def scat_wait(j, b):
        pltpu.make_async_copy(ones_v, acc.at[didx.at[j]], ssem[b]).wait()

    for j in range(4):
        scat(j, j)

    def body(i, carry):
        j0 = 4 + 4 * i
        for k in range(4):
            scat_wait(j0 + k - 4, k)
            scat(j0 + k, k)
        return carry

    lax.fori_loop(0, (_NCH - 4) // 4, body, 0)
    for j in range(_NCH - 4, _NCH):
        scat_wait(j, j % 4)
    plsc.subcore_barrier()
    pltpu.sync_copy(acc.at[pl.ds(s * _RPS, _RPS)],
                    out_hbm.at[c, pl.ds(s * _RPS, _RPS)])


@functools.partial(
    pl.kernel,
    out_type=jax.ShapeDtypeStruct((_NP, _NC * _DH), jnp.float32),
    mesh=plsc.VectorSubcoreMesh(**_MESH),
    scratch_types=[
        pltpu.VMEM((_NCH, _C), jnp.int32),
        pltpu.VMEM((_NCH, _C), jnp.int32),
        [pltpu.VMEM((_C, _DH), jnp.float32) for _ in range(6)],
        [pltpu.SemaphoreType.DMA for _ in range(6)],
        [pltpu.SemaphoreType.DMA for _ in range(6)],
        pltpu.VMEM_SHARED((_NP, _DH), jnp.float32),
    ],
    compiler_params=pltpu.CompilerParams(use_tc_tiling_on_sc=False),
)
def _agg(g_hbm, src_hbm, dst_hbm, zeros_hbm, out_hbm,
         sidx, didx, rows, gsem, ssem, acc):
    c = lax.axis_index("c")
    s = lax.axis_index("s")
    wid = c * _NS + s
    pltpu.sync_copy(src_hbm.at[wid], sidx)
    pltpu.sync_copy(dst_hbm.at[wid], didx)
    pltpu.sync_copy(zeros_hbm, acc.at[pl.ds(s * _RPS, _RPS)])
    plsc.subcore_barrier()

    def gath(j, b):
        pltpu.async_copy(g_hbm.at[sidx.at[j]], rows[b], gsem[b])

    def gath_wait(j, b):
        pltpu.make_async_copy(g_hbm.at[sidx.at[j]], rows[b], gsem[b]).wait()

    def scat(j, b):
        pltpu.async_copy(rows[b], acc.at[didx.at[j]], ssem[b], add=True)

    def scat_wait(j, b):
        pltpu.make_async_copy(rows[b], acc.at[didx.at[j]], ssem[b]).wait()

    for j in range(3):
        gath(j, j)
    for j in range(3):
        gath_wait(j, j)
        scat(j, j)
        gath(j + 3, j + 3)

    def body(i, carry):
        j0 = 3 + 6 * i
        for k in range(6):
            j = j0 + k
            b = (3 + k) % 6
            gath_wait(j, b)
            scat(j, b)
            bn = (b + 3) % 6
            scat_wait(j - 3, bn)
            gath(j + 3, bn)
        return carry

    lax.fori_loop(0, (_NCH - 8) // 6, body, 0)
    for j in range(_NCH - 5, _NCH):
        b = j % 6
        gath_wait(j, b)
        scat(j, b)
        bn = (b + 3) % 6
        scat_wait(j - 3, bn)
        if j + 3 < _NCH:
            gath(j + 3, bn)
    for j in range(_NCH - 3, _NCH):
        scat_wait(j, j % 6)
    plsc.subcore_barrier()
    pltpu.sync_copy(acc.at[pl.ds(s * _RPS, _RPS)],
                    out_hbm.at[pl.ds(s * _RPS, _RPS), pl.ds(c * _DH, _DH)])


_BLK = 1024
_G = _NP // _BLK


def _dis_block(degp_ref):
    deg = degp_ref[0:1, :] + degp_ref[1:2, :] + 1.0
    return jnp.transpose(lax.rsqrt(deg), (1, 0))


def _mm1_body(x_ref, w_ref, degp_ref, out_ref):
    dis = _dis_block(degp_ref)
    h = jnp.dot(x_ref[...], w_ref[...], preferred_element_type=jnp.float32)
    out_ref[...] = h * dis


def _mm2_body(sp_ref, g_ref, degp_ref, b_ref, w_ref, out_ref):
    dis = _dis_block(degp_ref)
    ssum = sp_ref[:, :_DH] + sp_ref[:, _DH:] + g_ref[...]
    h = jnp.maximum(ssum * dis + b_ref[...], 0.0)
    out_ref[...] = jnp.dot(h, w_ref[...],
                           preferred_element_type=jnp.float32) * dis


def _mm3_body(sp_ref, g_ref, degp_ref, b_ref, wd_ref, bd_ref,
              h_ref, dec_ref):
    dis = _dis_block(degp_ref)
    ssum = sp_ref[:, :_DH] + sp_ref[:, _DH:] + g_ref[...]
    h = jnp.maximum(ssum * dis + b_ref[...], 0.0)
    h_ref[...] = h
    dec_ref[...] = jnp.dot(h, wd_ref[...],
                           preferred_element_type=jnp.float32) + bd_ref[...]


def _mm1(x, W1, degp):
    return pl.pallas_call(
        _mm1_body,
        grid=(_G,),
        in_specs=[
            pl.BlockSpec((_BLK, _DIN), lambda i: (i, 0)),
            pl.BlockSpec((_DIN, _DH), lambda i: (0, 0)),
            pl.BlockSpec((_NC, _BLK), lambda i: (0, i)),
        ],
        out_specs=pl.BlockSpec((_BLK, _DH), lambda i: (i, 0)),
        out_shape=jax.ShapeDtypeStruct((_NP, _DH), jnp.float32),
    )(x, W1, degp)


def _mm2(sp, g1, degp, b1, W2):
    return pl.pallas_call(
        _mm2_body,
        grid=(_G,),
        in_specs=[
            pl.BlockSpec((_BLK, _NC * _DH), lambda i: (i, 0)),
            pl.BlockSpec((_BLK, _DH), lambda i: (i, 0)),
            pl.BlockSpec((_NC, _BLK), lambda i: (0, i)),
            pl.BlockSpec((1, _DH), lambda i: (0, 0)),
            pl.BlockSpec((_DH, _DH), lambda i: (0, 0)),
        ],
        out_specs=pl.BlockSpec((_BLK, _DH), lambda i: (i, 0)),
        out_shape=jax.ShapeDtypeStruct((_NP, _DH), jnp.float32),
    )(sp, g1, degp, b1, W2)


def _mm3(sp, g2, degp, b2, Wd, bd):
    return pl.pallas_call(
        _mm3_body,
        grid=(_G,),
        in_specs=[
            pl.BlockSpec((_BLK, _NC * _DH), lambda i: (i, 0)),
            pl.BlockSpec((_BLK, _DH), lambda i: (i, 0)),
            pl.BlockSpec((_NC, _BLK), lambda i: (0, i)),
            pl.BlockSpec((1, _DH), lambda i: (0, 0)),
            pl.BlockSpec((_DH, _DIN), lambda i: (0, 0)),
            pl.BlockSpec((1, _DIN), lambda i: (0, 0)),
        ],
        out_specs=[
            pl.BlockSpec((_BLK, _DH), lambda i: (i, 0)),
            pl.BlockSpec((_BLK, _DIN), lambda i: (i, 0)),
        ],
        out_shape=[
            jax.ShapeDtypeStruct((_NP, _DH), jnp.float32),
            jax.ShapeDtypeStruct((_NP, _DIN), jnp.float32),
        ],
    )(sp, g2, degp, b2, Wd, bd)


def kernel(x, edge_index, W1, b1, W2, b2, Wd, bd):
    ei = edge_index.astype(jnp.int32)
    pad = _N + jnp.arange(_EPAD - _E, dtype=jnp.int32) % (_NP - _N)
    src = jnp.concatenate([ei[0], pad]).reshape(_NW, _NCH, _C)
    dst = jnp.concatenate([ei[1], pad]).reshape(_NW, _NCH, _C)

    ones1 = jnp.ones((_C,), jnp.float32)
    zeros1 = jnp.zeros((_RPS,), jnp.float32)
    zeros64 = jnp.zeros((_RPS, _DH), jnp.float32)
    b1r = b1.reshape(1, _DH)
    b2r = b2.reshape(1, _DH)
    bdr = bd.reshape(1, _DIN)

    degp = _deg(dst, ones1, zeros1)
    g1 = _mm1(x, W1, degp)
    sp1 = _agg(g1, src, dst, zeros64)
    g2 = _mm2(sp1, g1, degp, b1r, W2)
    sp2 = _agg(g2, src, dst, zeros64)
    h, dec = _mm3(sp2, g2, degp, b2r, Wd, bdr)
    return h[:_N], dec[:_N]

# --- scband reference (transcript-rebuilt; emitter-appended) ---
"""Pipeline reference for scband-pairwise-gnn-76776835383991 (READ-ONLY COPY).

The authoritative reference and input builder live on the scoring server;
editing this copy changes nothing except your own understanding.
"""

import jax, jax.numpy as jnp
import numpy as np

N = 10000
E = 320000
D_IN = 128
D_HID = 64


def _glorot(key, shape):
    fan_in, fan_out = shape[0], shape[1]
    limit = jnp.sqrt(6.0 / (fan_in + fan_out))
    return jax.random.uniform(key, shape, minval=-limit, maxval=limit, dtype=jnp.float32)


def setup_inputs(seed: int = 0) -> dict:
    key = jax.random.key(seed)
    ks = jax.random.split(key, 8)
    x = jax.random.normal(ks[0], (N, D_IN), dtype=jnp.float32)
    edge_index = jax.random.randint(ks[1], (2, E), 0, N, dtype=jnp.int64)
    W1 = _glorot(ks[2], (D_IN, D_HID))
    b1 = jnp.zeros((D_HID,), dtype=jnp.float32)
    W2 = _glorot(ks[3], (D_HID, D_HID))
    b2 = jnp.zeros((D_HID,), dtype=jnp.float32)
    Wd = _glorot(ks[4], (D_HID, D_IN))
    bd = jnp.zeros((D_IN,), dtype=jnp.float32)
    return {"x": x, "edge_index": edge_index, "W1": W1, "b1": b1, "W2": W2, "b2": b2, "Wd": Wd, "bd": bd}


def gcn_conv(x, edge_index, W, b):
    # Faithful PyG GCNConv: linear transform, add self-loops, symmetric deg^-1/2 norm,
    # scatter-add aggregation at target nodes, then bias.
    num_nodes = x.shape[0]
    h = x @ W
    loop = jnp.arange(num_nodes, dtype=edge_index.dtype)
    src = jnp.concatenate([edge_index[0], loop])
    dst = jnp.concatenate([edge_index[1], loop])
    deg = jnp.zeros((num_nodes,), dtype=h.dtype).at[dst].add(1.0)
    deg_inv_sqrt = jnp.where(deg > 0, 1.0 / jnp.sqrt(deg), 0.0)
    norm = deg_inv_sqrt[src] * deg_inv_sqrt[dst]
    msg = h[src] * norm[:, None]
    out = jnp.zeros_like(h).at[dst].add(msg)
    return out + b


def reference(x, edge_index, W1, b1, W2, b2, Wd, bd):
    # dropout is inactive in eval mode (training=False)
    h = gcn_conv(x, edge_index, W1, b1)
    h = jax.nn.relu(h)
    h = gcn_conv(h, edge_index, W2, b2)
    h = jax.nn.relu(h)
    dec = h @ Wd + bd
    return (h, dec)

if __name__ == "__main__":
    import jax
    _d = setup_inputs()
    print(jax.jit(kernel)(*tuple(_d.values())))

</pallas_src>

<mosaic_0001>
#map = affine_map<(d0, d1) -> (0, 0)>
#map1 = affine_map<(d0, d1) -> (0, 0, 0)>
module attributes {stable_mosaic.version = 14 : i64} {
  func.func @_agg(%arg0: i32, %arg1: i32, %arg2: memref<10240x64xf32, #tpu.memory_space<hbm>>, %arg3: memref<32x80x128xi32, #tpu.memory_space<hbm>>, %arg4: memref<32x80x128xi32, #tpu.memory_space<hbm>>, %arg5: memref<640x64xf32, #tpu.memory_space<hbm>>, %arg6: memref<10240x128xf32, #tpu.memory_space<hbm>>, %arg7: memref<80x128xi32, #tpu.memory_space<vmem>>, %arg8: memref<80x128xi32, #tpu.memory_space<vmem>>, %arg9: memref<128x64xf32, #tpu.memory_space<vmem>>, %arg10: memref<128x64xf32, #tpu.memory_space<vmem>>, %arg11: memref<128x64xf32, #tpu.memory_space<vmem>>, %arg12: memref<128x64xf32, #tpu.memory_space<vmem>>, %arg13: memref<128x64xf32, #tpu.memory_space<vmem>>, %arg14: memref<128x64xf32, #tpu.memory_space<vmem>>, %arg15: memref<!tpu.dma_semaphore, #tpu.memory_space<semaphore_mem>>, %arg16: memref<!tpu.dma_semaphore, #tpu.memory_space<semaphore_mem>>, %arg17: memref<!tpu.dma_semaphore, #tpu.memory_space<semaphore_mem>>, %arg18: memref<!tpu.dma_semaphore, #tpu.memory_space<semaphore_mem>>, %arg19: memref<!tpu.dma_semaphore, #tpu.memory_space<semaphore_mem>>, %arg20: memref<!tpu.dma_semaphore, #tpu.memory_space<semaphore_mem>>, %arg21: memref<!tpu.dma_semaphore, #tpu.memory_space<semaphore_mem>>, %arg22: memref<!tpu.dma_semaphore, #tpu.memory_space<semaphore_mem>>, %arg23: memref<!tpu.dma_semaphore, #tpu.memory_space<semaphore_mem>>, %arg24: memref<!tpu.dma_semaphore, #tpu.memory_space<semaphore_mem>>, %arg25: memref<!tpu.dma_semaphore, #tpu.memory_space<semaphore_mem>>, %arg26: memref<!tpu.dma_semaphore, #tpu.memory_space<semaphore_mem>>, %arg27: memref<10240x64xf32, #tpu.memory_space<vmem_shared>>) attributes {dimension_semantics = [#tpu.dimension_semantics<core_parallel>, #tpu.dimension_semantics<subcore_parallel>], iteration_bounds = array<i64: 2, 16>, scalar_prefetch = 0 : i64, scratch_operands = 21 : i64, tpu.core_type = #tpu.core_type<sc_vector_subcore>, window_params = [{transform_indices = #map}, {transform_indices = #map1}, {transform_indices = #map1}, {transform_indices = #map}, {transform_indices = #map}]} {
    %mul3A = arith.constant 16 : i32
    %mul3A_0 = arith.muli %arg0, %mul3A : i32
    %add3A = arith.addi %mul3A_0, %arg1 : i32
    "tpu.region"() ({
      %run_scoped3A = tpu.sem_alloc : memref<!tpu.dma_semaphore, #tpu.memory_space<semaphore_mem>>
      %dma_start3A_237 = arith.constant 0 : i32
      %dma_start3A_238 = arith.constant 0 : i32
      %dma_start3A_239 = tpu.memref_slice %arg3[%add3A, %dma_start3A_237, %dma_start3A_238] : memref<32x80x128xi32, #tpu.memory_space<hbm>> -> memref<1x80x128xi32, #tpu.memory_space<hbm>>
      %dma_start3A_240 = tpu.memref_squeeze %dma_start3A_239 : memref<1x80x128xi32, #tpu.memory_space<hbm>> -> memref<80x128xi32, #tpu.memory_space<hbm>>
      %dma_start3A_241 = arith.constant 0 : i32
      %dma_start3A_242 = arith.constant 0 : i32
      %dma_start3A_243 = tpu.memref_slice %arg3[%add3A, %dma_start3A_241, %dma_start3A_242] : memref<32x80x128xi32, #tpu.memory_space<hbm>> -> memref<1x80x128xi32, #tpu.memory_space<hbm>>
      %dma_start3A_244 = tpu.memref_squeeze %dma_start3A_243 : memref<1x80x128xi32, #tpu.memory_space<hbm>> -> memref<80x128xi32, #tpu.memory_space<hbm>>
      tpu.enqueue_dma source(%dma_start3A_244 : memref<80x128xi32, #tpu.memory_space<hbm>>) target(%arg7 : memref<80x128xi32, #tpu.memory_space<vmem>>) target_semaphore(%run_scoped3A : memref<!tpu.dma_semaphore, #tpu.memory_space<semaphore_mem>>)
      %dma_wait3A_245 = arith.constant 0 : i32
      %dma_wait3A_246 = arith.constant 0 : i32
      %dma_wait3A_247 = tpu.memref_slice %arg3[%add3A, %dma_wait3A_245, %dma_wait3A_246] : memref<32x80x128xi32, #tpu.memory_space<hbm>> -> memref<1x80x128xi32, #tpu.memory_space<hbm>>
      %dma_wait3A_248 = tpu.memref_squeeze %dma_wait3A_247 : memref<1x80x128xi32, #tpu.memory_space<hbm>> -> memref<80x128xi32, #tpu.memory_space<hbm>>
      %dma_wait3A_249 = arith.constant 0 : i32
      %dma_wait3A_250 = arith.constant 0 : i32
      %dma_wait3A_251 = tpu.memref_slice %arg3[%add3A, %dma_wait3A_249, %dma_wait3A_250] : memref<32x80x128xi32, #tpu.memory_space<hbm>> -> memref<1x80x128xi32, #tpu.memory_space<hbm>>
      %dma_wait3A_252 = tpu.memref_squeeze %dma_wait3A_251 : memref<1x80x128xi32, #tpu.memory_space<hbm>> -> memref<80x128xi32, #tpu.memory_space<hbm>>
      tpu.wait_dma2 semaphore(%run_scoped3A : memref<!tpu.dma_semaphore, #tpu.memory_space<semaphore_mem>>) src(%dma_wait3A_252 : memref<80x128xi32, #tpu.memory_space<hbm>>) dst(%arg7 : memref<80x128xi32, #tpu.memory_space<vmem>>)
      tpu.yield
    }) : () -> ()
    "tpu.region"() ({
      %run_scoped3A = tpu.sem_alloc : memref<!tpu.dma_semaphore, #tpu.memory_space<semaphore_mem>>
      %dma_start3A_237 = arith.constant 0 : i32
      %dma_start3A_238 = arith.constant 0 : i32
      %dma_start3A_239 = tpu.memref_slice %arg4[%add3A, %dma_start3A_237, %dma_start3A_238] : memref<32x80x128xi32, #tpu.memory_space<hbm>> -> memref<1x80x128xi32, #tpu.memory_space<hbm>>
      %dma_start3A_240 = tpu.memref_squeeze %dma_start3A_239 : memref<1x80x128xi32, #tpu.memory_space<hbm>> -> memref<80x128xi32, #tpu.memory_space<hbm>>
      %dma_start3A_241 = arith.constant 0 : i32
      %dma_start3A_242 = arith.constant 0 : i32
      %dma_start3A_243 = tpu.memref_slice %arg4[%add3A, %dma_start3A_241, %dma_start3A_242] : memref<32x80x128xi32, #tpu.memory_space<hbm>> -> memref<1x80x128xi32, #tpu.memory_space<hbm>>
      %dma_start3A_244 = tpu.memref_squeeze %dma_start3A_243 : memref<1x80x128xi32, #tpu.memory_space<hbm>> -> memref<80x128xi32, #tpu.memory_space<hbm>>
      tpu.enqueue_dma source(%dma_start3A_244 : memref<80x128xi32, #tpu.memory_space<hbm>>) target(%arg8 : memref<80x128xi32, #tpu.memory_space<vmem>>) target_semaphore(%run_scoped3A : memref<!tpu.dma_semaphore, #tpu.memory_space<semaphore_mem>>)
      %dma_wait3A_245 = arith.constant 0 : i32
      %dma_wait3A_246 = arith.constant 0 : i32
      %dma_wait3A_247 = tpu.memref_slice %arg4[%add3A, %dma_wait3A_245, %dma_wait3A_246] : memref<32x80x128xi32, #tpu.memory_space<hbm>> -> memref<1x80x128xi32, #tpu.memory_space<hbm>>
      %dma_wait3A_248 = tpu.memref_squeeze %dma_wait3A_247 : memref<1x80x128xi32, #tpu.memory_space<hbm>> -> memref<80x128xi32, #tpu.memory_space<hbm>>
      %dma_wait3A_249 = arith.constant 0 : i32
      %dma_wait3A_250 = arith.constant 0 : i32
      %dma_wait3A_251 = tpu.memref_slice %arg4[%add3A, %dma_wait3A_249, %dma_wait3A_250] : memref<32x80x128xi32, #tpu.memory_space<hbm>> -> memref<1x80x128xi32, #tpu.memory_space<hbm>>
      %dma_wait3A_252 = tpu.memref_squeeze %dma_wait3A_251 : memref<1x80x128xi32, #tpu.memory_space<hbm>> -> memref<80x128xi32, #tpu.memory_space<hbm>>
      tpu.wait_dma2 semaphore(%run_scoped3A : memref<!tpu.dma_semaphore, #tpu.memory_space<semaphore_mem>>) src(%dma_wait3A_252 : memref<80x128xi32, #tpu.memory_space<hbm>>) dst(%arg8 : memref<80x128xi32, #tpu.memory_space<vmem>>)
      tpu.yield
    }) : () -> ()
    %mul3A_1 = arith.constant 640 : i32
    %mul3A_2 = arith.muli %arg1, %mul3A_1 : i32
    "tpu.region"() ({
      %run_scoped3A = tpu.sem_alloc : memref<!tpu.dma_semaphore, #tpu.memory_space<semaphore_mem>>
      %dma_start3A_237 = arith.constant 0 : i32
      %dma_start3A_238 = tpu.memref_slice %arg27[%mul3A_2, %dma_start3A_237] : memref<10240x64xf32, #tpu.memory_space<vmem_shared>> -> memref<640x64xf32, #tpu.memory_space<vmem_shared>>
      tpu.enqueue_dma source(%arg5 : memref<640x64xf32, #tpu.memory_space<hbm>>) target(%dma_start3A_238 : memref<640x64xf32, #tpu.memory_space<vmem_shared>>) target_semaphore(%run_scoped3A : memref<!tpu.dma_semaphore, #tpu.memory_space<semaphore_mem>>)
      %dma_wait3A_239 = arith.constant 0 : i32
      %dma_wait3A_240 = tpu.memref_slice %arg27[%mul3A_2, %dma_wait3A_239] : memref<10240x64xf32, #tpu.memory_space<vmem_shared>> -> memref<640x64xf32, #tpu.memory_space<vmem_shared>>
      tpu.wait_dma2 semaphore(%run_scoped3A : memref<!tpu.dma_semaphore, #tpu.memory_space<semaphore_mem>>) src(%arg5 : memref<640x64xf32, #tpu.memory_space<hbm>>) dst(%dma_wait3A_240 : memref<640x64xf32, #tpu.memory_space<vmem_shared>>)
      tpu.yield
    }) : () -> ()
    %barrier3A = arith.constant 0 : index
    tpu.barrier barrier_id(%barrier3A)
    %dma_start3A = arith.constant 0 : i32
    %dma_start3A_3 = arith.constant 0 : i32
    %dma_start3A_4 = tpu.memref_slice %arg7[%dma_start3A, %dma_start3A_3] : memref<80x128xi32, #tpu.memory_space<vmem>> -> memref<1x128xi32, #tpu.memory_space<vmem>>
    %dma_start3A_5 = tpu.memref_squeeze %dma_start3A_4 : memref<1x128xi32, #tpu.memory_space<vmem>> -> memref<128xi32, #tpu.memory_space<vmem>>
    %dma_start3A_6 = arith.constant 0 : i32
    %dma_start3A_7 = arith.constant 0 : i32
    %dma_start3A_8 = tpu.memref_slice %arg2[%dma_start3A_6, %dma_start3A_7] : memref<10240x64xf32, #tpu.memory_space<hbm>> -> memref<10240x64xf32, #tpu.memory_space<hbm>>
    tpu.enqueue_indirect_dma source(%dma_start3A_8 : memref<10240x64xf32, #tpu.memory_space<hbm>>) target(%arg9 : memref<128x64xf32, #tpu.memory_space<vmem>>) offsets(%dma_start3A_5 : memref<128xi32, #tpu.memory_space<vmem>>) semaphore(%arg15 : memref<!tpu.dma_semaphore, #tpu.memory_space<semaphore_mem>>)
    %dma_start3A_9 = arith.constant 1 : i32
    %dma_start3A_10 = arith.constant 0 : i32
    %dma_start3A_11 = tpu.memref_slice %arg7[%dma_start3A_9, %dma_start3A_10] : memref<80x128xi32, #tpu.memory_space<vmem>> -> memref<1x128xi32, #tpu.memory_space<vmem>>
    %dma_start3A_12 = tpu.memref_squeeze %dma_start3A_11 : memref<1x128xi32, #tpu.memory_space<vmem>> -> memref<128xi32, #tpu.memory_space<vmem>>
    %dma_start3A_13 = arith.constant 0 : i32
    %dma_start3A_14 = arith.constant 0 : i32
    %dma_start3A_15 = tpu.memref_slice %arg2[%dma_start3A_13, %dma_start3A_14] : memref<10240x64xf32, #tpu.memory_space<hbm>> -> memref<10240x64xf32, #tpu.memory_space<hbm>>
    tpu.enqueue_indirect_dma source(%dma_start3A_15 : memref<10240x64xf32, #tpu.memory_space<hbm>>) target(%arg10 : memref<128x64xf32, #tpu.memory_space<vmem>>) offsets(%dma_start3A_12 : memref<128xi32, #tpu.memory_space<vmem>>) semaphore(%arg16 : memref<!tpu.dma_semaphore, #tpu.memory_space<semaphore_mem>>)
    %dma_start3A_16 = arith.constant 2 : i32
    %dma_start3A_17 = arith.constant 0 : i32
    %dma_start3A_18 = tpu.memref_slice %arg7[%dma_start3A_16, %dma_start3A_17] : memref<80x128xi32, #tpu.memory_space<vmem>> -> memref<1x128xi32, #tpu.memory_space<vmem>>
    %dma_start3A_19 = tpu.memref_squeeze %dma_start3A_18 : memref<1x128xi32, #tpu.memory_space<vmem>> -> memref<128xi32, #tpu.memory_space<vmem>>
    %dma_start3A_20 = arith.constant 0 : i32
    %dma_start3A_21 = arith.constant 0 : i32
    %dma_start3A_22 = tpu.memref_slice %arg2[%dma_start3A_20, %dma_start3A_21] : memref<10240x64xf32, #tpu.memory_space<hbm>> -> memref<10240x64xf32, #tpu.memory_space<hbm>>
    tpu.enqueue_indirect_dma source(%dma_start3A_22 : memref<10240x64xf32, #tpu.memory_space<hbm>>) target(%arg11 : memref<128x64xf32, #tpu.memory_space<vmem>>) offsets(%dma_start3A_19 : memref<128xi32, #tpu.memory_space<vmem>>) semaphore(%arg17 : memref<!tpu.dma_semaphore, #tpu.memory_space<semaphore_mem>>)
    %dma_wait3A = arith.constant 0 : i32
    %dma_wait3A_23 = arith.constant 0 : i32
    %dma_wait3A_24 = tpu.memref_slice %arg7[%dma_wait3A, %dma_wait3A_23] : memref<80x128xi32, #tpu.memory_space<vmem>> -> memref<1x128xi32, #tpu.memory_space<vmem>>
    %dma_wait3A_25 = tpu.memref_squeeze %dma_wait3A_24 : memref<1x128xi32, #tpu.memory_space<vmem>> -> memref<128xi32, #tpu.memory_space<vmem>>
    %dma_wait3A_26 = arith.constant 0 : i32
    %dma_wait3A_27 = arith.constant 0 : i32
    %dma_wait3A_28 = tpu.memref_slice %arg2[%dma_wait3A_26, %dma_wait3A_27] : memref<10240x64xf32, #tpu.memory_space<hbm>> -> memref<10240x64xf32, #tpu.memory_space<hbm>>
    tpu.wait_indirect_dma semaphore(%arg15 : memref<!tpu.dma_semaphore, #tpu.memory_space<semaphore_mem>>) src(%dma_wait3A_28 : memref<10240x64xf32, #tpu.memory_space<hbm>>) dst(%arg9 : memref<128x64xf32, #tpu.memory_space<vmem>>)
    %dma_start3A_29 = arith.constant 0 : i32
    %dma_start3A_30 = arith.constant 0 : i32
    %dma_start3A_31 = tpu.memref_slice %arg8[%dma_start3A_29, %dma_start3A_30] : memref<80x128xi32, #tpu.memory_space<vmem>> -> memref<1x128xi32, #tpu.memory_space<vmem>>
    %dma_start3A_32 = tpu.memref_squeeze %dma_start3A_31 : memref<1x128xi32, #tpu.memory_space<vmem>> -> memref<128xi32, #tpu.memory_space<vmem>>
    %dma_start3A_33 = arith.constant 0 : i32
    %dma_start3A_34 = arith.constant 0 : i32
    %dma_start3A_35 = tpu.memref_slice %arg27[%dma_start3A_33, %dma_start3A_34] : memref<10240x64xf32, #tpu.memory_space<vmem_shared>> -> memref<10240x64xf32, #tpu.memory_space<vmem_shared>>
    tpu.enqueue_indirect_dma source(%arg9 : memref<128x64xf32, #tpu.memory_space<vmem>>) target(%dma_start3A_35 : memref<10240x64xf32, #tpu.memory_space<vmem_shared>>) offsets(%dma_start3A_32 : memref<128xi32, #tpu.memory_space<vmem>>) semaphore(%arg21 : memref<!tpu.dma_semaphore, #tpu.memory_space<semaphore_mem>>) {add = true}
    %dma_start3A_36 = arith.constant 3 : i32
    %dma_start3A_37 = arith.constant 0 : i32
    %dma_start3A_38 = tpu.memref_slice %arg7[%dma_start3A_36, %dma_start3A_37] : memref<80x128xi32, #tpu.memory_space<vmem>> -> memref<1x128xi32, #tpu.memory_space<vmem>>
    %dma_start3A_39 = tpu.memref_squeeze %dma_start3A_38 : memref<1x128xi32, #tpu.memory_space<vmem>> -> memref<128xi32, #tpu.memory_space<vmem>>
    %dma_start3A_40 = arith.constant 0 : i32
    %dma_start3A_41 = arith.constant 0 : i32
    %dma_start3A_42 = tpu.memref_slice %arg2[%dma_start3A_40, %dma_start3A_41] : memref<10240x64xf32, #tpu.memory_space<hbm>> -> memref<10240x64xf32, #tpu.memory_space<hbm>>
    tpu.enqueue_indirect_dma source(%dma_start3A_42 : memref<10240x64xf32, #tpu.memory_space<hbm>>) target(%arg12 : memref<128x64xf32, #tpu.memory_space<vmem>>) offsets(%dma_start3A_39 : memref<128xi32, #tpu.memory_space<vmem>>) semaphore(%arg18 : memref<!tpu.dma_semaphore, #tpu.memory_space<semaphore_mem>>)
    %dma_wait3A_43 = arith.constant 1 : i32
    %dma_wait3A_44 = arith.constant 0 : i32
    %dma_wait3A_45 = tpu.memref_slice %arg7[%dma_wait3A_43, %dma_wait3A_44] : memref<80x128xi32, #tpu.memory_space<vmem>> -> memref<1x128xi32, #tpu.memory_space<vmem>>
    %dma_wait3A_46 = tpu.memref_squeeze %dma_wait3A_45 : memref<1x128xi32, #tpu.memory_space<vmem>> -> memref<128xi32, #tpu.memory_space<vmem>>
    %dma_wait3A_47 = arith.constant 0 : i32
    %dma_wait3A_48 = arith.constant 0 : i32
    %dma_wait3A_49 = tpu.memref_slice %arg2[%dma_wait3A_47, %dma_wait3A_48] : memref<10240x64xf32, #tpu.memory_space<hbm>> -> memref<10240x64xf32, #tpu.memory_space<hbm>>
    tpu.wait_indirect_dma semaphore(%arg16 : memref<!tpu.dma_semaphore, #tpu.memory_space<semaphore_mem>>) src(%dma_wait3A_49 : memref<10240x64xf32, #tpu.memory_space<hbm>>) dst(%arg10 : memref<128x64xf32, #tpu.memory_space<vmem>>)
    %dma_start3A_50 = arith.constant 1 : i32
    %dma_start3A_51 = arith.constant 0 : i32
    %dma_start3A_52 = tpu.memref_slice %arg8[%dma_start3A_50, %dma_start3A_51] : memref<80x128xi32, #tpu.memory_space<vmem>> -> memref<1x128xi32, #tpu.memory_space<vmem>>
    %dma_start3A_53 = tpu.memref_squeeze %dma_start3A_52 : memref<1x128xi32, #tpu.memory_space<vmem>> -> memref<128xi32, #tpu.memory_space<vmem>>
    %dma_start3A_54 = arith.constant 0 : i32
    %dma_start3A_55 = arith.constant 0 : i32
    %dma_start3A_56 = tpu.memref_slice %arg27[%dma_start3A_54, %dma_start3A_55] : memref<10240x64xf32, #tpu.memory_space<vmem_shared>> -> memref<10240x64xf32, #tpu.memory_space<vmem_shared>>
    tpu.enqueue_indirect_dma source(%arg10 : memref<128x64xf32, #tpu.memory_space<vmem>>) target(%dma_start3A_56 : memref<10240x64xf32, #tpu.memory_space<vmem_shared>>) offsets(%dma_start3A_53 : memref<128xi32, #tpu.memory_space<vmem>>) semaphore(%arg22 : memref<!tpu.dma_semaphore, #tpu.memory_space<semaphore_mem>>) {add = true}
    %dma_start3A_57 = arith.constant 4 : i32
    %dma_start3A_58 = arith.constant 0 : i32
    %dma_start3A_59 = tpu.memref_slice %arg7[%dma_start3A_57, %dma_start3A_58] : memref<80x128xi32, #tpu.memory_space<vmem>> -> memref<1x128xi32, #tpu.memory_space<vmem>>
    %dma_start3A_60 = tpu.memref_squeeze %dma_start3A_59 : memref<1x128xi32, #tpu.memory_space<vmem>> -> memref<128xi32, #tpu.memory_space<vmem>>
    %dma_start3A_61 = arith.constant 0 : i32
    %dma_start3A_62 = arith.constant 0 : i32
    %dma_start3A_63 = tpu.memref_slice %arg2[%dma_start3A_61, %dma_start3A_62] : memref<10240x64xf32, #tpu.memory_space<hbm>> -> memref<10240x64xf32, #tpu.memory_space<hbm>>
    tpu.enqueue_indirect_dma source(%dma_start3A_63 : memref<10240x64xf32, #tpu.memory_space<hbm>>) target(%arg13 : memref<128x64xf32, #tpu.memory_space<vmem>>) offsets(%dma_start3A_60 : memref<128xi32, #tpu.memory_space<vmem>>) semaphore(%arg19 : memref<!tpu.dma_semaphore, #tpu.memory_space<semaphore_mem>>)
    %dma_wait3A_64 = arith.constant 2 : i32
    %dma_wait3A_65 = arith.constant 0 : i32
    %dma_wait3A_66 = tpu.memref_slice %arg7[%dma_wait3A_64, %dma_wait3A_65] : memref<80x128xi32, #tpu.memory_space<vmem>> -> memref<1x128xi32, #tpu.memory_space<vmem>>
    %dma_wait3A_67 = tpu.memref_squeeze %dma_wait3A_66 : memref<1x128xi32, #tpu.memory_space<vmem>> -> memref<128xi32, #tpu.memory_space<vmem>>
    %dma_wait3A_68 = arith.constant 0 : i32
    %dma_wait3A_69 = arith.constant 0 : i32
    %dma_wait3A_70 = tpu.memref_slice %arg2[%dma_wait3A_68, %dma_wait3A_69] : memref<10240x64xf32, #tpu.memory_space<hbm>> -> memref<10240x64xf32, #tpu.memory_space<hbm>>
    tpu.wait_indirect_dma semaphore(%arg17 : memref<!tpu.dma_semaphore, #tpu.memory_space<semaphore_mem>>) src(%dma_wait3A_70 : memref<10240x64xf32, #tpu.memory_space<hbm>>) dst(%arg11 : memref<128x64xf32, #tpu.memory_space<vmem>>)
    %dma_start3A_71 = arith.constant 2 : i32
    %dma_start3A_72 = arith.constant 0 : i32
    %dma_start3A_73 = tpu.memref_slice %arg8[%dma_start3A_71, %dma_start3A_72] : memref<80x128xi32, #tpu.memory_space<vmem>> -> memref<1x128xi32, #tpu.memory_space<vmem>>
    %dma_start3A_74 = tpu.memref_squeeze %dma_start3A_73 : memref<1x128xi32, #tpu.memory_space<vmem>> -> memref<128xi32, #tpu.memory_space<vmem>>
    %dma_start3A_75 = arith.constant 0 : i32
    %dma_start3A_76 = arith.constant 0 : i32
    %dma_start3A_77 = tpu.memref_slice %arg27[%dma_start3A_75, %dma_start3A_76] : memref<10240x64xf32, #tpu.memory_space<vmem_shared>> -> memref<10240x64xf32, #tpu.memory_space<vmem_shared>>
    tpu.enqueue_indirect_dma source(%arg11 : memref<128x64xf32, #tpu.memory_space<vmem>>) target(%dma_start3A_77 : memref<10240x64xf32, #tpu.memory_space<vmem_shared>>) offsets(%dma_start3A_74 : memref<128xi32, #tpu.memory_space<vmem>>) semaphore(%arg23 : memref<!tpu.dma_semaphore, #tpu.memory_space<semaphore_mem>>) {add = true}
    %dma_start3A_78 = arith.constant 5 : i32
    %dma_start3A_79 = arith.constant 0 : i32
    %dma_start3A_80 = tpu.memref_slice %arg7[%dma_start3A_78, %dma_start3A_79] : memref<80x128xi32, #tpu.memory_space<vmem>> -> memref<1x128xi32, #tpu.memory_space<vmem>>
    %dma_start3A_81 = tpu.memref_squeeze %dma_start3A_80 : memref<1x128xi32, #tpu.memory_space<vmem>> -> memref<128xi32, #tpu.memory_space<vmem>>
    %dma_start3A_82 = arith.constant 0 : i32
    %dma_start3A_83 = arith.constant 0 : i32
    %dma_start3A_84 = tpu.memref_slice %arg2[%dma_start3A_82, %dma_start3A_83] : memref<10240x64xf32, #tpu.memory_space<hbm>> -> memref<10240x64xf32, #tpu.memory_space<hbm>>
    tpu.enqueue_indirect_dma source(%dma_start3A_84 : memref<10240x64xf32, #tpu.memory_space<hbm>>) target(%arg14 : memref<128x64xf32, #tpu.memory_space<vmem>>) offsets(%dma_start3A_81 : memref<128xi32, #tpu.memory_space<vmem>>) semaphore(%arg20 : memref<!tpu.dma_semaphore, #tpu.memory_space<semaphore_mem>>)
    %scan3A = arith.constant 0 : i32
    %scan3A_85 = arith.constant 0 : i32
    %scan3A_86 = arith.constant 12 : i32
    %scan3A_87 = arith.addi %scan3A_85, %scan3A_86 : i32
    %scan3A_88 = arith.constant 1 : i32
    scf.for %scan3A_237 = %scan3A_85 to %scan3A_87 step %scan3A_88  : i32 {
      %mul3A_238 = arith.constant 6 : i32
      %mul3A_239 = arith.muli %mul3A_238, %scan3A_237 : i32
      %add3A_240 = arith.constant 3 : i32
      %add3A_241 = arith.addi %add3A_240, %mul3A_239 : i32
      %add3A_242 = arith.constant 0 : i32
      %add3A_243 = arith.addi %add3A_241, %add3A_242 : i32
      %dma_wait3A_244 = arith.constant 0 : i32
      %dma_wait3A_245 = tpu.memref_slice %arg7[%add3A_243, %dma_wait3A_244] : memref<80x128xi32, #tpu.memory_space<vmem>> -> memref<1x128xi32, #tpu.memory_space<vmem>>
      %dma_wait3A_246 = tpu.memref_squeeze %dma_wait3A_245 : memref<1x128xi32, #tpu.memory_space<vmem>> -> memref<128xi32, #tpu.memory_space<vmem>>
      %dma_wait3A_247 = arith.constant 0 : i32
      %dma_wait3A_248 = arith.constant 0 : i32
      %dma_wait3A_249 = tpu.memref_slice %arg2[%dma_wait3A_247, %dma_wait3A_248] : memref<10240x64xf32, #tpu.memory_space<hbm>> -> memref<10240x64xf32, #tpu.memory_space<hbm>>
      tpu.wait_indirect_dma semaphore(%arg18 : memref<!tpu.dma_semaphore, #tpu.memory_space<semaphore_mem>>) src(%dma_wait3A_249 : memref<10240x64xf32, #tpu.memory_space<hbm>>) dst(%arg12 : memref<128x64xf32, #tpu.memory_space<vmem>>)
      %dma_start3A_250 = arith.constant 0 : i32
      %dma_start3A_251 = tpu.memref_slice %arg8[%add3A_243, %dma_start3A_250] : memref<80x128xi32, #tpu.memory_space<vmem>> -> memref<1x128xi32, #tpu.memory_space<vmem>>
      %dma_start3A_252 = tpu.memref_squeeze %dma_start3A_251 : memref<1x128xi32, #tpu.memory_space<vmem>> -> memref<128xi32, #tpu.memory_space<vmem>>
      %dma_start3A_253 = arith.constant 0 : i32
      %dma_start3A_254 = arith.constant 0 : i32
      %dma_start3A_255 = tpu.memref_slice %arg27[%dma_start3A_253, %dma_start3A_254] : memref<10240x64xf32, #tpu.memory_space<vmem_shared>> -> memref<10240x64xf32, #tpu.memory_space<vmem_shared>>
      tpu.enqueue_indirect_dma source(%arg12 : memref<128x64xf32, #tpu.memory_space<vmem>>) target(%dma_start3A_255 : memref<10240x64xf32, #tpu.memory_space<vmem_shared>>) offsets(%dma_start3A_252 : memref<128xi32, #tpu.memory_space<vmem>>) semaphore(%arg24 : memref<!tpu.dma_semaphore, #tpu.memory_space<semaphore_mem>>) {add = true}
      %sub3A = arith.constant 3 : i32
      %sub3A_256 = arith.subi %add3A_243, %sub3A : i32
      %dma_wait3A_257 = arith.constant 0 : i32
      %dma_wait3A_258 = tpu.memref_slice %arg8[%sub3A_256, %dma_wait3A_257] : memref<80x128xi32, #tpu.memory_space<vmem>> -> memref<1x128xi32, #tpu.memory_space<vmem>>
      %dma_wait3A_259 = tpu.memref_squeeze %dma_wait3A_258 : memref<1x128xi32, #tpu.memory_space<vmem>> -> memref<128xi32, #tpu.memory_space<vmem>>
      %dma_wait3A_260 = arith.constant 0 : i32
      %dma_wait3A_261 = arith.constant 0 : i32
      %dma_wait3A_262 = tpu.memref_slice %arg27[%dma_wait3A_260, %dma_wait3A_261] : memref<10240x64xf32, #tpu.memory_space<vmem_shared>> -> memref<10240x64xf32, #tpu.memory_space<vmem_shared>>
      tpu.wait_indirect_dma semaphore(%arg21 : memref<!tpu.dma_semaphore, #tpu.memory_space<semaphore_mem>>) src(%arg9 : memref<128x64xf32, #tpu.memory_space<vmem>>) dst(%dma_wait3A_262 : memref<10240x64xf32, #tpu.memory_space<vmem_shared>>)
      %add3A_263 = arith.constant 3 : i32
      %add3A_264 = arith.addi %add3A_243, %add3A_263 : i32
      %dma_start3A_265 = arith.constant 0 : i32
      %dma_start3A_266 = tpu.memref_slice %arg7[%add3A_264, %dma_start3A_265] : memref<80x128xi32, #tpu.memory_space<vmem>> -> memref<1x128xi32, #tpu.memory_space<vmem>>
      %dma_start3A_267 = tpu.memref_squeeze %dma_start3A_266 : memref<1x128xi32, #tpu.memory_space<vmem>> -> memref<128xi32, #tpu.memory_space<vmem>>
      %dma_start3A_268 = arith.constant 0 : i32
      %dma_start3A_269 = arith.constant 0 : i32
      %dma_start3A_270 = tpu.memref_slice %arg2[%dma_start3A_268, %dma_start3A_269] : memref<10240x64xf32, #tpu.memory_space<hbm>> -> memref<10240x64xf32, #tpu.memory_space<hbm>>
      tpu.enqueue_indirect_dma source(%dma_start3A_270 : memref<10240x64xf32, #tpu.memory_space<hbm>>) target(%arg9 : memref<128x64xf32, #tpu.memory_space<vmem>>) offsets(%dma_start3A_267 : memref<128xi32, #tpu.memory_space<vmem>>) semaphore(%arg15 : memref<!tpu.dma_semaphore, #tpu.memory_space<semaphore_mem>>)
      %add3A_271 = arith.constant 1 : i32
      %add3A_272 = arith.addi %add3A_241, %add3A_271 : i32
      %dma_wait3A_273 = arith.constant 0 : i32
      %dma_wait3A_274 = tpu.memref_slice %arg7[%add3A_272, %dma_wait3A_273] : memref<80x128xi32, #tpu.memory_space<vmem>> -> memref<1x128xi32, #tpu.memory_space<vmem>>
      %dma_wait3A_275 = tpu.memref_squeeze %dma_wait3A_274 : memref<1x128xi32, #tpu.memory_space<vmem>> -> memref<128xi32, #tpu.memory_space<vmem>>
      %dma_wait3A_276 = arith.constant 0 : i32
      %dma_wait3A_277 = arith.constant 0 : i32
      %dma_wait3A_278 = tpu.memref_slice %arg2[%dma_wait3A_276, %dma_wait3A_277] : memref<10240x64xf32, #tpu.memory_space<hbm>> -> memref<10240x64xf32, #tpu.memory_space<hbm>>
      tpu.wait_indirect_dma semaphore(%arg19 : memref<!tpu.dma_semaphore, #tpu.memory_space<semaphore_mem>>) src(%dma_wait3A_278 : memref<10240x64xf32, #tpu.memory_space<hbm>>) dst(%arg13 : memref<128x64xf32, #tpu.memory_space<vmem>>)
      %dma_start3A_279 = arith.constant 0 : i32
      %dma_start3A_280 = tpu.memref_slice %arg8[%add3A_272, %dma_start3A_279] : memref<80x128xi32, #tpu.memory_space<vmem>> -> memref<1x128xi32, #tpu.memory_space<vmem>>
      %dma_start3A_281 = tpu.memref_squeeze %dma_start3A_280 : memref<1x128xi32, #tpu.memory_space<vmem>> -> memref<128xi32, #tpu.memory_space<vmem>>
      %dma_start3A_282 = arith.constant 0 : i32
      %dma_start3A_283 = arith.constant 0 : i32
      %dma_start3A_284 = tpu.memref_slice %arg27[%dma_start3A_282, %dma_start3A_283] : memref<10240x64xf32, #tpu.memory_space<vmem_shared>> -> memref<10240x64xf32, #tpu.memory_space<vmem_shared>>
      tpu.enqueue_indirect_dma source(%arg13 : memref<128x64xf32, #tpu.memory_space<vmem>>) target(%dma_start3A_284 : memref<10240x64xf32, #tpu.memory_space<vmem_shared>>) offsets(%dma_start3A_281 : memref<128xi32, #tpu.memory_space<vmem>>) semaphore(%arg25 : memref<!tpu.dma_semaphore, #tpu.memory_space<semaphore_mem>>) {add = true}
      %sub3A_285 = arith.constant 3 : i32
      %sub3A_286 = arith.subi %add3A_272, %sub3A_285 : i32
      %dma_wait3A_287 = arith.constant 0 : i32
      %dma_wait3A_288 = tpu.memref_slice %arg8[%sub3A_286, %dma_wait3A_287] : memref<80x128xi32, #tpu.memory_space<vmem>> -> memref<1x128xi32, #tpu.memory_space<vmem>>
      %dma_wait3A_289 = tpu.memref_squeeze %dma_wait3A_288 : memref<1x128xi32, #tpu.memory_space<vmem>> -> memref<128xi32, #tpu.memory_space<vmem>>
      %dma_wait3A_290 = arith.constant 0 : i32
      %dma_wait3A_291 = arith.constant 0 : i32
      %dma_wait3A_292 = tpu.memref_slice %arg27[%dma_wait3A_290, %dma_wait3A_291] : memref<10240x64xf32, #tpu.memory_space<vmem_shared>> -> memref<10240x64xf32, #tpu.memory_space<vmem_shared>>
      tpu.wait_indirect_dma semaphore(%arg22 : memref<!tpu.dma_semaphore, #tpu.memory_space<semaphore_mem>>) src(%arg10 : memref<128x64xf32, #tpu.memory_space<vmem>>) dst(%dma_wait3A_292 : memref<10240x64xf32, #tpu.memory_space<vmem_shared>>)
      %add3A_293 = arith.constant 3 : i32
      %add3A_294 = arith.addi %add3A_272, %add3A_293 : i32
      %dma_start3A_295 = arith.constant 0 : i32
      %dma_start3A_296 = tpu.memref_slice %arg7[%add3A_294, %dma_start3A_295] : memref<80x128xi32, #tpu.memory_space<vmem>> -> memref<1x128xi32, #tpu.memory_space<vmem>>
      %dma_start3A_297 = tpu.memref_squeeze %dma_start3A_296 : memref<1x128xi32, #tpu.memory_space<vmem>> -> memref<128xi32, #tpu.memory_space<vmem>>
      %dma_start3A_298 = arith.constant 0 : i32
      %dma_start3A_299 = arith.constant 0 : i32
      %dma_start3A_300 = tpu.memref_slice %arg2[%dma_start3A_298, %dma_start3A_299] : memref<10240x64xf32, #tpu.memory_space<hbm>> -> memref<10240x64xf32, #tpu.memory_space<hbm>>
      tpu.enqueue_indirect_dma source(%dma_start3A_300 : memref<10240x64xf32, #tpu.memory_space<hbm>>) target(%arg10 : memref<128x64xf32, #tpu.memory_space<vmem>>) offsets(%dma_start3A_297 : memref<128xi32, #tpu.memory_space<vmem>>) semaphore(%arg16 : memref<!tpu.dma_semaphore, #tpu.memory_space<semaphore_mem>>)
      %add3A_301 = arith.constant 2 : i32
      %add3A_302 = arith.addi %add3A_241, %add3A_301 : i32
      %dma_wait3A_303 = arith.constant 0 : i32
      %dma_wait3A_304 = tpu.memref_slice %arg7[%add3A_302, %dma_wait3A_303] : memref<80x128xi32, #tpu.memory_space<vmem>> -> memref<1x128xi32, #tpu.memory_space<vmem>>
      %dma_wait3A_305 = tpu.memref_squeeze %dma_wait3A_304 : memref<1x128xi32, #tpu.memory_space<vmem>> -> memref<128xi32, #tpu.memory_space<vmem>>
      %dma_wait3A_306 = arith.constant 0 : i32
      %dma_wait3A_307 = arith.constant 0 : i32
      %dma_wait3A_308 = tpu.memref_slice %arg2[%dma_wait3A_306, %dma_wait3A_307] : memref<10240x64xf32, #tpu.memory_space<hbm>> -> memref<10240x64xf32, #tpu.memory_space<hbm>>
      tpu.wait_indirect_dma semaphore(%arg20 : memref<!tpu.dma_semaphore, #tpu.memory_space<semaphore_mem>>) src(%dma_wait3A_308 : memref<10240x64xf32, #tpu.memory_space<hbm>>) dst(%arg14 : memref<128x64xf32, #tpu.memory_space<vmem>>)
      %dma_start3A_309 = arith.constant 0 : i32
      %dma_start3A_310 = tpu.memref_slice %arg8[%add3A_302, %dma_start3A_309] : memref<80x128xi32, #tpu.memory_space<vmem>> -> memref<1x128xi32, #tpu.memory_space<vmem>>
      %dma_start3A_311 = tpu.memref_squeeze %dma_start3A_310 : memref<1x128xi32, #tpu.memory_space<vmem>> -> memref<128xi32, #tpu.memory_space<vmem>>
      %dma_start3A_312 = arith.constant 0 : i32
      %dma_start3A_313 = arith.constant 0 : i32
      %dma_start3A_314 = tpu.memref_slice %arg27[%dma_start3A_312, %dma_start3A_313] : memref<10240x64xf32, #tpu.memory_space<vmem_shared>> -> memref<10240x64xf32, #tpu.memory_space<vmem_shared>>
      tpu.enqueue_indirect_dma source(%arg14 : memref<128x64xf32, #tpu.memory_space<vmem>>) target(%dma_start3A_314 : memref<10240x64xf32, #tpu.memory_space<vmem_shared>>) offsets(%dma_start3A_311 : memref<128xi32, #tpu.memory_space<vmem>>) semaphore(%arg26 : memref<!tpu.dma_semaphore, #tpu.memory_space<semaphore_mem>>) {add = true}
      %sub3A_315 = arith.constant 3 : i32
      %sub3A_316 = arith.subi %add3A_302, %sub3A_315 : i32
      %dma_wait3A_317 = arith.constant 0 : i32
      %dma_wait3A_318 = tpu.memref_slice %arg8[%sub3A_316, %dma_wait3A_317] : memref<80x128xi32, #tpu.memory_space<vmem>> -> memref<1x128xi32, #tpu.memory_space<vmem>>
      %dma_wait3A_319 = tpu.memref_squeeze %dma_wait3A_318 : memref<1x128xi32, #tpu.memory_space<vmem>> -> memref<128xi32, #tpu.memory_space<vmem>>
      %dma_wait3A_320 = arith.constant 0 : i32
      %dma_wait3A_321 = arith.constant 0 : i32
      %dma_wait3A_322 = tpu.memref_slice %arg27[%dma_wait3A_320, %dma_wait3A_321] : memref<10240x64xf32, #tpu.memory_space<vmem_shared>> -> memref<10240x64xf32, #tpu.memory_space<vmem_shared>>
      tpu.wait_indirect_dma semaphore(%arg23 : memref<!tpu.dma_semaphore, #tpu.memory_space<semaphore_mem>>) src(%arg11 : memref<128x64xf32, #tpu.memory_space<vmem>>) dst(%dma_wait3A_322 : memref<10240x64xf32, #tpu.memory_space<vmem_shared>>)
      %add3A_323 = arith.constant 3 : i32
      %add3A_324 = arith.addi %add3A_302, %add3A_323 : i32
      %dma_start3A_325 = arith.constant 0 : i32
      %dma_start3A_326 = tpu.memref_slice %arg7[%add3A_324, %dma_start3A_325] : memref<80x128xi32, #tpu.memory_space<vmem>> -> memref<1x128xi32, #tpu.memory_space<vmem>>
      %dma_start3A_327 = tpu.memref_squeeze %dma_start3A_326 : memref<1x128xi32, #tpu.memory_space<vmem>> -> memref<128xi32, #tpu.memory_space<vmem>>
      %dma_start3A_328 = arith.constant 0 : i32
      %dma_start3A_329 = arith.constant 0 : i32
      %dma_start3A_330 = tpu.memref_slice %arg2[%dma_start3A_328, %dma_start3A_329] : memref<10240x64xf32, #tpu.memory_space<hbm>> -> memref<10240x64xf32, #tpu.memory_space<hbm>>
      tpu.enqueue_indirect_dma source(%dma_start3A_330 : memref<10240x64xf32, #tpu.memory_space<hbm>>) target(%arg11 : memref<128x64xf32, #tpu.memory_space<vmem>>) offsets(%dma_start3A_327 : memref<128xi32, #tpu.memory_space<vmem>>) semaphore(%arg17 : memref<!tpu.dma_semaphore, #tpu.memory_space<semaphore_mem>>)
      %add3A_331 = arith.constant 3 : i32
      %add3A_332 = arith.addi %add3A_241, %add3A_331 : i32
      %dma_wait3A_333 = arith.constant 0 : i32
      %dma_wait3A_334 = tpu.memref_slice %arg7[%add3A_332, %dma_wait3A_333] : memref<80x128xi32, #tpu.memory_space<vmem>> -> memref<1x128xi32, #tpu.memory_space<vmem>>
      %dma_wait3A_335 = tpu.memref_squeeze %dma_wait3A_334 : memref<1x128xi32, #tpu.memory_space<vmem>> -> memref<128xi32, #tpu.memory_space<vmem>>
      %dma_wait3A_336 = arith.constant 0 : i32
      %dma_wait3A_337 = arith.constant 0 : i32
      %dma_wait3A_338 = tpu.memref_slice %arg2[%dma_wait3A_336, %dma_wait3A_337] : memref<10240x64xf32, #tpu.memory_space<hbm>> -> memref<10240x64xf32, #tpu.memory_space<hbm>>
      tpu.wait_indirect_dma semaphore(%arg15 : memref<!tpu.dma_semaphore, #tpu.memory_space<semaphore_mem>>) src(%dma_wait3A_338 : memref<10240x64xf32, #tpu.memory_space<hbm>>) dst(%arg9 : memref<128x64xf32, #tpu.memory_space<vmem>>)
      %dma_start3A_339 = arith.constant 0 : i32
      %dma_start3A_340 = tpu.memref_slice %arg8[%add3A_332, %dma_start3A_339] : memref<80x128xi32, #tpu.memory_space<vmem>> -> memref<1x128xi32, #tpu.memory_space<vmem>>
      %dma_start3A_341 = tpu.memref_squeeze %dma_start3A_340 : memref<1x128xi32, #tpu.memory_space<vmem>> -> memref<128xi32, #tpu.memory_space<vmem>>
      %dma_start3A_342 = arith.constant 0 : i32
      %dma_start3A_343 = arith.constant 0 : i32
      %dma_start3A_344 = tpu.memref_slice %arg27[%dma_start3A_342, %dma_start3A_343] : memref<10240x64xf32, #tpu.memory_space<vmem_shared>> -> memref<10240x64xf32, #tpu.memory_space<vmem_shared>>
      tpu.enqueue_indirect_dma source(%arg9 : memref<128x64xf32, #tpu.memory_space<vmem>>) target(%dma_start3A_344 : memref<10240x64xf32, #tpu.memory_space<vmem_shared>>) offsets(%dma_start3A_341 : memref<128xi32, #tpu.memory_space<vmem>>) semaphore(%arg21 : memref<!tpu.dma_semaphore, #tpu.memory_space<semaphore_mem>>) {add = true}
      %sub3A_345 = arith.constant 3 : i32
      %sub3A_346 = arith.subi %add3A_332, %sub3A_345 : i32
      %dma_wait3A_347 = arith.constant 0 : i32
      %dma_wait3A_348 = tpu.memref_slice %arg8[%sub3A_346, %dma_wait3A_347] : memref<80x128xi32, #tpu.memory_space<vmem>> -> memref<1x128xi32, #tpu.memory_space<vmem>>
      %dma_wait3A_349 = tpu.memref_squeeze %dma_wait3A_348 : memref<1x128xi32, #tpu.memory_space<vmem>> -> memref<128xi32, #tpu.memory_space<vmem>>
      %dma_wait3A_350 = arith.constant 0 : i32
      %dma_wait3A_351 = arith.constant 0 : i32
      %dma_wait3A_352 = tpu.memref_slice %arg27[%dma_wait3A_350, %dma_wait3A_351] : memref<10240x64xf32, #tpu.memory_space<vmem_shared>> -> memref<10240x64xf32, #tpu.memory_space<vmem_shared>>
      tpu.wait_indirect_dma semaphore(%arg24 : memref<!tpu.dma_semaphore, #tpu.memory_space<semaphore_mem>>) src(%arg12 : memref<128x64xf32, #tpu.memory_space<vmem>>) dst(%dma_wait3A_352 : memref<10240x64xf32, #tpu.memory_space<vmem_shared>>)
      %add3A_353 = arith.constant 3 : i32
      %add3A_354 = arith.addi %add3A_332, %add3A_353 : i32
      %dma_start3A_355 = arith.constant 0 : i32
      %dma_start3A_356 = tpu.memref_slice %arg7[%add3A_354, %dma_start3A_355] : memref<80x128xi32, #tpu.memory_space<vmem>> -> memref<1x128xi32, #tpu.memory_space<vmem>>
      %dma_start3A_357 = tpu.memref_squeeze %dma_start3A_356 : memref<1x128xi32, #tpu.memory_space<vmem>> -> memref<128xi32, #tpu.memory_space<vmem>>
      %dma_start3A_358 = arith.constant 0 : i32
      %dma_start3A_359 = arith.constant 0 : i32
      %dma_start3A_360 = tpu.memref_slice %arg2[%dma_start3A_358, %dma_start3A_359] : memref<10240x64xf32, #tpu.memory_space<hbm>> -> memref<10240x64xf32, #tpu.memory_space<hbm>>
      tpu.enqueue_indirect_dma source(%dma_start3A_360 : memref<10240x64xf32, #tpu.memory_space<hbm>>) target(%arg12 : memref<128x64xf32, #tpu.memory_space<vmem>>) offsets(%dma_start3A_357 : memref<128xi32, #tpu.memory_space<vmem>>) semaphore(%arg18 : memref<!tpu.dma_semaphore, #tpu.memory_space<semaphore_mem>>)
      %add3A_361 = arith.constant 4 : i32
      %add3A_362 = arith.addi %add3A_241, %add3A_361 : i32
      %dma_wait3A_363 = arith.constant 0 : i32
      %dma_wait3A_364 = tpu.memref_slice %arg7[%add3A_362, %dma_wait3A_363] : memref<80x128xi32, #tpu.memory_space<vmem>> -> memref<1x128xi32, #tpu.memory_space<vmem>>
      %dma_wait3A_365 = tpu.memref_squeeze %dma_wait3A_364 : memref<1x128xi32, #tpu.memory_space<vmem>> -> memref<128xi32, #tpu.memory_space<vmem>>
      %dma_wait3A_366 = arith.constant 0 : i32
      %dma_wait3A_367 = arith.constant 0 : i32
      %dma_wait3A_368 = tpu.memref_slice %arg2[%dma_wait3A_366, %dma_wait3A_367] : memref<10240x64xf32, #tpu.memory_space<hbm>> -> memref<10240x64xf32, #tpu.memory_space<hbm>>
      tpu.wait_indirect_dma semaphore(%arg16 : memref<!tpu.dma_semaphore, #tpu.memory_space<semaphore_mem>>) src(%dma_wait3A_368 : memref<10240x64xf32, #tpu.memory_space<hbm>>) dst(%arg10 : memref<128x64xf32, #tpu.memory_space<vmem>>)
      %dma_start3A_369 = arith.constant 0 : i32
      %dma_start3A_370 = tpu.memref_slice %arg8[%add3A_362, %dma_start3A_369] : memref<80x128xi32, #tpu.memory_space<vmem>> -> memref<1x128xi32, #tpu.memory_space<vmem>>
      %dma_start3A_371 = tpu.memref_squeeze %dma_start3A_370 : memref<1x128xi32, #tpu.memory_space<vmem>> -> memref<128xi32, #tpu.memory_space<vmem>>
      %dma_start3A_372 = arith.constant 0 : i32
      %dma_start3A_373 = arith.constant 0 : i32
      %dma_start3A_374 = tpu.memref_slice %arg27[%dma_start3A_372, %dma_start3A_373] : memref<10240x64xf32, #tpu.memory_space<vmem_shared>> -> memref<10240x64xf32, #tpu.memory_space<vmem_shared>>
      tpu.enqueue_indirect_dma source(%arg10 : memref<128x64xf32, #tpu.memory_space<vmem>>) target(%dma_start3A_374 : memref<10240x64xf32, #tpu.memory_space<vmem_shared>>) offsets(%dma_start3A_371 : memref<128xi32, #tpu.memory_space<vmem>>) semaphore(%arg22 : memref<!tpu.dma_semaphore, #tpu.memory_space<semaphore_mem>>) {add = true}
      %sub3A_375 = arith.constant 3 : i32
      %sub3A_376 = arith.subi %add3A_362, %sub3A_375 : i32
      %dma_wait3A_377 = arith.constant 0 : i32
      %dma_wait3A_378 = tpu.memref_slice %arg8[%sub3A_376, %dma_wait3A_377] : memref<80x128xi32, #tpu.memory_space<vmem>> -> memref<1x128xi32, #tpu.memory_space<vmem>>
      %dma_wait3A_379 = tpu.memref_squeeze %dma_wait3A_378 : memref<1x128xi32, #tpu.memory_space<vmem>> -> memref<128xi32, #tpu.memory_space<vmem>>
      %dma_wait3A_380 = arith.constant 0 : i32
      %dma_wait3A_381 = arith.constant 0 : i32
      %dma_wait3A_382 = tpu.memref_slice %arg27[%dma_wait3A_380, %dma_wait3A_381] : memref<10240x64xf32, #tpu.memory_space<vmem_shared>> -> memref<10240x64xf32, #tpu.memory_space<vmem_shared>>
      tpu.wait_indirect_dma semaphore(%arg25 : memref<!tpu.dma_semaphore, #tpu.memory_space<semaphore_mem>>) src(%arg13 : memref<128x64xf32, #tpu.memory_space<vmem>>) dst(%dma_wait3A_382 : memref<10240x64xf32, #tpu.memory_space<vmem_shared>>)
      %add3A_383 = arith.constant 3 : i32
      %add3A_384 = arith.addi %add3A_362, %add3A_383 : i32
      %dma_start3A_385 = arith.constant 0 : i32
      %dma_start3A_386 = tpu.memref_slice %arg7[%add3A_384, %dma_start3A_385] : memref<80x128xi32, #tpu.memory_space<vmem>> -> memref<1x128xi32, #tpu.memory_space<vmem>>
      %dma_start3A_387 = tpu.memref_squeeze %dma_start3A_386 : memref<1x128xi32, #tpu.memory_space<vmem>> -> memref<128xi32, #tpu.memory_space<vmem>>
      %dma_start3A_388 = arith.constant 0 : i32
      %dma_start3A_389 = arith.constant 0 : i32
      %dma_start3A_390 = tpu.memref_slice %arg2[%dma_start3A_388, %dma_start3A_389] : memref<10240x64xf32, #tpu.memory_space<hbm>> -> memref<10240x64xf32, #tpu.memory_space<hbm>>
      tpu.enqueue_indirect_dma source(%dma_start3A_390 : memref<10240x64xf32, #tpu.memory_space<hbm>>) target(%arg13 : memref<128x64xf32, #tpu.memory_space<vmem>>) offsets(%dma_start3A_387 : memref<128xi32, #tpu.memory_space<vmem>>) semaphore(%arg19 : memref<!tpu.dma_semaphore, #tpu.memory_space<semaphore_mem>>)
      %add3A_391 = arith.constant 5 : i32
      %add3A_392 = arith.addi %add3A_241, %add3A_391 : i32
      %dma_wait3A_393 = arith.constant 0 : i32
      %dma_wait3A_394 = tpu.memref_slice %arg7[%add3A_392, %dma_wait3A_393] : memref<80x128xi32, #tpu.memory_space<vmem>> -> memref<1x128xi32, #tpu.memory_space<vmem>>
      %dma_wait3A_395 = tpu.memref_squeeze %dma_wait3A_394 : memref<1x128xi32, #tpu.memory_space<vmem>> -> memref<128xi32, #tpu.memory_space<vmem>>
      %dma_wait3A_396 = arith.constant 0 : i32
      %dma_wait3A_397 = arith.constant 0 : i32
      %dma_wait3A_398 = tpu.memref_slice %arg2[%dma_wait3A_396, %dma_wait3A_397] : memref<10240x64xf32, #tpu.memory_space<hbm>> -> memref<10240x64xf32, #tpu.memory_space<hbm>>
      tpu.wait_indirect_dma semaphore(%arg17 : memref<!tpu.dma_semaphore, #tpu.memory_space<semaphore_mem>>) src(%dma_wait3A_398 : memref<10240x64xf32, #tpu.memory_space<hbm>>) dst(%arg11 : memref<128x64xf32, #tpu.memory_space<vmem>>)
      %dma_start3A_399 = arith.constant 0 : i32
      %dma_start3A_400 = tpu.memref_slice %arg8[%add3A_392, %dma_start3A_399] : memref<80x128xi32, #tpu.memory_space<vmem>> -> memref<1x128xi32, #tpu.memory_space<vmem>>
      %dma_start3A_401 = tpu.memref_squeeze %dma_start3A_400 : memref<1x128xi32, #tpu.memory_space<vmem>> -> memref<128xi32, #tpu.memory_space<vmem>>
      %dma_start3A_402 = arith.constant 0 : i32
      %dma_start3A_403 = arith.constant 0 : i32
      %dma_start3A_404 = tpu.memref_slice %arg27[%dma_start3A_402, %dma_start3A_403] : memref<10240x64xf32, #tpu.memory_space<vmem_shared>> -> memref<10240x64xf32, #tpu.memory_space<vmem_shared>>
      tpu.enqueue_indirect_dma source(%arg11 : memref<128x64xf32, #tpu.memory_space<vmem>>) target(%dma_start3A_404 : memref<10240x64xf32, #tpu.memory_space<vmem_shared>>) offsets(%dma_start3A_401 : memref<128xi32, #tpu.memory_space<vmem>>) semaphore(%arg23 : memref<!tpu.dma_semaphore, #tpu.memory_space<semaphore_mem>>) {add = true}
      %sub3A_405 = arith.constant 3 : i32
      %sub3A_406 = arith.subi %add3A_392, %sub3A_405 : i32
      %dma_wait3A_407 = arith.constant 0 : i32
      %dma_wait3A_408 = tpu.memref_slice %arg8[%sub3A_406, %dma_wait3A_407] : memref<80x128xi32, #tpu.memory_space<vmem>> -> memref<1x128xi32, #tpu.memory_space<vmem>>
      %dma_wait3A_409 = tpu.memref_squeeze %dma_wait3A_408 : memref<1x128xi32, #tpu.memory_space<vmem>> -> memref<128xi32, #tpu.memory_space<vmem>>
      %dma_wait3A_410 = arith.constant 0 : i32
      %dma_wait3A_411 = arith.constant 0 : i32
      %dma_wait3A_412 = tpu.memref_slice %arg27[%dma_wait3A_410, %dma_wait3A_411] : memref<10240x64xf32, #tpu.memory_space<vmem_shared>> -> memref<10240x64xf32, #tpu.memory_space<vmem_shared>>
      tpu.wait_indirect_dma semaphore(%arg26 : memref<!tpu.dma_semaphore, #tpu.memory_space<semaphore_mem>>) src(%arg14 : memref<128x64xf32, #tpu.memory_space<vmem>>) dst(%dma_wait3A_412 : memref<10240x64xf32, #tpu.memory_space<vmem_shared>>)
      %add3A_413 = arith.constant 3 : i32
      %add3A_414 = arith.addi %add3A_392, %add3A_413 : i32
      %dma_start3A_415 = arith.constant 0 : i32
      %dma_start3A_416 = tpu.memref_slice %arg7[%add3A_414, %dma_start3A_415] : memref<80x128xi32, #tpu.memory_space<vmem>> -> memref<1x128xi32, #tpu.memory_space<vmem>>
      %dma_start3A_417 = tpu.memref_squeeze %dma_start3A_416 : memref<1x128xi32, #tpu.memory_space<vmem>> -> memref<128xi32, #tpu.memory_space<vmem>>
      %dma_start3A_418 = arith.constant 0 : i32
      %dma_start3A_419 = arith.constant 0 : i32
      %dma_start3A_420 = tpu.memref_slice %arg2[%dma_start3A_418, %dma_start3A_419] : memref<10240x64xf32, #tpu.memory_space<hbm>> -> memref<10240x64xf32, #tpu.memory_space<hbm>>
      tpu.enqueue_indirect_dma source(%dma_start3A_420 : memref<10240x64xf32, #tpu.memory_space<hbm>>) target(%arg14 : memref<128x64xf32, #tpu.memory_space<vmem>>) offsets(%dma_start3A_417 : memref<128xi32, #tpu.memory_space<vmem>>) semaphore(%arg20 : memref<!tpu.dma_semaphore, #tpu.memory_space<semaphore_mem>>)
    }
    %scan3A_89 = arith.constant 12 : i32
    %dma_wait3A_90 = arith.constant 75 : i32
    %dma_wait3A_91 = arith.constant 0 : i32
    %dma_wait3A_92 = tpu.memref_slice %arg7[%dma_wait3A_90, %dma_wait3A_91] : memref<80x128xi32, #tpu.memory_space<vmem>> -> memref<1x128xi32, #tpu.memory_space<vmem>>
    %dma_wait3A_93 = tpu.memref_squeeze %dma_wait3A_92 : memref<1x128xi32, #tpu.memory_space<vmem>> -> memref<128xi32, #tpu.memory_space<vmem>>
    %dma_wait3A_94 = arith.constant 0 : i32
    %dma_wait3A_95 = arith.constant 0 : i32
    %dma_wait3A_96 = tpu.memref_slice %arg2[%dma_wait3A_94, %dma_wait3A_95] : memref<10240x64xf32, #tpu.memory_space<hbm>> -> memref<10240x64xf32, #tpu.memory_space<hbm>>
    tpu.wait_indirect_dma semaphore(%arg18 : memref<!tpu.dma_semaphore, #tpu.memory_space<semaphore_mem>>) src(%dma_wait3A_96 : memref<10240x64xf32, #tpu.memory_space<hbm>>) dst(%arg12 : memref<128x64xf32, #tpu.memory_space<vmem>>)
    %dma_start3A_97 = arith.constant 75 : i32
    %dma_start3A_98 = arith.constant 0 : i32
    %dma_start3A_99 = tpu.memref_slice %arg8[%dma_start3A_97, %dma_start3A_98] : memref<80x128xi32, #tpu.memory_space<vmem>> -> memref<1x128xi32, #tpu.memory_space<vmem>>
    %dma_start3A_100 = tpu.memref_squeeze %dma_start3A_99 : memref<1x128xi32, #tpu.memory_space<vmem>> -> memref<128xi32, #tpu.memory_space<vmem>>
    %dma_start3A_101 = arith.constant 0 : i32
    %dma_start3A_102 = arith.constant 0 : i32
    %dma_start3A_103 = tpu.memref_slice %arg27[%dma_start3A_101, %dma_start3A_102] : memref<10240x64xf32, #tpu.memory_space<vmem_shared>> -> memref<10240x64xf32, #tpu.memory_space<vmem_shared>>
    tpu.enqueue_indirect_dma source(%arg12 : memref<128x64xf32, #tpu.memory_space<vmem>>) target(%dma_start3A_103 : memref<10240x64xf32, #tpu.memory_space<vmem_shared>>) offsets(%dma_start3A_100 : memref<128xi32, #tpu.memory_space<vmem>>) semaphore(%arg24 : memref<!tpu.dma_semaphore, #tpu.memory_space<semaphore_mem>>) {add = true}
    %dma_wait3A_104 = arith.constant 72 : i32
    %dma_wait3A_105 = arith.constant 0 : i32
    %dma_wait3A_106 = tpu.memref_slice %arg8[%dma_wait3A_104, %dma_wait3A_105] : memref<80x128xi32, #tpu.memory_space<vmem>> -> memref<1x128xi32, #tpu.memory_space<vmem>>
    %dma_wait3A_107 = tpu.memref_squeeze %dma_wait3A_106 : memref<1x128xi32, #tpu.memory_space<vmem>> -> memref<128xi32, #tpu.memory_space<vmem>>
    %dma_wait3A_108 = arith.constant 0 : i32
    %dma_wait3A_109 = arith.constant 0 : i32
    %dma_wait3A_110 = tpu.memref_slice %arg27[%dma_wait3A_108, %dma_wait3A_109] : memref<10240x64xf32, #tpu.memory_space<vmem_shared>> -> memref<10240x64xf32, #tpu.memory_space<vmem_shared>>
    tpu.wait_indirect_dma semaphore(%arg21 : memref<!tpu.dma_semaphore, #tpu.memory_space<semaphore_mem>>) src(%arg9 : memref<128x64xf32, #tpu.memory_space<vmem>>) dst(%dma_wait3A_110 : memref<10240x64xf32, #tpu.memory_space<vmem_shared>>)
    %dma_start3A_111 = arith.constant 78 : i32
    %dma_start3A_112 = arith.constant 0 : i32
    %dma_start3A_113 = tpu.memref_slice %arg7[%dma_start3A_111, %dma_start3A_112] : memref<80x128xi32, #tpu.memory_space<vmem>> -> memref<1x128xi32, #tpu.memory_space<vmem>>
    %dma_start3A_114 = tpu.memref_squeeze %dma_start3A_113 : memref<1x128xi32, #tpu.memory_space<vmem>> -> memref<128xi32, #tpu.memory_space<vmem>>
    %dma_start3A_115 = arith.constant 0 : i32
    %dma_start3A_116 = arith.constant 0 : i32
    %dma_start3A_117 = tpu.memref_slice %arg2[%dma_start3A_115, %dma_start3A_116] : memref<10240x64xf32, #tpu.memory_space<hbm>> -> memref<10240x64xf32, #tpu.memory_space<hbm>>
    tpu.enqueue_indirect_dma source(%dma_start3A_117 : memref<10240x64xf32, #tpu.memory_space<hbm>>) target(%arg9 : memref<128x64xf32, #tpu.memory_space<vmem>>) offsets(%dma_start3A_114 : memref<128xi32, #tpu.memory_space<vmem>>) semaphore(%arg15 : memref<!tpu.dma_semaphore, #tpu.memory_space<semaphore_mem>>)
    %dma_wait3A_118 = arith.constant 76 : i32
    %dma_wait3A_119 = arith.constant 0 : i32
    %dma_wait3A_120 = tpu.memref_slice %arg7[%dma_wait3A_118, %dma_wait3A_119] : memref<80x128xi32, #tpu.memory_space<vmem>> -> memref<1x128xi32, #tpu.memory_space<vmem>>
    %dma_wait3A_121 = tpu.memref_squeeze %dma_wait3A_120 : memref<1x128xi32, #tpu.memory_space<vmem>> -> memref<128xi32, #tpu.memory_space<vmem>>
    %dma_wait3A_122 = arith.constant 0 : i32
    %dma_wait3A_123 = arith.constant 0 : i32
    %dma_wait3A_124 = tpu.memref_slice %arg2[%dma_wait3A_122, %dma_wait3A_123] : memref<10240x64xf32, #tpu.memory_space<hbm>> -> memref<10240x64xf32, #tpu.memory_space<hbm>>
    tpu.wait_indirect_dma semaphore(%arg19 : memref<!tpu.dma_semaphore, #tpu.memory_space<semaphore_mem>>) src(%dma_wait3A_124 : memref<10240x64xf32, #tpu.memory_space<hbm>>) dst(%arg13 : memref<128x64xf32, #tpu.memory_space<vmem>>)
    %dma_start3A_125 = arith.constant 76 : i32
    %dma_start3A_126 = arith.constant 0 : i32
    %dma_start3A_127 = tpu.memref_slice %arg8[%dma_start3A_125, %dma_start3A_126] : memref<80x128xi32, #tpu.memory_space<vmem>> -> memref<1x128xi32, #tpu.memory_space<vmem>>
    %dma_start3A_128 = tpu.memref_squeeze %dma_start3A_127 : memref<1x128xi32, #tpu.memory_space<vmem>> -> memref<128xi32, #tpu.memory_space<vmem>>
    %dma_start3A_129 = arith.constant 0 : i32
    %dma_start3A_130 = arith.constant 0 : i32
    %dma_start3A_131 = tpu.memref_slice %arg27[%dma_start3A_129, %dma_start3A_130] : memref<10240x64xf32, #tpu.memory_space<vmem_shared>> -> memref<10240x64xf32, #tpu.memory_space<vmem_shared>>
    tpu.enqueue_indirect_dma source(%arg13 : memref<128x64xf32, #tpu.memory_space<vmem>>) target(%dma_start3A_131 : memref<10240x64xf32, #tpu.memory_space<vmem_shared>>) offsets(%dma_start3A_128 : memref<128xi32, #tpu.memory_space<vmem>>) semaphore(%arg25 : memref<!tpu.dma_semaphore, #tpu.memory_space<semaphore_mem>>) {add = true}
    %dma_wait3A_132 = arith.constant 73 : i32
    %dma_wait3A_133 = arith.constant 0 : i32
    %dma_wait3A_134 = tpu.memref_slice %arg8[%dma_wait3A_132, %dma_wait3A_133] : memref<80x128xi32, #tpu.memory_space<vmem>> -> memref<1x128xi32, #tpu.memory_space<vmem>>
    %dma_wait3A_135 = tpu.memref_squeeze %dma_wait3A_134 : memref<1x128xi32, #tpu.memory_space<vmem>> -> memref<128xi32, #tpu.memory_space<vmem>>
    %dma_wait3A_136 = arith.constant 0 : i32
    %dma_wait3A_137 = arith.constant 0 : i32
    %dma_wait3A_138 = tpu.memref_slice %arg27[%dma_wait3A_136, %dma_wait3A_137] : memref<10240x64xf32, #tpu.memory_space<vmem_shared>> -> memref<10240x64xf32, #tpu.memory_space<vmem_shared>>
    tpu.wait_indirect_dma semaphore(%arg22 : memref<!tpu.dma_semaphore, #tpu.memory_space<semaphore_mem>>) src(%arg10 : memref<128x64xf32, #tpu.memory_space<vmem>>) dst(%dma_wait3A_138 : memref<10240x64xf32, #tpu.memory_space<vmem_shared>>)
    %dma_start3A_139 = arith.constant 79 : i32
    %dma_start3A_140 = arith.constant 0 : i32
    %dma_start3A_141 = tpu.memref_slice %arg7[%dma_start3A_139, %dma_start3A_140] : memref<80x128xi32, #tpu.memory_space<vmem>> -> memref<1x128xi32, #tpu.memory_space<vmem>>
    %dma_start3A_142 = tpu.memref_squeeze %dma_start3A_141 : memref<1x128xi32, #tpu.memory_space<vmem>> -> memref<128xi32, #tpu.memory_space<vmem>>
    %dma_start3A_143 = arith.constant 0 : i32
    %dma_start3A_144 = arith.constant 0 : i32
    %dma_start3A_145 = tpu.memref_slice %arg2[%dma_start3A_143, %dma_start3A_144] : memref<10240x64xf32, #tpu.memory_space<hbm>> -> memref<10240x64xf32, #tpu.memory_space<hbm>>
    tpu.enqueue_indirect_dma source(%dma_start3A_145 : memref<10240x64xf32, #tpu.memory_space<hbm>>) target(%arg10 : memref<128x64xf32, #tpu.memory_space<vmem>>) offsets(%dma_start3A_142 : memref<128xi32, #tpu.memory_space<vmem>>) semaphore(%arg16 : memref<!tpu.dma_semaphore, #tpu.memory_space<semaphore_mem>>)
    %dma_wait3A_146 = arith.constant 77 : i32
    %dma_wait3A_147 = arith.constant 0 : i32
    %dma_wait3A_148 = tpu.memref_slice %arg7[%dma_wait3A_146, %dma_wait3A_147] : memref<80x128xi32, #tpu.memory_space<vmem>> -> memref<1x128xi32, #tpu.memory_space<vmem>>
    %dma_wait3A_149 = tpu.memref_squeeze %dma_wait3A_148 : memref<1x128xi32, #tpu.memory_space<vmem>> -> memref<128xi32, #tpu.memory_space<vmem>>
    %dma_wait3A_150 = arith.constant 0 : i32
    %dma_wait3A_151 = arith.constant 0 : i32
    %dma_wait3A_152 = tpu.memref_slice %arg2[%dma_wait3A_150, %dma_wait3A_151] : memref<10240x64xf32, #tpu.memory_space<hbm>> -> memref<10240x64xf32, #tpu.memory_space<hbm>>
    tpu.wait_indirect_dma semaphore(%arg20 : memref<!tpu.dma_semaphore, #tpu.memory_space<semaphore_mem>>) src(%dma_wait3A_152 : memref<10240x64xf32, #tpu.memory_space<hbm>>) dst(%arg14 : memref<128x64xf32, #tpu.memory_space<vmem>>)
    %dma_start3A_153 = arith.constant 77 : i32
    %dma_start3A_154 = arith.constant 0 : i32
    %dma_start3A_155 = tpu.memref_slice %arg8[%dma_start3A_153, %dma_start3A_154] : memref<80x128xi32, #tpu.memory_space<vmem>> -> memref<1x128xi32, #tpu.memory_space<vmem>>
    %dma_start3A_156 = tpu.memref_squeeze %dma_start3A_155 : memref<1x128xi32, #tpu.memory_space<vmem>> -> memref<128xi32, #tpu.memory_space<vmem>>
    %dma_start3A_157 = arith.constant 0 : i32
    %dma_start3A_158 = arith.constant 0 : i32
    %dma_start3A_159 = tpu.memref_slice %arg27[%dma_start3A_157, %dma_start3A_158] : memref<10240x64xf32, #tpu.memory_space<vmem_shared>> -> memref<10240x64xf32, #tpu.memory_space<vmem_shared>>
    tpu.enqueue_indirect_dma source(%arg14 : memref<128x64xf32, #tpu.memory_space<vmem>>) target(%dma_start3A_159 : memref<10240x64xf32, #tpu.memory_space<vmem_shared>>) offsets(%dma_start3A_156 : memref<128xi32, #tpu.memory_space<vmem>>) semaphore(%arg26 : memref<!tpu.dma_semaphore, #tpu.memory_space<semaphore_mem>>) {add = true}
    %dma_wait3A_160 = arith.constant 74 : i32
    %dma_wait3A_161 = arith.constant 0 : i32
    %dma_wait3A_162 = tpu.memref_slice %arg8[%dma_wait3A_160, %dma_wait3A_161] : memref<80x128xi32, #tpu.memory_space<vmem>> -> memref<1x128xi32, #tpu.memory_space<vmem>>
    %dma_wait3A_163 = tpu.memref_squeeze %dma_wait3A_162 : memref<1x128xi32, #tpu.memory_space<vmem>> -> memref<128xi32, #tpu.memory_space<vmem>>
    %dma_wait3A_164 = arith.constant 0 : i32
    %dma_wait3A_165 = arith.constant 0 : i32
    %dma_wait3A_166 = tpu.memref_slice %arg27[%dma_wait3A_164, %dma_wait3A_165] : memref<10240x64xf32, #tpu.memory_space<vmem_shared>> -> memref<10240x64xf32, #tpu.memory_space<vmem_shared>>
    tpu.wait_indirect_dma semaphore(%arg23 : memref<!tpu.dma_semaphore, #tpu.memory_space<semaphore_mem>>) src(%arg11 : memref<128x64xf32, #tpu.memory_space<vmem>>) dst(%dma_wait3A_166 : memref<10240x64xf32, #tpu.memory_space<vmem_shared>>)
    %dma_wait3A_167 = arith.constant 78 : i32
    %dma_wait3A_168 = arith.constant 0 : i32
    %dma_wait3A_169 = tpu.memref_slice %arg7[%dma_wait3A_167, %dma_wait3A_168] : memref<80x128xi32, #tpu.memory_space<vmem>> -> memref<1x128xi32, #tpu.memory_space<vmem>>
    %dma_wait3A_170 = tpu.memref_squeeze %dma_wait3A_169 : memref<1x128xi32, #tpu.memory_space<vmem>> -> memref<128xi32, #tpu.memory_space<vmem>>
    %dma_wait3A_171 = arith.constant 0 : i32
    %dma_wait3A_172 = arith.constant 0 : i32
    %dma_wait3A_173 = tpu.memref_slice %arg2[%dma_wait3A_171, %dma_wait3A_172] : memref<10240x64xf32, #tpu.memory_space<hbm>> -> memref<10240x64xf32, #tpu.memory_space<hbm>>
    tpu.wait_indirect_dma semaphore(%arg15 : memref<!tpu.dma_semaphore, #tpu.memory_space<semaphore_mem>>) src(%dma_wait3A_173 : memref<10240x64xf32, #tpu.memory_space<hbm>>) dst(%arg9 : memref<128x64xf32, #tpu.memory_space<vmem>>)
    %dma_start3A_174 = arith.constant 78 : i32
    %dma_start3A_175 = arith.constant 0 : i32
    %dma_start3A_176 = tpu.memref_slice %arg8[%dma_start3A_174, %dma_start3A_175] : memref<80x128xi32, #tpu.memory_space<vmem>> -> memref<1x128xi32, #tpu.memory_space<vmem>>
    %dma_start3A_177 = tpu.memref_squeeze %dma_start3A_176 : memref<1x128xi32, #tpu.memory_space<vmem>> -> memref<128xi32, #tpu.memory_space<vmem>>
    %dma_start3A_178 = arith.constant 0 : i32
    %dma_start3A_179 = arith.constant 0 : i32
    %dma_start3A_180 = tpu.memref_slice %arg27[%dma_start3A_178, %dma_start3A_179] : memref<10240x64xf32, #tpu.memory_space<vmem_shared>> -> memref<10240x64xf32, #tpu.memory_space<vmem_shared>>
    tpu.enqueue_indirect_dma source(%arg9 : memref<128x64xf32, #tpu.memory_space<vmem>>) target(%dma_start3A_180 : memref<10240x64xf32, #tpu.memory_space<vmem_shared>>) offsets(%dma_start3A_177 : memref<128xi32, #tpu.memory_space<vmem>>) semaphore(%arg21 : memref<!tpu.dma_semaphore, #tpu.memory_space<semaphore_mem>>) {add = true}
    %dma_wait3A_181 = arith.constant 75 : i32
    %dma_wait3A_182 = arith.constant 0 : i32
    %dma_wait3A_183 = tpu.memref_slice %arg8[%dma_wait3A_181, %dma_wait3A_182] : memref<80x128xi32, #tpu.memory_space<vmem>> -> memref<1x128xi32, #tpu.memory_space<vmem>>
    %dma_wait3A_184 = tpu.memref_squeeze %dma_wait3A_183 : memref<1x128xi32, #tpu.memory_space<vmem>> -> memref<128xi32, #tpu.memory_space<vmem>>
    %dma_wait3A_185 = arith.constant 0 : i32
    %dma_wait3A_186 = arith.constant 0 : i32
    %dma_wait3A_187 = tpu.memref_slice %arg27[%dma_wait3A_185, %dma_wait3A_186] : memref<10240x64xf32, #tpu.memory_space<vmem_shared>> -> memref<10240x64xf32, #tpu.memory_space<vmem_shared>>
    tpu.wait_indirect_dma semaphore(%arg24 : memref<!tpu.dma_semaphore, #tpu.memory_space<semaphore_mem>>) src(%arg12 : memref<128x64xf32, #tpu.memory_space<vmem>>) dst(%dma_wait3A_187 : memref<10240x64xf32, #tpu.memory_space<vmem_shared>>)
    %dma_wait3A_188 = arith.constant 79 : i32
    %dma_wait3A_189 = arith.constant 0 : i32
    %dma_wait3A_190 = tpu.memref_slice %arg7[%dma_wait3A_188, %dma_wait3A_189] : memref<80x128xi32, #tpu.memory_space<vmem>> -> memref<1x128xi32, #tpu.memory_space<vmem>>
    %dma_wait3A_191 = tpu.memref_squeeze %dma_wait3A_190 : memref<1x128xi32, #tpu.memory_space<vmem>> -> memref<128xi32, #tpu.memory_space<vmem>>
    %dma_wait3A_192 = arith.constant 0 : i32
    %dma_wait3A_193 = arith.constant 0 : i32
    %dma_wait3A_194 = tpu.memref_slice %arg2[%dma_wait3A_192, %dma_wait3A_193] : memref<10240x64xf32, #tpu.memory_space<hbm>> -> memref<10240x64xf32, #tpu.memory_space<hbm>>
    tpu.wait_indirect_dma semaphore(%arg16 : memref<!tpu.dma_semaphore, #tpu.memory_space<semaphore_mem>>) src(%dma_wait3A_194 : memref<10240x64xf32, #tpu.memory_space<hbm>>) dst(%arg10 : memref<128x64xf32, #tpu.memory_space<vmem>>)
    %dma_start3A_195 = arith.constant 79 : i32
    %dma_start3A_196 = arith.constant 0 : i32
    %dma_start3A_197 = tpu.memref_slice %arg8[%dma_start3A_195, %dma_start3A_196] : memref<80x128xi32, #tpu.memory_space<vmem>> -> memref<1x128xi32, #tpu.memory_space<vmem>>
    %dma_start3A_198 = tpu.memref_squeeze %dma_start3A_197 : memref<1x128xi32, #tpu.memory_space<vmem>> -> memref<128xi32, #tpu.memory_space<vmem>>
    %dma_start3A_199 = arith.constant 0 : i32
    %dma_start3A_200 = arith.constant 0 : i32
    %dma_start3A_201 = tpu.memref_slice %arg27[%dma_start3A_199, %dma_start3A_200] : memref<10240x64xf32, #tpu.memory_space<vmem_shared>> -> memref<10240x64xf32, #tpu.memory_space<vmem_shared>>
    tpu.enqueue_indirect_dma source(%arg10 : memref<128x64xf32, #tpu.memory_space<vmem>>) target(%dma_start3A_201 : memref<10240x64xf32, #tpu.memory_space<vmem_shared>>) offsets(%dma_start3A_198 : memref<128xi32, #tpu.memory_space<vmem>>) semaphore(%arg22 : memref<!tpu.dma_semaphore, #tpu.memory_space<semaphore_mem>>) {add = true}
    %dma_wait3A_202 = arith.constant 76 : i32
    %dma_wait3A_203 = arith.constant 0 : i32
    %dma_wait3A_204 = tpu.memref_slice %arg8[%dma_wait3A_202, %dma_wait3A_203] : memref<80x128xi32, #tpu.memory_space<vmem>> -> memref<1x128xi32, #tpu.memory_space<vmem>>
    %dma_wait3A_205 = tpu.memref_squeeze %dma_wait3A_204 : memref<1x128xi32, #tpu.memory_space<vmem>> -> memref<128xi32, #tpu.memory_space<vmem>>
    %dma_wait3A_206 = arith.constant 0 : i32
    %dma_wait3A_207 = arith.constant 0 : i32
    %dma_wait3A_208 = tpu.memref_slice %arg27[%dma_wait3A_206, %dma_wait3A_207] : memref<10240x64xf32, #tpu.memory_space<vmem_shared>> -> memref<10240x64xf32, #tpu.memory_space<vmem_shared>>
    tpu.wait_indirect_dma semaphore(%arg25 : memref<!tpu.dma_semaphore, #tpu.memory_space<semaphore_mem>>) src(%arg13 : memref<128x64xf32, #tpu.memory_space<vmem>>) dst(%dma_wait3A_208 : memref<10240x64xf32, #tpu.memory_space<vmem_shared>>)
    %dma_wait3A_209 = arith.constant 77 : i32
    %dma_wait3A_210 = arith.constant 0 : i32
    %dma_wait3A_211 = tpu.memref_slice %arg8[%dma_wait3A_209, %dma_wait3A_210] : memref<80x128xi32, #tpu.memory_space<vmem>> -> memref<1x128xi32, #tpu.memory_space<vmem>>
    %dma_wait3A_212 = tpu.memref_squeeze %dma_wait3A_211 : memref<1x128xi32, #tpu.memory_space<vmem>> -> memref<128xi32, #tpu.memory_space<vmem>>
    %dma_wait3A_213 = arith.constant 0 : i32
    %dma_wait3A_214 = arith.constant 0 : i32
    %dma_wait3A_215 = tpu.memref_slice %arg27[%dma_wait3A_213, %dma_wait3A_214] : memref<10240x64xf32, #tpu.memory_space<vmem_shared>> -> memref<10240x64xf32, #tpu.memory_space<vmem_shared>>
    tpu.wait_indirect_dma semaphore(%arg26 : memref<!tpu.dma_semaphore, #tpu.memory_space<semaphore_mem>>) src(%arg14 : memref<128x64xf32, #tpu.memory_space<vmem>>) dst(%dma_wait3A_215 : memref<10240x64xf32, #tpu.memory_space<vmem_shared>>)
    %dma_wait3A_216 = arith.constant 78 : i32
    %dma_wait3A_217 = arith.constant 0 : i32
    %dma_wait3A_218 = tpu.memref_slice %arg8[%dma_wait3A_216, %dma_wait3A_217] : memref<80x128xi32, #tpu.memory_space<vmem>> -> memref<1x128xi32, #tpu.memory_space<vmem>>
    %dma_wait3A_219 = tpu.memref_squeeze %dma_wait3A_218 : memref<1x128xi32, #tpu.memory_space<vmem>> -> memref<128xi32, #tpu.memory_space<vmem>>
    %dma_wait3A_220 = arith.constant 0 : i32
    %dma_wait3A_221 = arith.constant 0 : i32
    %dma_wait3A_222 = tpu.memref_slice %arg27[%dma_wait3A_220, %dma_wait3A_221] : memref<10240x64xf32, #tpu.memory_space<vmem_shared>> -> memref<10240x64xf32, #tpu.memory_space<vmem_shared>>
    tpu.wait_indirect_dma semaphore(%arg21 : memref<!tpu.dma_semaphore, #tpu.memory_space<semaphore_mem>>) src(%arg9 : memref<128x64xf32, #tpu.memory_space<vmem>>) dst(%dma_wait3A_222 : memref<10240x64xf32, #tpu.memory_space<vmem_shared>>)
    %dma_wait3A_223 = arith.constant 79 : i32
    %dma_wait3A_224 = arith.constant 0 : i32
    %dma_wait3A_225 = tpu.memref_slice %arg8[%dma_wait3A_223, %dma_wait3A_224] : memref<80x128xi32, #tpu.memory_space<vmem>> -> memref<1x128xi32, #tpu.memory_space<vmem>>
    %dma_wait3A_226 = tpu.memref_squeeze %dma_wait3A_225 : memref<1x128xi32, #tpu.memory_space<vmem>> -> memref<128xi32, #tpu.memory_space<vmem>>
    %dma_wait3A_227 = arith.constant 0 : i32
    %dma_wait3A_228 = arith.constant 0 : i32
    %dma_wait3A_229 = tpu.memref_slice %arg27[%dma_wait3A_227, %dma_wait3A_228] : memref<10240x64xf32, #tpu.memory_space<vmem_shared>> -> memref<10240x64xf32, #tpu.memory_space<vmem_shared>>
    tpu.wait_indirect_dma semaphore(%arg22 : memref<!tpu.dma_semaphore, #tpu.memory_space<semaphore_mem>>) src(%arg10 : memref<128x64xf32, #tpu.memory_space<vmem>>) dst(%dma_wait3A_229 : memref<10240x64xf32, #tpu.memory_space<vmem_shared>>)
    %barrier3A_230 = arith.constant 0 : index
    tpu.barrier barrier_id(%barrier3A_230)
    %mul3A_231 = arith.constant 640 : i32
    %mul3A_232 = arith.muli %arg1, %mul3A_231 : i32
    %mul3A_233 = arith.constant 640 : i32
    %mul3A_234 = arith.muli %arg1, %mul3A_233 : i32
    %mul3A_235 = arith.constant 64 : i32
    %mul3A_236 = arith.muli %arg0, %mul3A_235 : i32
    "tpu.region"() ({
      %run_scoped3A = tpu.sem_alloc : memref<!tpu.dma_semaphore, #tpu.memory_space<semaphore_mem>>
      %dma_start3A_237 = tpu.memref_slice %arg6[%mul3A_234, %mul3A_236] : memref<10240x128xf32, #tpu.memory_space<hbm>> -> memref<640x64xf32, #tpu.memory_space<hbm>>
      %dma_start3A_238 = arith.constant 0 : i32
      %dma_start3A_239 = tpu.memref_slice %arg27[%mul3A_232, %dma_start3A_238] : memref<10240x64xf32, #tpu.memory_space<vmem_shared>> -> memref<640x64xf32, #tpu.memory_space<vmem_shared>>
      tpu.enqueue_dma source(%dma_start3A_239 : memref<640x64xf32, #tpu.memory_space<vmem_shared>>) target(%dma_start3A_237 : memref<640x64xf32, #tpu.memory_space<hbm>>) target_semaphore(%run_scoped3A : memref<!tpu.dma_semaphore, #tpu.memory_space<semaphore_mem>>)
      %dma_wait3A_240 = tpu.memref_slice %arg6[%mul3A_234, %mul3A_236] : memref<10240x128xf32, #tpu.memory_space<hbm>> -> memref<640x64xf32, #tpu.memory_space<hbm>>
      %dma_wait3A_241 = arith.constant 0 : i32
      %dma_wait3A_242 = tpu.memref_slice %arg27[%mul3A_232, %dma_wait3A_241] : memref<10240x64xf32, #tpu.memory_space<vmem_shared>> -> memref<640x64xf32, #tpu.memory_space<vmem_shared>>
      tpu.wait_dma2 semaphore(%run_scoped3A : memref<!tpu.dma_semaphore, #tpu.memory_space<semaphore_mem>>) src(%dma_wait3A_242 : memref<640x64xf32, #tpu.memory_space<vmem_shared>>) dst(%dma_wait3A_240 : memref<640x64xf32, #tpu.memory_space<hbm>>)
      tpu.yield
    }) : () -> ()
    return
  }
}

#map = affine_map<(d0, d1) -> (0, 0, 0)>
#map1 = affine_map<(d0, d1) -> (0)>
#map2 = affine_map<(d0, d1) -> (0, 0)>
module attributes {stable_mosaic.version = 14 : i64} {
  func.func @_deg(%arg0: i32, %arg1: i32, %arg2: memref<32x80x128xi32, #tpu.memory_space<hbm>>, %arg3: memref<128xf32, #tpu.memory_space<hbm>>, %arg4: memref<640xf32, #tpu.memory_space<hbm>>, %arg5: memref<2x10240xf32, #tpu.memory_space<hbm>>, %arg6: memref<80x128xi32, #tpu.memory_space<vmem>>, %arg7: memref<128xf32, #tpu.memory_space<vmem>>, %arg8: memref<!tpu.dma_semaphore, #tpu.memory_space<semaphore_mem>>, %arg9: memref<!tpu.dma_semaphore, #tpu.memory_space<semaphore_mem>>, %arg10: memref<!tpu.dma_semaphore, #tpu.memory_space<semaphore_mem>>, %arg11: memref<!tpu.dma_semaphore, #tpu.memory_space<semaphore_mem>>, %arg12: memref<10240xf32, #tpu.memory_space<vmem_shared>>) attributes {dimension_semantics = [#tpu.dimension_semantics<core_parallel>, #tpu.dimension_semantics<subcore_parallel>], iteration_bounds = array<i64: 2, 16>, scalar_prefetch = 0 : i64, scratch_operands = 7 : i64, tpu.core_type = #tpu.core_type<sc_vector_subcore>, window_params = [{transform_indices = #map}, {transform_indices = #map1}, {transform_indices = #map1}, {transform_indices = #map2}]} {
    %mul3A = arith.constant 16 : i32
    %mul3A_0 = arith.muli %arg0, %mul3A : i32
    %add3A = arith.addi %mul3A_0, %arg1 : i32
    "tpu.region"() ({
      %run_scoped3A = tpu.sem_alloc : memref<!tpu.dma_semaphore, #tpu.memory_space<semaphore_mem>>
      %dma_start3A_59 = arith.constant 0 : i32
      %dma_start3A_60 = arith.constant 0 : i32
      %dma_start3A_61 = tpu.memref_slice %arg2[%add3A, %dma_start3A_59, %dma_start3A_60] : memref<32x80x128xi32, #tpu.memory_space<hbm>> -> memref<1x80x128xi32, #tpu.memory_space<hbm>>
      %dma_start3A_62 = tpu.memref_squeeze %dma_start3A_61 : memref<1x80x128xi32, #tpu.memory_space<hbm>> -> memref<80x128xi32, #tpu.memory_space<hbm>>
      %dma_start3A_63 = arith.constant 0 : i32
      %dma_start3A_64 = arith.constant 0 : i32
      %dma_start3A_65 = tpu.memref_slice %arg2[%add3A, %dma_start3A_63, %dma_start3A_64] : memref<32x80x128xi32, #tpu.memory_space<hbm>> -> memref<1x80x128xi32, #tpu.memory_space<hbm>>
      %dma_start3A_66 = tpu.memref_squeeze %dma_start3A_65 : memref<1x80x128xi32, #tpu.memory_space<hbm>> -> memref<80x128xi32, #tpu.memory_space<hbm>>
      tpu.enqueue_dma source(%dma_start3A_66 : memref<80x128xi32, #tpu.memory_space<hbm>>) target(%arg6 : memref<80x128xi32, #tpu.memory_space<vmem>>) target_semaphore(%run_scoped3A : memref<!tpu.dma_semaphore, #tpu.memory_space<semaphore_mem>>)
      %dma_wait3A_67 = arith.constant 0 : i32
      %dma_wait3A_68 = arith.constant 0 : i32
      %dma_wait3A_69 = tpu.memref_slice %arg2[%add3A, %dma_wait3A_67, %dma_wait3A_68] : memref<32x80x128xi32, #tpu.memory_space<hbm>> -> memref<1x80x128xi32, #tpu.memory_space<hbm>>
      %dma_wait3A_70 = tpu.memref_squeeze %dma_wait3A_69 : memref<1x80x128xi32, #tpu.memory_space<hbm>> -> memref<80x128xi32, #tpu.memory_space<hbm>>
      %dma_wait3A_71 = arith.constant 0 : i32
      %dma_wait3A_72 = arith.constant 0 : i32
      %dma_wait3A_73 = tpu.memref_slice %arg2[%add3A, %dma_wait3A_71, %dma_wait3A_72] : memref<32x80x128xi32, #tpu.memory_space<hbm>> -> memref<1x80x128xi32, #tpu.memory_space<hbm>>
      %dma_wait3A_74 = tpu.memref_squeeze %dma_wait3A_73 : memref<1x80x128xi32, #tpu.memory_space<hbm>> -> memref<80x128xi32, #tpu.memory_space<hbm>>
      tpu.wait_dma2 semaphore(%run_scoped3A : memref<!tpu.dma_semaphore, #tpu.memory_space<semaphore_mem>>) src(%dma_wait3A_74 : memref<80x128xi32, #tpu.memory_space<hbm>>) dst(%arg6 : memref<80x128xi32, #tpu.memory_space<vmem>>)
      tpu.yield
    }) : () -> ()
    "tpu.region"() ({
      %run_scoped3A = tpu.sem_alloc : memref<!tpu.dma_semaphore, #tpu.memory_space<semaphore_mem>>
      tpu.enqueue_dma source(%arg3 : memref<128xf32, #tpu.memory_space<hbm>>) target(%arg7 : memref<128xf32, #tpu.memory_space<vmem>>) target_semaphore(%run_scoped3A : memref<!tpu.dma_semaphore, #tpu.memory_space<semaphore_mem>>)
      tpu.wait_dma2 semaphore(%run_scoped3A : memref<!tpu.dma_semaphore, #tpu.memory_space<semaphore_mem>>) src(%arg3 : memref<128xf32, #tpu.memory_space<hbm>>) dst(%arg7 : memref<128xf32, #tpu.memory_space<vmem>>)
      tpu.yield
    }) : () -> ()
    %mul3A_1 = arith.constant 640 : i32
    %mul3A_2 = arith.muli %arg1, %mul3A_1 : i32
    "tpu.region"() ({
      %run_scoped3A = tpu.sem_alloc : memref<!tpu.dma_semaphore, #tpu.memory_space<semaphore_mem>>
      %dma_start3A_59 = tpu.memref_slice %arg12[%mul3A_2] : memref<10240xf32, #tpu.memory_space<vmem_shared>> -> memref<640xf32, #tpu.memory_space<vmem_shared>>
      tpu.enqueue_dma source(%arg4 : memref<640xf32, #tpu.memory_space<hbm>>) target(%dma_start3A_59 : memref<640xf32, #tpu.memory_space<vmem_shared>>) target_semaphore(%run_scoped3A : memref<!tpu.dma_semaphore, #tpu.memory_space<semaphore_mem>>)
      %dma_wait3A_60 = tpu.memref_slice %arg12[%mul3A_2] : memref<10240xf32, #tpu.memory_space<vmem_shared>> -> memref<640xf32, #tpu.memory_space<vmem_shared>>
      tpu.wait_dma2 semaphore(%run_scoped3A : memref<!tpu.dma_semaphore, #tpu.memory_space<semaphore_mem>>) src(%arg4 : memref<640xf32, #tpu.memory_space<hbm>>) dst(%dma_wait3A_60 : memref<640xf32, #tpu.memory_space<vmem_shared>>)
      tpu.yield
    }) : () -> ()
    %barrier3A = arith.constant 0 : index
    tpu.barrier barrier_id(%barrier3A)
    %dma_start3A = arith.constant 0 : i32
    %dma_start3A_3 = arith.constant 0 : i32
    %dma_start3A_4 = tpu.memref_slice %arg6[%dma_start3A, %dma_start3A_3] : memref<80x128xi32, #tpu.memory_space<vmem>> -> memref<1x128xi32, #tpu.memory_space<vmem>>
    %dma_start3A_5 = tpu.memref_squeeze %dma_start3A_4 : memref<1x128xi32, #tpu.memory_space<vmem>> -> memref<128xi32, #tpu.memory_space<vmem>>
    %dma_start3A_6 = arith.constant 0 : i32
    %dma_start3A_7 = tpu.memref_slice %arg12[%dma_start3A_6] : memref<10240xf32, #tpu.memory_space<vmem_shared>> -> memref<10240xf32, #tpu.memory_space<vmem_shared>>
    tpu.enqueue_indirect_dma source(%arg7 : memref<128xf32, #tpu.memory_space<vmem>>) target(%dma_start3A_7 : memref<10240xf32, #tpu.memory_space<vmem_shared>>) offsets(%dma_start3A_5 : memref<128xi32, #tpu.memory_space<vmem>>) semaphore(%arg8 : memref<!tpu.dma_semaphore, #tpu.memory_space<semaphore_mem>>) {add = true}
    %dma_start3A_8 = arith.constant 1 : i32
    %dma_start3A_9 = arith.constant 0 : i32
    %dma_start3A_10 = tpu.memref_slice %arg6[%dma_start3A_8, %dma_start3A_9] : memref<80x128xi32, #tpu.memory_space<vmem>> -> memref<1x128xi32, #tpu.memory_space<vmem>>
    %dma_start3A_11 = tpu.memref_squeeze %dma_start3A_10 : memref<1x128xi32, #tpu.memory_space<vmem>> -> memref<128xi32, #tpu.memory_space<vmem>>
    %dma_start3A_12 = arith.constant 0 : i32
    %dma_start3A_13 = tpu.memref_slice %arg12[%dma_start3A_12] : memref<10240xf32, #tpu.memory_space<vmem_shared>> -> memref<10240xf32, #tpu.memory_space<vmem_shared>>
    tpu.enqueue_indirect_dma source(%arg7 : memref<128xf32, #tpu.memory_space<vmem>>) target(%dma_start3A_13 : memref<10240xf32, #tpu.memory_space<vmem_shared>>) offsets(%dma_start3A_11 : memref<128xi32, #tpu.memory_space<vmem>>) semaphore(%arg9 : memref<!tpu.dma_semaphore, #tpu.memory_space<semaphore_mem>>) {add = true}
    %dma_start3A_14 = arith.constant 2 : i32
    %dma_start3A_15 = arith.constant 0 : i32
    %dma_start3A_16 = tpu.memref_slice %arg6[%dma_start3A_14, %dma_start3A_15] : memref<80x128xi32, #tpu.memory_space<vmem>> -> memref<1x128xi32, #tpu.memory_space<vmem>>
    %dma_start3A_17 = tpu.memref_squeeze %dma_start3A_16 : memref<1x128xi32, #tpu.memory_space<vmem>> -> memref<128xi32, #tpu.memory_space<vmem>>
    %dma_start3A_18 = arith.constant 0 : i32
    %dma_start3A_19 = tpu.memref_slice %arg12[%dma_start3A_18] : memref<10240xf32, #tpu.memory_space<vmem_shared>> -> memref<10240xf32, #tpu.memory_space<vmem_shared>>
    tpu.enqueue_indirect_dma source(%arg7 : memref<128xf32, #tpu.memory_space<vmem>>) target(%dma_start3A_19 : memref<10240xf32, #tpu.memory_space<vmem_shared>>) offsets(%dma_start3A_17 : memref<128xi32, #tpu.memory_space<vmem>>) semaphore(%arg10 : memref<!tpu.dma_semaphore, #tpu.memory_space<semaphore_mem>>) {add = true}
    %dma_start3A_20 = arith.constant 3 : i32
    %dma_start3A_21 = arith.constant 0 : i32
    %dma_start3A_22 = tpu.memref_slice %arg6[%dma_start3A_20, %dma_start3A_21] : memref<80x128xi32, #tpu.memory_space<vmem>> -> memref<1x128xi32, #tpu.memory_space<vmem>>
    %dma_start3A_23 = tpu.memref_squeeze %dma_start3A_22 : memref<1x128xi32, #tpu.memory_space<vmem>> -> memref<128xi32, #tpu.memory_space<vmem>>
    %dma_start3A_24 = arith.constant 0 : i32
    %dma_start3A_25 = tpu.memref_slice %arg12[%dma_start3A_24] : memref<10240xf32, #tpu.memory_space<vmem_shared>> -> memref<10240xf32, #tpu.memory_space<vmem_shared>>
    tpu.enqueue_indirect_dma source(%arg7 : memref<128xf32, #tpu.memory_space<vmem>>) target(%dma_start3A_25 : memref<10240xf32, #tpu.memory_space<vmem_shared>>) offsets(%dma_start3A_23 : memref<128xi32, #tpu.memory_space<vmem>>) semaphore(%arg11 : memref<!tpu.dma_semaphore, #tpu.memory_space<semaphore_mem>>) {add = true}
    %scan3A = arith.constant 0 : i32
    %scan3A_26 = arith.constant 0 : i32
    %scan3A_27 = arith.constant 19 : i32
    %scan3A_28 = arith.addi %scan3A_26, %scan3A_27 : i32
    %scan3A_29 = arith.constant 1 : i32
    scf.for %scan3A_59 = %scan3A_26 to %scan3A_28 step %scan3A_29  : i32 {
      %mul3A_60 = arith.constant 4 : i32
      %mul3A_61 = arith.muli %mul3A_60, %scan3A_59 : i32
      %add3A_62 = arith.constant 4 : i32
      %add3A_63 = arith.addi %add3A_62, %mul3A_61 : i32
      %add3A_64 = arith.constant 0 : i32
      %add3A_65 = arith.addi %add3A_63, %add3A_64 : i32
      %sub3A = arith.constant 4 : i32
      %sub3A_66 = arith.subi %add3A_65, %sub3A : i32
      %dma_wait3A_67 = arith.constant 0 : i32
      %dma_wait3A_68 = tpu.memref_slice %arg6[%sub3A_66, %dma_wait3A_67] : memref<80x128xi32, #tpu.memory_space<vmem>> -> memref<1x128xi32, #tpu.memory_space<vmem>>
      %dma_wait3A_69 = tpu.memref_squeeze %dma_wait3A_68 : memref<1x128xi32, #tpu.memory_space<vmem>> -> memref<128xi32, #tpu.memory_space<vmem>>
      %dma_wait3A_70 = arith.constant 0 : i32
      %dma_wait3A_71 = tpu.memref_slice %arg12[%dma_wait3A_70] : memref<10240xf32, #tpu.memory_space<vmem_shared>> -> memref<10240xf32, #tpu.memory_space<vmem_shared>>
      tpu.wait_indirect_dma semaphore(%arg8 : memref<!tpu.dma_semaphore, #tpu.memory_space<semaphore_mem>>) src(%arg7 : memref<128xf32, #tpu.memory_space<vmem>>) dst(%dma_wait3A_71 : memref<10240xf32, #tpu.memory_space<vmem_shared>>)
      %add3A_72 = arith.constant 0 : i32
      %add3A_73 = arith.addi %add3A_63, %add3A_72 : i32
      %dma_start3A_74 = arith.constant 0 : i32
      %dma_start3A_75 = tpu.memref_slice %arg6[%add3A_73, %dma_start3A_74] : memref<80x128xi32, #tpu.memory_space<vmem>> -> memref<1x128xi32, #tpu.memory_space<vmem>>
      %dma_start3A_76 = tpu.memref_squeeze %dma_start3A_75 : memref<1x128xi32, #tpu.memory_space<vmem>> -> memref<128xi32, #tpu.memory_space<vmem>>
      %dma_start3A_77 = arith.constant 0 : i32
      %dma_start3A_78 = tpu.memref_slice %arg12[%dma_start3A_77] : memref<10240xf32, #tpu.memory_space<vmem_shared>> -> memref<10240xf32, #tpu.memory_space<vmem_shared>>
      tpu.enqueue_indirect_dma source(%arg7 : memref<128xf32, #tpu.memory_space<vmem>>) target(%dma_start3A_78 : memref<10240xf32, #tpu.memory_space<vmem_shared>>) offsets(%dma_start3A_76 : memref<128xi32, #tpu.memory_space<vmem>>) semaphore(%arg8 : memref<!tpu.dma_semaphore, #tpu.memory_space<semaphore_mem>>) {add = true}
      %add3A_79 = arith.constant 1 : i32
      %add3A_80 = arith.addi %add3A_63, %add3A_79 : i32
      %sub3A_81 = arith.constant 4 : i32
      %sub3A_82 = arith.subi %add3A_80, %sub3A_81 : i32
      %dma_wait3A_83 = arith.constant 0 : i32
      %dma_wait3A_84 = tpu.memref_slice %arg6[%sub3A_82, %dma_wait3A_83] : memref<80x128xi32, #tpu.memory_space<vmem>> -> memref<1x128xi32, #tpu.memory_space<vmem>>
      %dma_wait3A_85 = tpu.memref_squeeze %dma_wait3A_84 : memref<1x128xi32, #tpu.memory_space<vmem>> -> memref<128xi32, #tpu.memory_space<vmem>>
      %dma_wait3A_86 = arith.constant 0 : i32
      %dma_wait3A_87 = tpu.memref_slice %arg12[%dma_wait3A_86] : memref<10240xf32, #tpu.memory_space<vmem_shared>> -> memref<10240xf32, #tpu.memory_space<vmem_shared>>
      tpu.wait_indirect_dma semaphore(%arg9 : memref<!tpu.dma_semaphore, #tpu.memory_space<semaphore_mem>>) src(%arg7 : memref<128xf32, #tpu.memory_space<vmem>>) dst(%dma_wait3A_87 : memref<10240xf32, #tpu.memory_space<vmem_shared>>)
      %add3A_88 = arith.constant 1 : i32
      %add3A_89 = arith.addi %add3A_63, %add3A_88 : i32
      %dma_start3A_90 = arith.constant 0 : i32
      %dma_start3A_91 = tpu.memref_slice %arg6[%add3A_89, %dma_start3A_90] : memref<80x128xi32, #tpu.memory_space<vmem>> -> memref<1x128xi32, #tpu.memory_space<vmem>>
      %dma_start3A_92 = tpu.memref_squeeze %dma_start3A_91 : memref<1x128xi32, #tpu.memory_space<vmem>> -> memref<128xi32, #tpu.memory_space<vmem>>
      %dma_start3A_93 = arith.constant 0 : i32
      %dma_start3A_94 = tpu.memref_slice %arg12[%dma_start3A_93] : memref<10240xf32, #tpu.memory_space<vmem_shared>> -> memref<10240xf32, #tpu.memory_space<vmem_shared>>
      tpu.enqueue_indirect_dma source(%arg7 : memref<128xf32, #tpu.memory_space<vmem>>) target(%dma_start3A_94 : memref<10240xf32, #tpu.memory_space<vmem_shared>>) offsets(%dma_start3A_92 : memref<128xi32, #tpu.memory_space<vmem>>) semaphore(%arg9 : memref<!tpu.dma_semaphore, #tpu.memory_space<semaphore_mem>>) {add = true}
      %add3A_95 = arith.constant 2 : i32
      %add3A_96 = arith.addi %add3A_63, %add3A_95 : i32
      %sub3A_97 = arith.constant 4 : i32
      %sub3A_98 = arith.subi %add3A_96, %sub3A_97 : i32
      %dma_wait3A_99 = arith.constant 0 : i32
      %dma_wait3A_100 = tpu.memref_slice %arg6[%sub3A_98, %dma_wait3A_99] : memref<80x128xi32, #tpu.memory_space<vmem>> -> memref<1x128xi32, #tpu.memory_space<vmem>>
      %dma_wait3A_101 = tpu.memref_squeeze %dma_wait3A_100 : memref<1x128xi32, #tpu.memory_space<vmem>> -> memref<128xi32, #tpu.memory_space<vmem>>
      %dma_wait3A_102 = arith.constant 0 : i32
      %dma_wait3A_103 = tpu.memref_slice %arg12[%dma_wait3A_102] : memref<10240xf32, #tpu.memory_space<vmem_shared>> -> memref<10240xf32, #tpu.memory_space<vmem_shared>>
      tpu.wait_indirect_dma semaphore(%arg10 : memref<!tpu.dma_semaphore, #tpu.memory_space<semaphore_mem>>) src(%arg7 : memref<128xf32, #tpu.memory_space<vmem>>) dst(%dma_wait3A_103 : memref<10240xf32, #tpu.memory_space<vmem_shared>>)
      %add3A_104 = arith.constant 2 : i32
      %add3A_105 = arith.addi %add3A_63, %add3A_104 : i32
      %dma_start3A_106 = arith.constant 0 : i32
      %dma_start3A_107 = tpu.memref_slice %arg6[%add3A_105, %dma_start3A_106] : memref<80x128xi32, #tpu.memory_space<vmem>> -> memref<1x128xi32, #tpu.memory_space<vmem>>
      %dma_start3A_108 = tpu.memref_squeeze %dma_start3A_107 : memref<1x128xi32, #tpu.memory_space<vmem>> -> memref<128xi32, #tpu.memory_space<vmem>>
      %dma_start3A_109 = arith.constant 0 : i32
      %dma_start3A_110 = tpu.memref_slice %arg12[%dma_start3A_109] : memref<10240xf32, #tpu.memory_space<vmem_shared>> -> memref<10240xf32, #tpu.memory_space<vmem_shared>>
      tpu.enqueue_indirect_dma source(%arg7 : memref<128xf32, #tpu.memory_space<vmem>>) target(%dma_start3A_110 : memref<10240xf32, #tpu.memory_space<vmem_shared>>) offsets(%dma_start3A_108 : memref<128xi32, #tpu.memory_space<vmem>>) semaphore(%arg10 : memref<!tpu.dma_semaphore, #tpu.memory_space<semaphore_mem>>) {add = true}
      %add3A_111 = arith.constant 3 : i32
      %add3A_112 = arith.addi %add3A_63, %add3A_111 : i32
      %sub3A_113 = arith.constant 4 : i32
      %sub3A_114 = arith.subi %add3A_112, %sub3A_113 : i32
      %dma_wait3A_115 = arith.constant 0 : i32
      %dma_wait3A_116 = tpu.memref_slice %arg6[%sub3A_114, %dma_wait3A_115] : memref<80x128xi32, #tpu.memory_space<vmem>> -> memref<1x128xi32, #tpu.memory_space<vmem>>
      %dma_wait3A_117 = tpu.memref_squeeze %dma_wait3A_116 : memref<1x128xi32, #tpu.memory_space<vmem>> -> memref<128xi32, #tpu.memory_space<vmem>>
      %dma_wait3A_118 = arith.constant 0 : i32
      %dma_wait3A_119 = tpu.memref_slice %arg12[%dma_wait3A_118] : memref<10240xf32, #tpu.memory_space<vmem_shared>> -> memref<10240xf32, #tpu.memory_space<vmem_shared>>
      tpu.wait_indirect_dma semaphore(%arg11 : memref<!tpu.dma_semaphore, #tpu.memory_space<semaphore_mem>>) src(%arg7 : memref<128xf32, #tpu.memory_space<vmem>>) dst(%dma_wait3A_119 : memref<10240xf32, #tpu.memory_space<vmem_shared>>)
      %add3A_120 = arith.constant 3 : i32
      %add3A_121 = arith.addi %add3A_63, %add3A_120 : i32
      %dma_start3A_122 = arith.constant 0 : i32
      %dma_start3A_123 = tpu.memref_slice %arg6[%add3A_121, %dma_start3A_122] : memref<80x128xi32, #tpu.memory_space<vmem>> -> memref<1x128xi32, #tpu.memory_space<vmem>>
      %dma_start3A_124 = tpu.memref_squeeze %dma_start3A_123 : memref<1x128xi32, #tpu.memory_space<vmem>> -> memref<128xi32, #tpu.memory_space<vmem>>
      %dma_start3A_125 = arith.constant 0 : i32
      %dma_start3A_126 = tpu.memref_slice %arg12[%dma_start3A_125] : memref<10240xf32, #tpu.memory_space<vmem_shared>> -> memref<10240xf32, #tpu.memory_space<vmem_shared>>
      tpu.enqueue_indirect_dma source(%arg7 : memref<128xf32, #tpu.memory_space<vmem>>) target(%dma_start3A_126 : memref<10240xf32, #tpu.memory_space<vmem_shared>>) offsets(%dma_start3A_124 : memref<128xi32, #tpu.memory_space<vmem>>) semaphore(%arg11 : memref<!tpu.dma_semaphore, #tpu.memory_space<semaphore_mem>>) {add = true}
    }
    %scan3A_30 = arith.constant 19 : i32
    %dma_wait3A = arith.constant 76 : i32
    %dma_wait3A_31 = arith.constant 0 : i32
    %dma_wait3A_32 = tpu.memref_slice %arg6[%dma_wait3A, %dma_wait3A_31] : memref<80x128xi32, #tpu.memory_space<vmem>> -> memref<1x128xi32, #tpu.memory_space<vmem>>
    %dma_wait3A_33 = tpu.memref_squeeze %dma_wait3A_32 : memref<1x128xi32, #tpu.memory_space<vmem>> -> memref<128xi32, #tpu.memory_space<vmem>>
    %dma_wait3A_34 = arith.constant 0 : i32
    %dma_wait3A_35 = tpu.memref_slice %arg12[%dma_wait3A_34] : memref<10240xf32, #tpu.memory_space<vmem_shared>> -> memref<10240xf32, #tpu.memory_space<vmem_shared>>
    tpu.wait_indirect_dma semaphore(%arg8 : memref<!tpu.dma_semaphore, #tpu.memory_space<semaphore_mem>>) src(%arg7 : memref<128xf32, #tpu.memory_space<vmem>>) dst(%dma_wait3A_35 : memref<10240xf32, #tpu.memory_space<vmem_shared>>)
    %dma_wait3A_36 = arith.constant 77 : i32
    %dma_wait3A_37 = arith.constant 0 : i32
    %dma_wait3A_38 = tpu.memref_slice %arg6[%dma_wait3A_36, %dma_wait3A_37] : memref<80x128xi32, #tpu.memory_space<vmem>> -> memref<1x128xi32, #tpu.memory_space<vmem>>
    %dma_wait3A_39 = tpu.memref_squeeze %dma_wait3A_38 : memref<1x128xi32, #tpu.memory_space<vmem>> -> memref<128xi32, #tpu.memory_space<vmem>>
    %dma_wait3A_40 = arith.constant 0 : i32
    %dma_wait3A_41 = tpu.memref_slice %arg12[%dma_wait3A_40] : memref<10240xf32, #tpu.memory_space<vmem_shared>> -> memref<10240xf32, #tpu.memory_space<vmem_shared>>
    tpu.wait_indirect_dma semaphore(%arg9 : memref<!tpu.dma_semaphore, #tpu.memory_space<semaphore_mem>>) src(%arg7 : memref<128xf32, #tpu.memory_space<vmem>>) dst(%dma_wait3A_41 : memref<10240xf32, #tpu.memory_space<vmem_shared>>)
    %dma_wait3A_42 = arith.constant 78 : i32
    %dma_wait3A_43 = arith.constant 0 : i32
    %dma_wait3A_44 = tpu.memref_slice %arg6[%dma_wait3A_42, %dma_wait3A_43] : memref<80x128xi32, #tpu.memory_space<vmem>> -> memref<1x128xi32, #tpu.memory_space<vmem>>
    %dma_wait3A_45 = tpu.memref_squeeze %dma_wait3A_44 : memref<1x128xi32, #tpu.memory_space<vmem>> -> memref<128xi32, #tpu.memory_space<vmem>>
    %dma_wait3A_46 = arith.constant 0 : i32
    %dma_wait3A_47 = tpu.memref_slice %arg12[%dma_wait3A_46] : memref<10240xf32, #tpu.memory_space<vmem_shared>> -> memref<10240xf32, #tpu.memory_space<vmem_shared>>
    tpu.wait_indirect_dma semaphore(%arg10 : memref<!tpu.dma_semaphore, #tpu.memory_space<semaphore_mem>>) src(%arg7 : memref<128xf32, #tpu.memory_space<vmem>>) dst(%dma_wait3A_47 : memref<10240xf32, #tpu.memory_space<vmem_shared>>)
    %dma_wait3A_48 = arith.constant 79 : i32
    %dma_wait3A_49 = arith.constant 0 : i32
    %dma_wait3A_50 = tpu.memref_slice %arg6[%dma_wait3A_48, %dma_wait3A_49] : memref<80x128xi32, #tpu.memory_space<vmem>> -> memref<1x128xi32, #tpu.memory_space<vmem>>
    %dma_wait3A_51 = tpu.memref_squeeze %dma_wait3A_50 : memref<1x128xi32, #tpu.memory_space<vmem>> -> memref<128xi32, #tpu.memory_space<vmem>>
    %dma_wait3A_52 = arith.constant 0 : i32
    %dma_wait3A_53 = tpu.memref_slice %arg12[%dma_wait3A_52] : memref<10240xf32, #tpu.memory_space<vmem_shared>> -> memref<10240xf32, #tpu.memory_space<vmem_shared>>
    tpu.wait_indirect_dma semaphore(%arg11 : memref<!tpu.dma_semaphore, #tpu.memory_space<semaphore_mem>>) src(%arg7 : memref<128xf32, #tpu.memory_space<vmem>>) dst(%dma_wait3A_53 : memref<10240xf32, #tpu.memory_space<vmem_shared>>)
    %barrier3A_54 = arith.constant 0 : index
    tpu.barrier barrier_id(%barrier3A_54)
    %mul3A_55 = arith.constant 640 : i32
    %mul3A_56 = arith.muli %arg1, %mul3A_55 : i32
    %mul3A_57 = arith.constant 640 : i32
    %mul3A_58 = arith.muli %arg1, %mul3A_57 : i32
    "tpu.region"() ({
      %run_scoped3A = tpu.sem_alloc : memref<!tpu.dma_semaphore, #tpu.memory_space<semaphore_mem>>
      %dma_start3A_59 = tpu.memref_slice %arg5[%arg0, %mul3A_58] : memref<2x10240xf32, #tpu.memory_space<hbm>> -> memref<1x640xf32, #tpu.memory_space<hbm>>
      %dma_start3A_60 = tpu.memref_squeeze %dma_start3A_59 : memref<1x640xf32, #tpu.memory_space<hbm>> -> memref<640xf32, #tpu.memory_space<hbm>>
      %dma_start3A_61 = tpu.memref_slice %arg12[%mul3A_56] : memref<10240xf32, #tpu.memory_space<vmem_shared>> -> memref<640xf32, #tpu.memory_space<vmem_shared>>
      tpu.enqueue_dma source(%dma_start3A_61 : memref<640xf32, #tpu.memory_space<vmem_shared>>) target(%dma_start3A_60 : memref<640xf32, #tpu.memory_space<hbm>>) target_semaphore(%run_scoped3A : memref<!tpu.dma_semaphore, #tpu.memory_space<semaphore_mem>>)
      %dma_wait3A_62 = tpu.memref_slice %arg5[%arg0, %mul3A_58] : memref<2x10240xf32, #tpu.memory_space<hbm>> -> memref<1x640xf32, #tpu.memory_space<hbm>>
      %dma_wait3A_63 = tpu.memref_squeeze %dma_wait3A_62 : memref<1x640xf32, #tpu.memory_space<hbm>> -> memref<640xf32, #tpu.memory_space<hbm>>
      %dma_wait3A_64 = tpu.memref_slice %arg12[%mul3A_56] : memref<10240xf32, #tpu.memory_space<vmem_shared>> -> memref<640xf32, #tpu.memory_space<vmem_shared>>
      tpu.wait_dma2 semaphore(%run_scoped3A : memref<!tpu.dma_semaphore, #tpu.memory_space<semaphore_mem>>) src(%dma_wait3A_64 : memref<640xf32, #tpu.memory_space<vmem_shared>>) dst(%dma_wait3A_63 : memref<640xf32, #tpu.memory_space<hbm>>)
      tpu.yield
    }) : () -> ()
    return
  }
}

#map = affine_map<(d0, d1) -> (0, 0)>
#map1 = affine_map<(d0, d1) -> (0, 0, 0)>
module attributes {stable_mosaic.version = 14 : i64} {
  func.func @_agg(%arg0: i32, %arg1: i32, %arg2: memref<10240x64xf32, #tpu.memory_space<hbm>>, %arg3: memref<32x80x128xi32, #tpu.memory_space<hbm>>, %arg4: memref<32x80x128xi32, #tpu.memory_space<hbm>>, %arg5: memref<640x64xf32, #tpu.memory_space<hbm>>, %arg6: memref<10240x128xf32, #tpu.memory_space<hbm>>, %arg7: memref<80x128xi32, #tpu.memory_space<vmem>>, %arg8: memref<80x128xi32, #tpu.memory_space<vmem>>, %arg9: memref<128x64xf32, #tpu.memory_space<vmem>>, %arg10: memref<128x64xf32, #tpu.memory_space<vmem>>, %arg11: memref<128x64xf32, #tpu.memory_space<vmem>>, %arg12: memref<128x64xf32, #tpu.memory_space<vmem>>, %arg13: memref<128x64xf32, #tpu.memory_space<vmem>>, %arg14: memref<128x64xf32, #tpu.memory_space<vmem>>, %arg15: memref<!tpu.dma_semaphore, #tpu.memory_space<semaphore_mem>>, %arg16: memref<!tpu.dma_semaphore, #tpu.memory_space<semaphore_mem>>, %arg17: memref<!tpu.dma_semaphore, #tpu.memory_space<semaphore_mem>>, %arg18: memref<!tpu.dma_semaphore, #tpu.memory_space<semaphore_mem>>, %arg19: memref<!tpu.dma_semaphore, #tpu.memory_space<semaphore_mem>>, %arg20: memref<!tpu.dma_semaphore, #tpu.memory_space<semaphore_mem>>, %arg21: memref<!tpu.dma_semaphore, #tpu.memory_space<semaphore_mem>>, %arg22: memref<!tpu.dma_semaphore, #tpu.memory_space<semaphore_mem>>, %arg23: memref<!tpu.dma_semaphore, #tpu.memory_space<semaphore_mem>>, %arg24: memref<!tpu.dma_semaphore, #tpu.memory_space<semaphore_mem>>, %arg25: memref<!tpu.dma_semaphore, #tpu.memory_space<semaphore_mem>>, %arg26: memref<!tpu.dma_semaphore, #tpu.memory_space<semaphore_mem>>, %arg27: memref<10240x64xf32, #tpu.memory_space<vmem_shared>>) attributes {dimension_semantics = [#tpu.dimension_semantics<core_parallel>, #tpu.dimension_semantics<subcore_parallel>], iteration_bounds = array<i64: 2, 16>, scalar_prefetch = 0 : i64, scratch_operands = 21 : i64, tpu.core_type = #tpu.core_type<sc_vector_subcore>, window_params = [{transform_indices = #map}, {transform_indices = #map1}, {transform_indices = #map1}, {transform_indices = #map}, {transform_indices = #map}]} {
    %mul3A = arith.constant 16 : i32
    %mul3A_0 = arith.muli %arg0, %mul3A : i32
    %add3A = arith.addi %mul3A_0, %arg1 : i32
    "tpu.region"() ({
      %run_scoped3A = tpu.sem_alloc : memref<!tpu.dma_semaphore, #tpu.memory_space<semaphore_mem>>
      %dma_start3A_237 = arith.constant 0 : i32
      %dma_start3A_238 = arith.constant 0 : i32
      %dma_start3A_239 = tpu.memref_slice %arg3[%add3A, %dma_start3A_237, %dma_start3A_238] : memref<32x80x128xi32, #tpu.memory_space<hbm>> -> memref<1x80x128xi32, #tpu.memory_space<hbm>>
      %dma_start3A_240 = tpu.memref_squeeze %dma_start3A_239 : memref<1x80x128xi32, #tpu.memory_space<hbm>> -> memref<80x128xi32, #tpu.memory_space<hbm>>
      %dma_start3A_241 = arith.constant 0 : i32
      %dma_start3A_242 = arith.constant 0 : i32
      %dma_start3A_243 = tpu.memref_slice %arg3[%add3A, %dma_start3A_241, %dma_start3A_242] : memref<32x80x128xi32, #tpu.memory_space<hbm>> -> memref<1x80x128xi32, #tpu.memory_space<hbm>>
      %dma_start3A_244 = tpu.memref_squeeze %dma_start3A_243 : memref<1x80x128xi32, #tpu.memory_space<hbm>> -> memref<80x128xi32, #tpu.memory_space<hbm>>
      tpu.enqueue_dma source(%dma_start3A_244 : memref<80x128xi32, #tpu.memory_space<hbm>>) target(%arg7 : memref<80x128xi32, #tpu.memory_space<vmem>>) target_semaphore(%run_scoped3A : memref<!tpu.dma_semaphore, #tpu.memory_space<semaphore_mem>>)
      %dma_wait3A_245 = arith.constant 0 : i32
      %dma_wait3A_246 = arith.constant 0 : i32
      %dma_wait3A_247 = tpu.memref_slice %arg3[%add3A, %dma_wait3A_245, %dma_wait3A_246] : memref<32x80x128xi32, #tpu.memory_space<hbm>> -> memref<1x80x128xi32, #tpu.memory_space<hbm>>
      %dma_wait3A_248 = tpu.memref_squeeze %dma_wait3A_247 : memref<1x80x128xi32, #tpu.memory_space<hbm>> -> memref<80x128xi32, #tpu.memory_space<hbm>>
      %dma_wait3A_249 = arith.constant 0 : i32
      %dma_wait3A_250 = arith.constant 0 : i32
      %dma_wait3A_251 = tpu.memref_slice %arg3[%add3A, %dma_wait3A_249, %dma_wait3A_250] : memref<32x80x128xi32, #tpu.memory_space<hbm>> -> memref<1x80x128xi32, #tpu.memory_space<hbm>>
      %dma_wait3A_252 = tpu.memref_squeeze %dma_wait3A_251 : memref<1x80x128xi32, #tpu.memory_space<hbm>> -> memref<80x128xi32, #tpu.memory_space<hbm>>
      tpu.wait_dma2 semaphore(%run_scoped3A : memref<!tpu.dma_semaphore, #tpu.memory_space<semaphore_mem>>) src(%dma_wait3A_252 : memref<80x128xi32, #tpu.memory_space<hbm>>) dst(%arg7 : memref<80x128xi32, #tpu.memory_space<vmem>>)
      tpu.yield
    }) : () -> ()
    "tpu.region"() ({
      %run_scoped3A = tpu.sem_alloc : memref<!tpu.dma_semaphore, #tpu.memory_space<semaphore_mem>>
      %dma_start3A_237 = arith.constant 0 : i32
      %dma_start3A_238 = arith.constant 0 : i32
      %dma_start3A_239 = tpu.memref_slice %arg4[%add3A, %dma_start3A_237, %dma_start3A_238] : memref<32x80x128xi32, #tpu.memory_space<hbm>> -> memref<1x80x128xi32, #tpu.memory_space<hbm>>
      %dma_start3A_240 = tpu.memref_squeeze %dma_start3A_239 : memref<1x80x128xi32, #tpu.memory_space<hbm>> -> memref<80x128xi32, #tpu.memory_space<hbm>>
      %dma_start3A_241 = arith.constant 0 : i32
      %dma_start3A_242 = arith.constant 0 : i32
      %dma_start3A_243 = tpu.memref_slice %arg4[%add3A, %dma_start3A_241, %dma_start3A_242] : memref<32x80x128xi32, #tpu.memory_space<hbm>> -> memref<1x80x128xi32, #tpu.memory_space<hbm>>
      %dma_start3A_244 = tpu.memref_squeeze %dma_start3A_243 : memref<1x80x128xi32, #tpu.memory_space<hbm>> -> memref<80x128xi32, #tpu.memory_space<hbm>>
      tpu.enqueue_dma source(%dma_start3A_244 : memref<80x128xi32, #tpu.memory_space<hbm>>) target(%arg8 : memref<80x128xi32, #tpu.memory_space<vmem>>) target_semaphore(%run_scoped3A : memref<!tpu.dma_semaphore, #tpu.memory_space<semaphore_mem>>)
      %dma_wait3A_245 = arith.constant 0 : i32
      %dma_wait3A_246 = arith.constant 0 : i32
      %dma_wait3A_247 = tpu.memref_slice %arg4[%add3A, %dma_wait3A_245, %dma_wait3A_246] : memref<32x80x128xi32, #tpu.memory_space<hbm>> -> memref<1x80x128xi32, #tpu.memory_space<hbm>>
      %dma_wait3A_248 = tpu.memref_squeeze %dma_wait3A_247 : memref<1x80x128xi32, #tpu.memory_space<hbm>> -> memref<80x128xi32, #tpu.memory_space<hbm>>
      %dma_wait3A_249 = arith.constant 0 : i32
      %dma_wait3A_250 = arith.constant 0 : i32
      %dma_wait3A_251 = tpu.memref_slice %arg4[%add3A, %dma_wait3A_249, %dma_wait3A_250] : memref<32x80x128xi32, #tpu.memory_space<hbm>> -> memref<1x80x128xi32, #tpu.memory_space<hbm>>
      %dma_wait3A_252 = tpu.memref_squeeze %dma_wait3A_251 : memref<1x80x128xi32, #tpu.memory_space<hbm>> -> memref<80x128xi32, #tpu.memory_space<hbm>>
      tpu.wait_dma2 semaphore(%run_scoped3A : memref<!tpu.dma_semaphore, #tpu.memory_space<semaphore_mem>>) src(%dma_wait3A_252 : memref<80x128xi32, #tpu.memory_space<hbm>>) dst(%arg8 : memref<80x128xi32, #tpu.memory_space<vmem>>)
      tpu.yield
    }) : () -> ()
    %mul3A_1 = arith.constant 640 : i32
    %mul3A_2 = arith.muli %arg1, %mul3A_1 : i32
    "tpu.region"() ({
      %run_scoped3A = tpu.sem_alloc : memref<!tpu.dma_semaphore, #tpu.memory_space<semaphore_mem>>
      %dma_start3A_237 = arith.constant 0 : i32
      %dma_start3A_238 = tpu.memref_slice %arg27[%mul3A_2, %dma_start3A_237] : memref<10240x64xf32, #tpu.memory_space<vmem_shared>> -> memref<640x64xf32, #tpu.memory_space<vmem_shared>>
      tpu.enqueue_dma source(%arg5 : memref<640x64xf32, #tpu.memory_space<hbm>>) target(%dma_start3A_238 : memref<640x64xf32, #tpu.memory_space<vmem_shared>>) target_semaphore(%run_scoped3A : memref<!tpu.dma_semaphore, #tpu.memory_space<semaphore_mem>>)
      %dma_wait3A_239 = arith.constant 0 : i32
      %dma_wait3A_240 = tpu.memref_slice %arg27[%mul3A_2, %dma_wait3A_239] : memref<10240x64xf32, #tpu.memory_space<vmem_shared>> -> memref<640x64xf32, #tpu.memory_space<vmem_shared>>
      tpu.wait_dma2 semaphore(%run_scoped3A : memref<!tpu.dma_semaphore, #tpu.memory_space<semaphore_mem>>) src(%arg5 : memref<640x64xf32, #tpu.memory_space<hbm>>) dst(%dma_wait3A_240 : memref<640x64xf32, #tpu.memory_space<vmem_shared>>)
      tpu.yield
    }) : () -> ()
    %barrier3A = arith.constant 0 : index
    tpu.barrier barrier_id(%barrier3A)
    %dma_start3A = arith.constant 0 : i32
    %dma_start3A_3 = arith.constant 0 : i32
    %dma_start3A_4 = tpu.memref_slice %arg7[%dma_start3A, %dma_start3A_3] : memref<80x128xi32, #tpu.memory_space<vmem>> -> memref<1x128xi32, #tpu.memory_space<vmem>>
    %dma_start3A_5 = tpu.memref_squeeze %dma_start3A_4 : memref<1x128xi32, #tpu.memory_space<vmem>> -> memref<128xi32, #tpu.memory_space<vmem>>
    %dma_start3A_6 = arith.constant 0 : i32
    %dma_start3A_7 = arith.constant 0 : i32
    %dma_start3A_8 = tpu.memref_slice %arg2[%dma_start3A_6, %dma_start3A_7] : memref<10240x64xf32, #tpu.memory_space<hbm>> -> memref<10240x64xf32, #tpu.memory_space<hbm>>
    tpu.enqueue_indirect_dma source(%dma_start3A_8 : memref<10240x64xf32, #tpu.memory_space<hbm>>) target(%arg9 : memref<128x64xf32, #tpu.memory_space<vmem>>) offsets(%dma_start3A_5 : memref<128xi32, #tpu.memory_space<vmem>>) semaphore(%arg15 : memref<!tpu.dma_semaphore, #tpu.memory_space<semaphore_mem>>)
    %dma_start3A_9 = arith.constant 1 : i32
    %dma_start3A_10 = arith.constant 0 : i32
    %dma_start3A_11 = tpu.memref_slice %arg7[%dma_start3A_9, %dma_start3A_10] : memref<80x128xi32, #tpu.memory_space<vmem>> -> memref<1x128xi32, #tpu.memory_space<vmem>>
    %dma_start3A_12 = tpu.memref_squeeze %dma_start3A_11 : memref<1x128xi32, #tpu.memory_space<vmem>> -> memref<128xi32, #tpu.memory_space<vmem>>
    %dma_start3A_13 = arith.constant 0 : i32
    %dma_start3A_14 = arith.constant 0 : i32
    %dma_start3A_15 = tpu.memref_slice %arg2[%dma_start3A_13, %dma_start3A_14] : memref<10240x64xf32, #tpu.memory_space<hbm>> -> memref<10240x64xf32, #tpu.memory_space<hbm>>
    tpu.enqueue_indirect_dma source(%dma_start3A_15 : memref<10240x64xf32, #tpu.memory_space<hbm>>) target(%arg10 : memref<128x64xf32, #tpu.memory_space<vmem>>) offsets(%dma_start3A_12 : memref<128xi32, #tpu.memory_space<vmem>>) semaphore(%arg16 : memref<!tpu.dma_semaphore, #tpu.memory_space<semaphore_mem>>)
    %dma_start3A_16 = arith.constant 2 : i32
    %dma_start3A_17 = arith.constant 0 : i32
    %dma_start3A_18 = tpu.memref_slice %arg7[%dma_start3A_16, %dma_start3A_17] : memref<80x128xi32, #tpu.memory_space<vmem>> -> memref<1x128xi32, #tpu.memory_space<vmem>>
    %dma_start3A_19 = tpu.memref_squeeze %dma_start3A_18 : memref<1x128xi32, #tpu.memory_space<vmem>> -> memref<128xi32, #tpu.memory_space<vmem>>
    %dma_start3A_20 = arith.constant 0 : i32
    %dma_start3A_21 = arith.constant 0 : i32
    %dma_start3A_22 = tpu.memref_slice %arg2[%dma_start3A_20, %dma_start3A_21] : memref<10240x64xf32, #tpu.memory_space<hbm>> -> memref<10240x64xf32, #tpu.memory_space<hbm>>
    tpu.enqueue_indirect_dma source(%dma_start3A_22 : memref<10240x64xf32, #tpu.memory_space<hbm>>) target(%arg11 : memref<128x64xf32, #tpu.memory_space<vmem>>) offsets(%dma_start3A_19 : memref<128xi32, #tpu.memory_space<vmem>>) semaphore(%arg17 : memref<!tpu.dma_semaphore, #tpu.memory_space<semaphore_mem>>)
    %dma_wait3A = arith.constant 0 : i32
    %dma_wait3A_23 = arith.constant 0 : i32
    %dma_wait3A_24 = tpu.memref_slice %arg7[%dma_wait3A, %dma_wait3A_23] : memref<80x128xi32, #tpu.memory_space<vmem>> -> memref<1x128xi32, #tpu.memory_space<vmem>>
    %dma_wait3A_25 = tpu.memref_squeeze %dma_wait3A_24 : memref<1x128xi32, #tpu.memory_space<vmem>> -> memref<128xi32, #tpu.memory_space<vmem>>
    %dma_wait3A_26 = arith.constant 0 : i32
    %dma_wait3A_27 = arith.constant 0 : i32
    %dma_wait3A_28 = tpu.memref_slice %arg2[%dma_wait3A_26, %dma_wait3A_27] : memref<10240x64xf32, #tpu.memory_space<hbm>> -> memref<10240x64xf32, #tpu.memory_space<hbm>>
    tpu.wait_indirect_dma semaphore(%arg15 : memref<!tpu.dma_semaphore, #tpu.memory_space<semaphore_mem>>) src(%dma_wait3A_28 : memref<10240x64xf32, #tpu.memory_space<hbm>>) dst(%arg9 : memref<128x64xf32, #tpu.memory_space<vmem>>)
    %dma_start3A_29 = arith.constant 0 : i32
    %dma_start3A_30 = arith.constant 0 : i32
    %dma_start3A_31 = tpu.memref_slice %arg8[%dma_start3A_29, %dma_start3A_30] : memref<80x128xi32, #tpu.memory_space<vmem>> -> memref<1x128xi32, #tpu.memory_space<vmem>>
    %dma_start3A_32 = tpu.memref_squeeze %dma_start3A_31 : memref<1x128xi32, #tpu.memory_space<vmem>> -> memref<128xi32, #tpu.memory_space<vmem>>
    %dma_start3A_33 = arith.constant 0 : i32
    %dma_start3A_34 = arith.constant 0 : i32
    %dma_start3A_35 = tpu.memref_slice %arg27[%dma_start3A_33, %dma_start3A_34] : memref<10240x64xf32, #tpu.memory_space<vmem_shared>> -> memref<10240x64xf32, #tpu.memory_space<vmem_shared>>
    tpu.enqueue_indirect_dma source(%arg9 : memref<128x64xf32, #tpu.memory_space<vmem>>) target(%dma_start3A_35 : memref<10240x64xf32, #tpu.memory_space<vmem_shared>>) offsets(%dma_start3A_32 : memref<128xi32, #tpu.memory_space<vmem>>) semaphore(%arg21 : memref<!tpu.dma_semaphore, #tpu.memory_space<semaphore_mem>>) {add = true}
    %dma_start3A_36 = arith.constant 3 : i32
    %dma_start3A_37 = arith.constant 0 : i32
    %dma_start3A_38 = tpu.memref_slice %arg7[%dma_start3A_36, %dma_start3A_37] : memref<80x128xi32, #tpu.memory_space<vmem>> -> memref<1x128xi32, #tpu.memory_space<vmem>>
    %dma_start3A_39 = tpu.memref_squeeze %dma_start3A_38 : memref<1x128xi32, #tpu.memory_space<vmem>> -> memref<128xi32, #tpu.memory_space<vmem>>
    %dma_start3A_40 = arith.constant 0 : i32
    %dma_start3A_41 = arith.constant 0 : i32
    %dma_start3A_42 = tpu.memref_slice %arg2[%dma_start3A_40, %dma_start3A_41] : memref<10240x64xf32, #tpu.memory_space<hbm>> -> memref<10240x64xf32, #tpu.memory_space<hbm>>
    tpu.enqueue_indirect_dma source(%dma_start3A_42 : memref<10240x64xf32, #tpu.memory_space<hbm>>) target(%arg12 : memref<128x64xf32, #tpu.memory_space<vmem>>) offsets(%dma_start3A_39 : memref<128xi32, #tpu.memory_space<vmem>>) semaphore(%arg18 : memref<!tpu.dma_semaphore, #tpu.memory_space<semaphore_mem>>)
    %dma_wait3A_43 = arith.constant 1 : i32
    %dma_wait3A_44 = arith.constant 0 : i32
    %dma_wait3A_45 = tpu.memref_slice %arg7[%dma_wait3A_43, %dma_wait3A_44] : memref<80x128xi32, #tpu.memory_space<vmem>> -> memref<1x128xi32, #tpu.memory_space<vmem>>
    %dma_wait3A_46 = tpu.memref_squeeze %dma_wait3A_45 : memref<1x128xi32, #tpu.memory_space<vmem>> -> memref<128xi32, #tpu.memory_space<vmem>>
    %dma_wait3A_47 = arith.constant 0 : i32
    %dma_wait3A_48 = arith.constant 0 : i32
    %dma_wait3A_49 = tpu.memref_slice %arg2[%dma_wait3A_47, %dma_wait3A_48] : memref<10240x64xf32, #tpu.memory_space<hbm>> -> memref<10240x64xf32, #tpu.memory_space<hbm>>
    tpu.wait_indirect_dma semaphore(%arg16 : memref<!tpu.dma_semaphore, #tpu.memory_space<semaphore_mem>>) src(%dma_wait3A_49 : memref<10240x64xf32, #tpu.memory_space<hbm>>) dst(%arg10 : memref<128x64xf32, #tpu.memory_space<vmem>>)
    %dma_start3A_50 = arith.constant 1 : i32
    %dma_start3A_51 = arith.constant 0 : i32
    %dma_start3A_52 = tpu.memref_slice %arg8[%dma_start3A_50, %dma_start3A_51] : memref<80x128xi32, #tpu.memory_space<vmem>> -> memref<1x128xi32, #tpu.memory_space<vmem>>
    %dma_start3A_53 = tpu.memref_squeeze %dma_start3A_52 : memref<1x128xi32, #tpu.memory_space<vmem>> -> memref<128xi32, #tpu.memory_space<vmem>>
    %dma_start3A_54 = arith.constant 0 : i32
    %dma_start3A_55 = arith.constant 0 : i32
    %dma_start3A_56 = tpu.memref_slice %arg27[%dma_start3A_54, %dma_start3A_55] : memref<10240x64xf32, #tpu.memory_space<vmem_shared>> -> memref<10240x64xf32, #tpu.memory_space<vmem_shared>>
    tpu.enqueue_indirect_dma source(%arg10 : memref<128x64xf32, #tpu.memory_space<vmem>>) target(%dma_start3A_56 : memref<10240x64xf32, #tpu.memory_space<vmem_shared>>) offsets(%dma_start3A_53 : memref<128xi32, #tpu.memory_space<vmem>>) semaphore(%arg22 : memref<!tpu.dma_semaphore, #tpu.memory_space<semaphore_mem>>) {add = true}
    %dma_start3A_57 = arith.constant 4 : i32
    %dma_start3A_58 = arith.constant 0 : i32
    %dma_start3A_59 = tpu.memref_slice %arg7[%dma_start3A_57, %dma_start3A_58] : memref<80x128xi32, #tpu.memory_space<vmem>> -> memref<1x128xi32, #tpu.memory_space<vmem>>
    %dma_start3A_60 = tpu.memref_squeeze %dma_start3A_59 : memref<1x128xi32, #tpu.memory_space<vmem>> -> memref<128xi32, #tpu.memory_space<vmem>>
    %dma_start3A_61 = arith.constant 0 : i32
    %dma_start3A_62 = arith.constant 0 : i32
    %dma_start3A_63 = tpu.memref_slice %arg2[%dma_start3A_61, %dma_start3A_62] : memref<10240x64xf32, #tpu.memory_space<hbm>> -> memref<10240x64xf32, #tpu.memory_space<hbm>>
    tpu.enqueue_indirect_dma source(%dma_start3A_63 : memref<10240x64xf32, #tpu.memory_space<hbm>>) target(%arg13 : memref<128x64xf32, #tpu.memory_space<vmem>>) offsets(%dma_start3A_60 : memref<128xi32, #tpu.memory_space<vmem>>) semaphore(%arg19 : memref<!tpu.dma_semaphore, #tpu.memory_space<semaphore_mem>>)
    %dma_wait3A_64 = arith.constant 2 : i32
    %dma_wait3A_65 = arith.constant 0 : i32
    %dma_wait3A_66 = tpu.memref_slice %arg7[%dma_wait3A_64, %dma_wait3A_65] : memref<80x128xi32, #tpu.memory_space<vmem>> -> memref<1x128xi32, #tpu.memory_space<vmem>>
    %dma_wait3A_67 = tpu.memref_squeeze %dma_wait3A_66 : memref<1x128xi32, #tpu.memory_space<vmem>> -> memref<128xi32, #tpu.memory_space<vmem>>
    %dma_wait3A_68 = arith.constant 0 : i32
    %dma_wait3A_69 = arith.constant 0 : i32
    %dma_wait3A_70 = tpu.memref_slice %arg2[%dma_wait3A_68, %dma_wait3A_69] : memref<10240x64xf32, #tpu.memory_space<hbm>> -> memref<10240x64xf32, #tpu.memory_space<hbm>>
    tpu.wait_indirect_dma semaphore(%arg17 : memref<!tpu.dma_semaphore, #tpu.memory_space<semaphore_mem>>) src(%dma_wait3A_70 : memref<10240x64xf32, #tpu.memory_space<hbm>>) dst(%arg11 : memref<128x64xf32, #tpu.memory_space<vmem>>)
    %dma_start3A_71 = arith.constant 2 : i32
    %dma_start3A_72 = arith.constant 0 : i32
    %dma_start3A_73 = tpu.memref_slice %arg8[%dma_start3A_71, %dma_start3A_72] : memref<80x128xi32, #tpu.memory_space<vmem>> -> memref<1x128xi32, #tpu.memory_space<vmem>>
    %dma_start3A_74 = tpu.memref_squeeze %dma_start3A_73 : memref<1x128xi32, #tpu.memory_space<vmem>> -> memref<128xi32, #tpu.memory_space<vmem>>
    %dma_start3A_75 = arith.constant 0 : i32
    %dma_start3A_76 = arith.constant 0 : i32
    %dma_start3A_77 = tpu.memref_slice %arg27[%dma_start3A_75, %dma_start3A_76] : memref<10240x64xf32, #tpu.memory_space<vmem_shared>> -> memref<10240x64xf32, #tpu.memory_space<vmem_shared>>
    tpu.enqueue_indirect_dma source(%arg11 : memref<128x64xf32, #tpu.memory_space<vmem>>) target(%dma_start3A_77 : memref<10240x64xf32, #tpu.memory_space<vmem_shared>>) offsets(%dma_start3A_74 : memref<128xi32, #tpu.memory_space<vmem>>) semaphore(%arg23 : memref<!tpu.dma_semaphore, #tpu.memory_space<semaphore_mem>>) {add = true}
    %dma_start3A_78 = arith.constant 5 : i32
    %dma_start3A_79 = arith.constant 0 : i32
    %dma_start3A_80 = tpu.memref_slice %arg7[%dma_start3A_78, %dma_start3A_79] : memref<80x128xi32, #tpu.memory_space<vmem>> -> memref<1x128xi32, #tpu.memory_space<vmem>>
    %dma_start3A_81 = tpu.memref_squeeze %dma_start3A_80 : memref<1x128xi32, #tpu.memory_space<vmem>> -> memref<128xi32, #tpu.memory_space<vmem>>
    %dma_start3A_82 = arith.constant 0 : i32
    %dma_start3A_83 = arith.constant 0 : i32
    %dma_start3A_84 = tpu.memref_slice %arg2[%dma_start3A_82, %dma_start3A_83] : memref<10240x64xf32, #tpu.memory_space<hbm>> -> memref<10240x64xf32, #tpu.memory_space<hbm>>
    tpu.enqueue_indirect_dma source(%dma_start3A_84 : memref<10240x64xf32, #tpu.memory_space<hbm>>) target(%arg14 : memref<128x64xf32, #tpu.memory_space<vmem>>) offsets(%dma_start3A_81 : memref<128xi32, #tpu.memory_space<vmem>>) semaphore(%arg20 : memref<!tpu.dma_semaphore, #tpu.memory_space<semaphore_mem>>)
    %scan3A = arith.constant 0 : i32
    %scan3A_85 = arith.constant 0 : i32
    %scan3A_86 = arith.constant 12 : i32
    %scan3A_87 = arith.addi %scan3A_85, %scan3A_86 : i32
    %scan3A_88 = arith.constant 1 : i32
    scf.for %scan3A_237 = %scan3A_85 to %scan3A_87 step %scan3A_88  : i32 {
      %mul3A_238 = arith.constant 6 : i32
      %mul3A_239 = arith.muli %mul3A_238, %scan3A_237 : i32
      %add3A_240 = arith.constant 3 : i32
      %add3A_241 = arith.addi %add3A_240, %mul3A_239 : i32
      %add3A_242 = arith.constant 0 : i32
      %add3A_243 = arith.addi %add3A_241, %add3A_242 : i32
      %dma_wait3A_244 = arith.constant 0 : i32
      %dma_wait3A_245 = tpu.memref_slice %arg7[%add3A_243, %dma_wait3A_244] : memref<80x128xi32, #tpu.memory_space<vmem>> -> memref<1x128xi32, #tpu.memory_space<vmem>>
      %dma_wait3A_246 = tpu.memref_squeeze %dma_wait3A_245 : memref<1x128xi32, #tpu.memory_space<vmem>> -> memref<128xi32, #tpu.memory_space<vmem>>
      %dma_wait3A_247 = arith.constant 0 : i32
      %dma_wait3A_248 = arith.constant 0 : i32
      %dma_wait3A_249 = tpu.memref_slice %arg2[%dma_wait3A_247, %dma_wait3A_248] : memref<10240x64xf32, #tpu.memory_space<hbm>> -> memref<10240x64xf32, #tpu.memory_space<hbm>>
      tpu.wait_indirect_dma semaphore(%arg18 : memref<!tpu.dma_semaphore, #tpu.memory_space<semaphore_mem>>) src(%dma_wait3A_249 : memref<10240x64xf32, #tpu.memory_space<hbm>>) dst(%arg12 : memref<128x64xf32, #tpu.memory_space<vmem>>)
      %dma_start3A_250 = arith.constant 0 : i32
      %dma_start3A_251 = tpu.memref_slice %arg8[%add3A_243, %dma_start3A_250] : memref<80x128xi32, #tpu.memory_space<vmem>> -> memref<1x128xi32, #tpu.memory_space<vmem>>
      %dma_start3A_252 = tpu.memref_squeeze %dma_start3A_251 : memref<1x128xi32, #tpu.memory_space<vmem>> -> memref<128xi32, #tpu.memory_space<vmem>>
      %dma_start3A_253 = arith.constant 0 : i32
      %dma_start3A_254 = arith.constant 0 : i32
      %dma_start3A_255 = tpu.memref_slice %arg27[%dma_start3A_253, %dma_start3A_254] : memref<10240x64xf32, #tpu.memory_space<vmem_shared>> -> memref<10240x64xf32, #tpu.memory_space<vmem_shared>>
      tpu.enqueue_indirect_dma source(%arg12 : memref<128x64xf32, #tpu.memory_space<vmem>>) target(%dma_start3A_255 : memref<10240x64xf32, #tpu.memory_space<vmem_shared>>) offsets(%dma_start3A_252 : memref<128xi32, #tpu.memory_space<vmem>>) semaphore(%arg24 : memref<!tpu.dma_semaphore, #tpu.memory_space<semaphore_mem>>) {add = true}
      %sub3A = arith.constant 3 : i32
      %sub3A_256 = arith.subi %add3A_243, %sub3A : i32
      %dma_wait3A_257 = arith.constant 0 : i32
      %dma_wait3A_258 = tpu.memref_slice %arg8[%sub3A_256, %dma_wait3A_257] : memref<80x128xi32, #tpu.memory_space<vmem>> -> memref<1x128xi32, #tpu.memory_space<vmem>>
      %dma_wait3A_259 = tpu.memref_squeeze %dma_wait3A_258 : memref<1x128xi32, #tpu.memory_space<vmem>> -> memref<128xi32, #tpu.memory_space<vmem>>
      %dma_wait3A_260 = arith.constant 0 : i32
      %dma_wait3A_261 = arith.constant 0 : i32
      %dma_wait3A_262 = tpu.memref_slice %arg27[%dma_wait3A_260, %dma_wait3A_261] : memref<10240x64xf32, #tpu.memory_space<vmem_shared>> -> memref<10240x64xf32, #tpu.memory_space<vmem_shared>>
      tpu.wait_indirect_dma semaphore(%arg21 : memref<!tpu.dma_semaphore, #tpu.memory_space<semaphore_mem>>) src(%arg9 : memref<128x64xf32, #tpu.memory_space<vmem>>) dst(%dma_wait3A_262 : memref<10240x64xf32, #tpu.memory_space<vmem_shared>>)
      %add3A_263 = arith.constant 3 : i32
      %add3A_264 = arith.addi %add3A_243, %add3A_263 : i32
      %dma_start3A_265 = arith.constant 0 : i32
      %dma_start3A_266 = tpu.memref_slice %arg7[%add3A_264, %dma_start3A_265] : memref<80x128xi32, #tpu.memory_space<vmem>> -> memref<1x128xi32, #tpu.memory_space<vmem>>
      %dma_start3A_267 = tpu.memref_squeeze %dma_start3A_266 : memref<1x128xi32, #tpu.memory_space<vmem>> -> memref<128xi32, #tpu.memory_space<vmem>>
      %dma_start3A_268 = arith.constant 0 : i32
      %dma_start3A_269 = arith.constant 0 : i32
      %dma_start3A_270 = tpu.memref_slice %arg2[%dma_start3A_268, %dma_start3A_269] : memref<10240x64xf32, #tpu.memory_space<hbm>> -> memref<10240x64xf32, #tpu.memory_space<hbm>>
      tpu.enqueue_indirect_dma source(%dma_start3A_270 : memref<10240x64xf32, #tpu.memory_space<hbm>>) target(%arg9 : memref<128x64xf32, #tpu.memory_space<vmem>>) offsets(%dma_start3A_267 : memref<128xi32, #tpu.memory_space<vmem>>) semaphore(%arg15 : memref<!tpu.dma_semaphore, #tpu.memory_space<semaphore_mem>>)
      %add3A_271 = arith.constant 1 : i32
      %add3A_272 = arith.addi %add3A_241, %add3A_271 : i32
      %dma_wait3A_273 = arith.constant 0 : i32
      %dma_wait3A_274 = tpu.memref_slice %arg7[%add3A_272, %dma_wait3A_273] : memref<80x128xi32, #tpu.memory_space<vmem>> -> memref<1x128xi32, #tpu.memory_space<vmem>>
      %dma_wait3A_275 = tpu.memref_squeeze %dma_wait3A_274 : memref<1x128xi32, #tpu.memory_space<vmem>> -> memref<128xi32, #tpu.memory_space<vmem>>
      %dma_wait3A_276 = arith.constant 0 : i32
      %dma_wait3A_277 = arith.constant 0 : i32
      %dma_wait3A_278 = tpu.memref_slice %arg2[%dma_wait3A_276, %dma_wait3A_277] : memref<10240x64xf32, #tpu.memory_space<hbm>> -> memref<10240x64xf32, #tpu.memory_space<hbm>>
      tpu.wait_indirect_dma semaphore(%arg19 : memref<!tpu.dma_semaphore, #tpu.memory_space<semaphore_mem>>) src(%dma_wait3A_278 : memref<10240x64xf32, #tpu.memory_space<hbm>>) dst(%arg13 : memref<128x64xf32, #tpu.memory_space<vmem>>)
      %dma_start3A_279 = arith.constant 0 : i32
      %dma_start3A_280 = tpu.memref_slice %arg8[%add3A_272, %dma_start3A_279] : memref<80x128xi32, #tpu.memory_space<vmem>> -> memref<1x128xi32, #tpu.memory_space<vmem>>
      %dma_start3A_281 = tpu.memref_squeeze %dma_start3A_280 : memref<1x128xi32, #tpu.memory_space<vmem>> -> memref<128xi32, #tpu.memory_space<vmem>>
      %dma_start3A_282 = arith.constant 0 : i32
      %dma_start3A_283 = arith.constant 0 : i32
      %dma_start3A_284 = tpu.memref_slice %arg27[%dma_start3A_282, %dma_start3A_283] : memref<10240x64xf32, #tpu.memory_space<vmem_shared>> -> memref<10240x64xf32, #tpu.memory_space<vmem_shared>>
      tpu.enqueue_indirect_dma source(%arg13 : memref<128x64xf32, #tpu.memory_space<vmem>>) target(%dma_start3A_284 : memref<10240x64xf32, #tpu.memory_space<vmem_shared>>) offsets(%dma_start3A_281 : memref<128xi32, #tpu.memory_space<vmem>>) semaphore(%arg25 : memref<!tpu.dma_semaphore, #tpu.memory_space<semaphore_mem>>) {add = true}
      %sub3A_285 = arith.constant 3 : i32
      %sub3A_286 = arith.subi %add3A_272, %sub3A_285 : i32
      %dma_wait3A_287 = arith.constant 0 : i32
      %dma_wait3A_288 = tpu.memref_slice %arg8[%sub3A_286, %dma_wait3A_287] : memref<80x128xi32, #tpu.memory_space<vmem>> -> memref<1x128xi32, #tpu.memory_space<vmem>>
      %dma_wait3A_289 = tpu.memref_squeeze %dma_wait3A_288 : memref<1x128xi32, #tpu.memory_space<vmem>> -> memref<128xi32, #tpu.memory_space<vmem>>
      %dma_wait3A_290 = arith.constant 0 : i32
      %dma_wait3A_291 = arith.constant 0 : i32
      %dma_wait3A_292 = tpu.memref_slice %arg27[%dma_wait3A_290, %dma_wait3A_291] : memref<10240x64xf32, #tpu.memory_space<vmem_shared>> -> memref<10240x64xf32, #tpu.memory_space<vmem_shared>>
      tpu.wait_indirect_dma semaphore(%arg22 : memref<!tpu.dma_semaphore, #tpu.memory_space<semaphore_mem>>) src(%arg10 : memref<128x64xf32, #tpu.memory_space<vmem>>) dst(%dma_wait3A_292 : memref<10240x64xf32, #tpu.memory_space<vmem_shared>>)
      %add3A_293 = arith.constant 3 : i32
      %add3A_294 = arith.addi %add3A_272, %add3A_293 : i32
      %dma_start3A_295 = arith.constant 0 : i32
      %dma_start3A_296 = tpu.memref_slice %arg7[%add3A_294, %dma_start3A_295] : memref<80x128xi32, #tpu.memory_space<vmem>> -> memref<1x128xi32, #tpu.memory_space<vmem>>
      %dma_start3A_297 = tpu.memref_squeeze %dma_start3A_296 : memref<1x128xi32, #tpu.memory_space<vmem>> -> memref<128xi32, #tpu.memory_space<vmem>>
      %dma_start3A_298 = arith.constant 0 : i32
      %dma_start3A_299 = arith.constant 0 : i32
      %dma_start3A_300 = tpu.memref_slice %arg2[%dma_start3A_298, %dma_start3A_299] : memref<10240x64xf32, #tpu.memory_space<hbm>> -> memref<10240x64xf32, #tpu.memory_space<hbm>>
      tpu.enqueue_indirect_dma source(%dma_start3A_300 : memref<10240x64xf32, #tpu.memory_space<hbm>>) target(%arg10 : memref<128x64xf32, #tpu.memory_space<vmem>>) offsets(%dma_start3A_297 : memref<128xi32, #tpu.memory_space<vmem>>) semaphore(%arg16 : memref<!tpu.dma_semaphore, #tpu.memory_space<semaphore_mem>>)
      %add3A_301 = arith.constant 2 : i32
      %add3A_302 = arith.addi %add3A_241, %add3A_301 : i32
      %dma_wait3A_303 = arith.constant 0 : i32
      %dma_wait3A_304 = tpu.memref_slice %arg7[%add3A_302, %dma_wait3A_303] : memref<80x128xi32, #tpu.memory_space<vmem>> -> memref<1x128xi32, #tpu.memory_space<vmem>>
      %dma_wait3A_305 = tpu.memref_squeeze %dma_wait3A_304 : memref<1x128xi32, #tpu.memory_space<vmem>> -> memref<128xi32, #tpu.memory_space<vmem>>
      %dma_wait3A_306 = arith.constant 0 : i32
      %dma_wait3A_307 = arith.constant 0 : i32
      %dma_wait3A_308 = tpu.memref_slice %arg2[%dma_wait3A_306, %dma_wait3A_307] : memref<10240x64xf32, #tpu.memory_space<hbm>> -> memref<10240x64xf32, #tpu.memory_space<hbm>>
      tpu.wait_indirect_dma semaphore(%arg20 : memref<!tpu.dma_semaphore, #tpu.memory_space<semaphore_mem>>) src(%dma_wait3A_308 : memref<10240x64xf32, #tpu.memory_space<hbm>>) dst(%arg14 : memref<128x64xf32, #tpu.memory_space<vmem>>)
      %dma_start3A_309 = arith.constant 0 : i32
      %dma_start3A_310 = tpu.memref_slice %arg8[%add3A_302, %dma_start3A_309] : memref<80x128xi32, #tpu.memory_space<vmem>> -> memref<1x128xi32, #tpu.memory_space<vmem>>
      %dma_start3A_311 = tpu.memref_squeeze %dma_start3A_310 : memref<1x128xi32, #tpu.memory_space<vmem>> -> memref<128xi32, #tpu.memory_space<vmem>>
      %dma_start3A_312 = arith.constant 0 : i32
      %dma_start3A_313 = arith.constant 0 : i32
      %dma_start3A_314 = tpu.memref_slice %arg27[%dma_start3A_312, %dma_start3A_313] : memref<10240x64xf32, #tpu.memory_space<vmem_shared>> -> memref<10240x64xf32, #tpu.memory_space<vmem_shared>>
      tpu.enqueue_indirect_dma source(%arg14 : memref<128x64xf32, #tpu.memory_space<vmem>>) target(%dma_start3A_314 : memref<10240x64xf32, #tpu.memory_space<vmem_shared>>) offsets(%dma_start3A_311 : memref<128xi32, #tpu.memory_space<vmem>>) semaphore(%arg26 : memref<!tpu.dma_semaphore, #tpu.memory_space<semaphore_mem>>) {add = true}
      %sub3A_315 = arith.constant 3 : i32
      %sub3A_316 = arith.subi %add3A_302, %sub3A_315 : i32
      %dma_wait3A_317 = arith.constant 0 : i32
      %dma_wait3A_318 = tpu.memref_slice %arg8[%sub3A_316, %dma_wait3A_317] : memref<80x128xi32, #tpu.memory_space<vmem>> -> memref<1x128xi32, #tpu.memory_space<vmem>>
      %dma_wait3A_319 = tpu.memref_squeeze %dma_wait3A_318 : memref<1x128xi32, #tpu.memory_space<vmem>> -> memref<128xi32, #tpu.memory_space<vmem>>
      %dma_wait3A_320 = arith.constant 0 : i32
      %dma_wait3A_321 = arith.constant 0 : i32
      %dma_wait3A_322 = tpu.memref_slice %arg27[%dma_wait3A_320, %dma_wait3A_321] : memref<10240x64xf32, #tpu.memory_space<vmem_shared>> -> memref<10240x64xf32, #tpu.memory_space<vmem_shared>>
      tpu.wait_indirect_dma semaphore(%arg23 : memref<!tpu.dma_semaphore, #tpu.memory_space<semaphore_mem>>) src(%arg11 : memref<128x64xf32, #tpu.memory_space<vmem>>) dst(%dma_wait3A_322 : memref<10240x64xf32, #tpu.memory_space<vmem_shared>>)
      %add3A_323 = arith.constant 3 : i32
      %add3A_324 = arith.addi %add3A_302, %add3A_323 : i32
      %dma_start3A_325 = arith.constant 0 : i32
      %dma_start3A_326 = tpu.memref_slice %arg7[%add3A_324, %dma_start3A_325] : memref<80x128xi32, #tpu.memory_space<vmem>> -> memref<1x128xi32, #tpu.memory_space<vmem>>
      %dma_start3A_327 = tpu.memref_squeeze %dma_start3A_326 : memref<1x128xi32, #tpu.memory_space<vmem>> -> memref<128xi32, #tpu.memory_space<vmem>>
      %dma_start3A_328 = arith.constant 0 : i32
      %dma_start3A_329 = arith.constant 0 : i32
      %dma_start3A_330 = tpu.memref_slice %arg2[%dma_start3A_328, %dma_start3A_329] : memref<10240x64xf32, #tpu.memory_space<hbm>> -> memref<10240x64xf32, #tpu.memory_space<hbm>>
      tpu.enqueue_indirect_dma source(%dma_start3A_330 : memref<10240x64xf32, #tpu.memory_space<hbm>>) target(%arg11 : memref<128x64xf32, #tpu.memory_space<vmem>>) offsets(%dma_start3A_327 : memref<128xi32, #tpu.memory_space<vmem>>) semaphore(%arg17 : memref<!tpu.dma_semaphore, #tpu.memory_space<semaphore_mem>>)
      %add3A_331 = arith.constant 3 : i32
      %add3A_332 = arith.addi %add3A_241, %add3A_331 : i32
      %dma_wait3A_333 = arith.constant 0 : i32
      %dma_wait3A_334 = tpu.memref_slice %arg7[%add3A_332, %dma_wait3A_333] : memref<80x128xi32, #tpu.memory_space<vmem>> -> memref<1x128xi32, #tpu.memory_space<vmem>>
      %dma_wait3A_335 = tpu.memref_squeeze %dma_wait3A_334 : memref<1x128xi32, #tpu.memory_space<vmem>> -> memref<128xi32, #tpu.memory_space<vmem>>
      %dma_wait3A_336 = arith.constant 0 : i32
      %dma_wait3A_337 = arith.constant 0 : i32
      %dma_wait3A_338 = tpu.memref_slice %arg2[%dma_wait3A_336, %dma_wait3A_337] : memref<10240x64xf32, #tpu.memory_space<hbm>> -> memref<10240x64xf32, #tpu.memory_space<hbm>>
      tpu.wait_indirect_dma semaphore(%arg15 : memref<!tpu.dma_semaphore, #tpu.memory_space<semaphore_mem>>) src(%dma_wait3A_338 : memref<10240x64xf32, #tpu.memory_space<hbm>>) dst(%arg9 : memref<128x64xf32, #tpu.memory_space<vmem>>)
      %dma_start3A_339 = arith.constant 0 : i32
      %dma_start3A_340 = tpu.memref_slice %arg8[%add3A_332, %dma_start3A_339] : memref<80x128xi32, #tpu.memory_space<vmem>> -> memref<1x128xi32, #tpu.memory_space<vmem>>
      %dma_start3A_341 = tpu.memref_squeeze %dma_start3A_340 : memref<1x128xi32, #tpu.memory_space<vmem>> -> memref<128xi32, #tpu.memory_space<vmem>>
      %dma_start3A_342 = arith.constant 0 : i32
      %dma_start3A_343 = arith.constant 0 : i32
      %dma_start3A_344 = tpu.memref_slice %arg27[%dma_start3A_342, %dma_start3A_343] : memref<10240x64xf32, #tpu.memory_space<vmem_shared>> -> memref<10240x64xf32, #tpu.memory_space<vmem_shared>>
      tpu.enqueue_indirect_dma source(%arg9 : memref<128x64xf32, #tpu.memory_space<vmem>>) target(%dma_start3A_344 : memref<10240x64xf32, #tpu.memory_space<vmem_shared>>) offsets(%dma_start3A_341 : memref<128xi32, #tpu.memory_space<vmem>>) semaphore(%arg21 : memref<!tpu.dma_semaphore, #tpu.memory_space<semaphore_mem>>) {add = true}
      %sub3A_345 = arith.constant 3 : i32
      %sub3A_346 = arith.subi %add3A_332, %sub3A_345 : i32
      %dma_wait3A_347 = arith.constant 0 : i32
      %dma_wait3A_348 = tpu.memref_slice %arg8[%sub3A_346, %dma_wait3A_347] : memref<80x128xi32, #tpu.memory_space<vmem>> -> memref<1x128xi32, #tpu.memory_space<vmem>>
      %dma_wait3A_349 = tpu.memref_squeeze %dma_wait3A_348 : memref<1x128xi32, #tpu.memory_space<vmem>> -> memref<128xi32, #tpu.memory_space<vmem>>
      %dma_wait3A_350 = arith.constant 0 : i32
      %dma_wait3A_351 = arith.constant 0 : i32
      %dma_wait3A_352 = tpu.memref_slice %arg27[%dma_wait3A_350, %dma_wait3A_351] : memref<10240x64xf32, #tpu.memory_space<vmem_shared>> -> memref<10240x64xf32, #tpu.memory_space<vmem_shared>>
      tpu.wait_indirect_dma semaphore(%arg24 : memref<!tpu.dma_semaphore, #tpu.memory_space<semaphore_mem>>) src(%arg12 : memref<128x64xf32, #tpu.memory_space<vmem>>) dst(%dma_wait3A_352 : memref<10240x64xf32, #tpu.memory_space<vmem_shared>>)
      %add3A_353 = arith.constant 3 : i32
      %add3A_354 = arith.addi %add3A_332, %add3A_353 : i32
      %dma_start3A_355 = arith.constant 0 : i32
      %dma_start3A_356 = tpu.memref_slice %arg7[%add3A_354, %dma_start3A_355] : memref<80x128xi32, #tpu.memory_space<vmem>> -> memref<1x128xi32, #tpu.memory_space<vmem>>
      %dma_start3A_357 = tpu.memref_squeeze %dma_start3A_356 : memref<1x128xi32, #tpu.memory_space<vmem>> -> memref<128xi32, #tpu.memory_space<vmem>>
      %dma_start3A_358 = arith.constant 0 : i32
      %dma_start3A_359 = arith.constant 0 : i32
      %dma_start3A_360 = tpu.memref_slice %arg2[%dma_start3A_358, %dma_start3A_359] : memref<10240x64xf32, #tpu.memory_space<hbm>> -> memref<10240x64xf32, #tpu.memory_space<hbm>>
      tpu.enqueue_indirect_dma source(%dma_start3A_360 : memref<10240x64xf32, #tpu.memory_space<hbm>>) target(%arg12 : memref<128x64xf32, #tpu.memory_space<vmem>>) offsets(%dma_start3A_357 : memref<128xi32, #tpu.memory_space<vmem>>) semaphore(%arg18 : memref<!tpu.dma_semaphore, #tpu.memory_space<semaphore_mem>>)
      %add3A_361 = arith.constant 4 : i32
      %add3A_362 = arith.addi %add3A_241, %add3A_361 : i32
      %dma_wait3A_363 = arith.constant 0 : i32
      %dma_wait3A_364 = tpu.memref_slice %arg7[%add3A_362, %dma_wait3A_363] : memref<80x128xi32, #tpu.memory_space<vmem>> -> memref<1x128xi32, #tpu.memory_space<vmem>>
      %dma_wait3A_365 = tpu.memref_squeeze %dma_wait3A_364 : memref<1x128xi32, #tpu.memory_space<vmem>> -> memref<128xi32, #tpu.memory_space<vmem>>
      %dma_wait3A_366 = arith.constant 0 : i32
      %dma_wait3A_367 = arith.constant 0 : i32
      %dma_wait3A_368 = tpu.memref_slice %arg2[%dma_wait3A_366, %dma_wait3A_367] : memref<10240x64xf32, #tpu.memory_space<hbm>> -> memref<10240x64xf32, #tpu.memory_space<hbm>>
      tpu.wait_indirect_dma semaphore(%arg16 : memref<!tpu.dma_semaphore, #tpu.memory_space<semaphore_mem>>) src(%dma_wait3A_368 : memref<10240x64xf32, #tpu.memory_space<hbm>>) dst(%arg10 : memref<128x64xf32, #tpu.memory_space<vmem>>)
      %dma_start3A_369 = arith.constant 0 : i32
      %dma_start3A_370 = tpu.memref_slice %arg8[%add3A_362, %dma_start3A_369] : memref<80x128xi32, #tpu.memory_space<vmem>> -> memref<1x128xi32, #tpu.memory_space<vmem>>
      %dma_start3A_371 = tpu.memref_squeeze %dma_start3A_370 : memref<1x128xi32, #tpu.memory_space<vmem>> -> memref<128xi32, #tpu.memory_space<vmem>>
      %dma_start3A_372 = arith.constant 0 : i32
      %dma_start3A_373 = arith.constant 0 : i32
      %dma_start3A_374 = tpu.memref_slice %arg27[%dma_start3A_372, %dma_start3A_373] : memref<10240x64xf32, #tpu.memory_space<vmem_shared>> -> memref<10240x64xf32, #tpu.memory_space<vmem_shared>>
      tpu.enqueue_indirect_dma source(%arg10 : memref<128x64xf32, #tpu.memory_space<vmem>>) target(%dma_start3A_374 : memref<10240x64xf32, #tpu.memory_space<vmem_shared>>) offsets(%dma_start3A_371 : memref<128xi32, #tpu.memory_space<vmem>>) semaphore(%arg22 : memref<!tpu.dma_semaphore, #tpu.memory_space<semaphore_mem>>) {add = true}
      %sub3A_375 = arith.constant 3 : i32
      %sub3A_376 = arith.subi %add3A_362, %sub3A_375 : i32
      %dma_wait3A_377 = arith.constant 0 : i32
      %dma_wait3A_378 = tpu.memref_slice %arg8[%sub3A_376, %dma_wait3A_377] : memref<80x128xi32, #tpu.memory_space<vmem>> -> memref<1x128xi32, #tpu.memory_space<vmem>>
      %dma_wait3A_379 = tpu.memref_squeeze %dma_wait3A_378 : memref<1x128xi32, #tpu.memory_space<vmem>> -> memref<128xi32, #tpu.memory_space<vmem>>
      %dma_wait3A_380 = arith.constant 0 : i32
      %dma_wait3A_381 = arith.constant 0 : i32
      %dma_wait3A_382 = tpu.memref_slice %arg27[%dma_wait3A_380, %dma_wait3A_381] : memref<10240x64xf32, #tpu.memory_space<vmem_shared>> -> memref<10240x64xf32, #tpu.memory_space<vmem_shared>>
      tpu.wait_indirect_dma semaphore(%arg25 : memref<!tpu.dma_semaphore, #tpu.memory_space<semaphore_mem>>) src(%arg13 : memref<128x64xf32, #tpu.memory_space<vmem>>) dst(%dma_wait3A_382 : memref<10240x64xf32, #tpu.memory_space<vmem_shared>>)
      %add3A_383 = arith.constant 3 : i32
      %add3A_384 = arith.addi %add3A_362, %add3A_383 : i32
      %dma_start3A_385 = arith.constant 0 : i32
      %dma_start3A_386 = tpu.memref_slice %arg7[%add3A_384, %dma_start3A_385] : memref<80x128xi32, #tpu.memory_space<vmem>> -> memref<1x128xi32, #tpu.memory_space<vmem>>
      %dma_start3A_387 = tpu.memref_squeeze %dma_start3A_386 : memref<1x128xi32, #tpu.memory_space<vmem>> -> memref<128xi32, #tpu.memory_space<vmem>>
      %dma_start3A_388 = arith.constant 0 : i32
      %dma_start3A_389 = arith.constant 0 : i32
      %dma_start3A_390 = tpu.memref_slice %arg2[%dma_start3A_388, %dma_start3A_389] : memref<10240x64xf32, #tpu.memory_space<hbm>> -> memref<10240x64xf32, #tpu.memory_space<hbm>>
      tpu.enqueue_indirect_dma source(%dma_start3A_390 : memref<10240x64xf32, #tpu.memory_space<hbm>>) target(%arg13 : memref<128x64xf32, #tpu.memory_space<vmem>>) offsets(%dma_start3A_387 : memref<128xi32, #tpu.memory_space<vmem>>) semaphore(%arg19 : memref<!tpu.dma_semaphore, #tpu.memory_space<semaphore_mem>>)
      %add3A_391 = arith.constant 5 : i32
      %add3A_392 = arith.addi %add3A_241, %add3A_391 : i32
      %dma_wait3A_393 = arith.constant 0 : i32
      %dma_wait3A_394 = tpu.memref_slice %arg7[%add3A_392, %dma_wait3A_393] : memref<80x128xi32, #tpu.memory_space<vmem>> -> memref<1x128xi32, #tpu.memory_space<vmem>>
      %dma_wait3A_395 = tpu.memref_squeeze %dma_wait3A_394 : memref<1x128xi32, #tpu.memory_space<vmem>> -> memref<128xi32, #tpu.memory_space<vmem>>
      %dma_wait3A_396 = arith.constant 0 : i32
      %dma_wait3A_397 = arith.constant 0 : i32
      %dma_wait3A_398 = tpu.memref_slice %arg2[%dma_wait3A_396, %dma_wait3A_397] : memref<10240x64xf32, #tpu.memory_space<hbm>> -> memref<10240x64xf32, #tpu.memory_space<hbm>>
      tpu.wait_indirect_dma semaphore(%arg17 : memref<!tpu.dma_semaphore, #tpu.memory_space<semaphore_mem>>) src(%dma_wait3A_398 : memref<10240x64xf32, #tpu.memory_space<hbm>>) dst(%arg11 : memref<128x64xf32, #tpu.memory_space<vmem>>)
      %dma_start3A_399 = arith.constant 0 : i32
      %dma_start3A_400 = tpu.memref_slice %arg8[%add3A_392, %dma_start3A_399] : memref<80x128xi32, #tpu.memory_space<vmem>> -> memref<1x128xi32, #tpu.memory_space<vmem>>
      %dma_start3A_401 = tpu.memref_squeeze %dma_start3A_400 : memref<1x128xi32, #tpu.memory_space<vmem>> -> memref<128xi32, #tpu.memory_space<vmem>>
      %dma_start3A_402 = arith.constant 0 : i32
      %dma_start3A_403 = arith.constant 0 : i32
      %dma_start3A_404 = tpu.memref_slice %arg27[%dma_start3A_402, %dma_start3A_403] : memref<10240x64xf32, #tpu.memory_space<vmem_shared>> -> memref<10240x64xf32, #tpu.memory_space<vmem_shared>>
      tpu.enqueue_indirect_dma source(%arg11 : memref<128x64xf32, #tpu.memory_space<vmem>>) target(%dma_start3A_404 : memref<10240x64xf32, #tpu.memory_space<vmem_shared>>) offsets(%dma_start3A_401 : memref<128xi32, #tpu.memory_space<vmem>>) semaphore(%arg23 : memref<!tpu.dma_semaphore, #tpu.memory_space<semaphore_mem>>) {add = true}
      %sub3A_405 = arith.constant 3 : i32
      %sub3A_406 = arith.subi %add3A_392, %sub3A_405 : i32
      %dma_wait3A_407 = arith.constant 0 : i32
      %dma_wait3A_408 = tpu.memref_slice %arg8[%sub3A_406, %dma_wait3A_407] : memref<80x128xi32, #tpu.memory_space<vmem>> -> memref<1x128xi32, #tpu.memory_space<vmem>>
      %dma_wait3A_409 = tpu.memref_squeeze %dma_wait3A_408 : memref<1x128xi32, #tpu.memory_space<vmem>> -> memref<128xi32, #tpu.memory_space<vmem>>
      %dma_wait3A_410 = arith.constant 0 : i32
      %dma_wait3A_411 = arith.constant 0 : i32
      %dma_wait3A_412 = tpu.memref_slice %arg27[%dma_wait3A_410, %dma_wait3A_411] : memref<10240x64xf32, #tpu.memory_space<vmem_shared>> -> memref<10240x64xf32, #tpu.memory_space<vmem_shared>>
      tpu.wait_indirect_dma semaphore(%arg26 : memref<!tpu.dma_semaphore, #tpu.memory_space<semaphore_mem>>) src(%arg14 : memref<128x64xf32, #tpu.memory_space<vmem>>) dst(%dma_wait3A_412 : memref<10240x64xf32, #tpu.memory_space<vmem_shared>>)
      %add3A_413 = arith.constant 3 : i32
      %add3A_414 = arith.addi %add3A_392, %add3A_413 : i32
      %dma_start3A_415 = arith.constant 0 : i32
      %dma_start3A_416 = tpu.memref_slice %arg7[%add3A_414, %dma_start3A_415] : memref<80x128xi32, #tpu.memory_space<vmem>> -> memref<1x128xi32, #tpu.memory_space<vmem>>
      %dma_start3A_417 = tpu.memref_squeeze %dma_start3A_416 : memref<1x128xi32, #tpu.memory_space<vmem>> -> memref<128xi32, #tpu.memory_space<vmem>>
      %dma_start3A_418 = arith.constant 0 : i32
      %dma_start3A_419 = arith.constant 0 : i32
      %dma_start3A_420 = tpu.memref_slice %arg2[%dma_start3A_418, %dma_start3A_419] : memref<10240x64xf32, #tpu.memory_space<hbm>> -> memref<10240x64xf32, #tpu.memory_space<hbm>>
      tpu.enqueue_indirect_dma source(%dma_start3A_420 : memref<10240x64xf32, #tpu.memory_space<hbm>>) target(%arg14 : memref<128x64xf32, #tpu.memory_space<vmem>>) offsets(%dma_start3A_417 : memref<128xi32, #tpu.memory_space<vmem>>) semaphore(%arg20 : memref<!tpu.dma_semaphore, #tpu.memory_space<semaphore_mem>>)
    }
    %scan3A_89 = arith.constant 12 : i32
    %dma_wait3A_90 = arith.constant 75 : i32
    %dma_wait3A_91 = arith.constant 0 : i32
    %dma_wait3A_92 = tpu.memref_slice %arg7[%dma_wait3A_90, %dma_wait3A_91] : memref<80x128xi32, #tpu.memory_space<vmem>> -> memref<1x128xi32, #tpu.memory_space<vmem>>
    %dma_wait3A_93 = tpu.memref_squeeze %dma_wait3A_92 : memref<1x128xi32, #tpu.memory_space<vmem>> -> memref<128xi32, #tpu.memory_space<vmem>>
    %dma_wait3A_94 = arith.constant 0 : i32
    %dma_wait3A_95 = arith.constant 0 : i32
    %dma_wait3A_96 = tpu.memref_slice %arg2[%dma_wait3A_94, %dma_wait3A_95] : memref<10240x64xf32, #tpu.memory_space<hbm>> -> memref<10240x64xf32, #tpu.memory_space<hbm>>
    tpu.wait_indirect_dma semaphore(%arg18 : memref<!tpu.dma_semaphore, #tpu.memory_space<semaphore_mem>>) src(%dma_wait3A_96 : memref<10240x64xf32, #tpu.memory_space<hbm>>) dst(%arg12 : memref<128x64xf32, #tpu.memory_space<vmem>>)
    %dma_start3A_97 = arith.constant 75 : i32
    %dma_start3A_98 = arith.constant 0 : i32
    %dma_start3A_99 = tpu.memref_slice %arg8[%dma_start3A_97, %dma_start3A_98] : memref<80x128xi32, #tpu.memory_space<vmem>> -> memref<1x128xi32, #tpu.memory_space<vmem>>
    %dma_start3A_100 = tpu.memref_squeeze %dma_start3A_99 : memref<1x128xi32, #tpu.memory_space<vmem>> -> memref<128xi32, #tpu.memory_space<vmem>>
    %dma_start3A_101 = arith.constant 0 : i32
    %dma_start3A_102 = arith.constant 0 : i32
    %dma_start3A_103 = tpu.memref_slice %arg27[%dma_start3A_101, %dma_start3A_102] : memref<10240x64xf32, #tpu.memory_space<vmem_shared>> -> memref<10240x64xf32, #tpu.memory_space<vmem_shared>>
    tpu.enqueue_indirect_dma source(%arg12 : memref<128x64xf32, #tpu.memory_space<vmem>>) target(%dma_start3A_103 : memref<10240x64xf32, #tpu.memory_space<vmem_shared>>) offsets(%dma_start3A_100 : memref<128xi32, #tpu.memory_space<vmem>>) semaphore(%arg24 : memref<!tpu.dma_semaphore, #tpu.memory_space<semaphore_mem>>) {add = true}
    %dma_wait3A_104 = arith.constant 72 : i32
    %dma_wait3A_105 = arith.constant 0 : i32
    %dma_wait3A_106 = tpu.memref_slice %arg8[%dma_wait3A_104, %dma_wait3A_105] : memref<80x128xi32, #tpu.memory_space<vmem>> -> memref<1x128xi32, #tpu.memory_space<vmem>>
    %dma_wait3A_107 = tpu.memref_squeeze %dma_wait3A_106 : memref<1x128xi32, #tpu.memory_space<vmem>> -> memref<128xi32, #tpu.memory_space<vmem>>
    %dma_wait3A_108 = arith.constant 0 : i32
    %dma_wait3A_109 = arith.constant 0 : i32
    %dma_wait3A_110 = tpu.memref_slice %arg27[%dma_wait3A_108, %dma_wait3A_109] : memref<10240x64xf32, #tpu.memory_space<vmem_shared>> -> memref<10240x64xf32, #tpu.memory_space<vmem_shared>>
    tpu.wait_indirect_dma semaphore(%arg21 : memref<!tpu.dma_semaphore, #tpu.memory_space<semaphore_mem>>) src(%arg9 : memref<128x64xf32, #tpu.memory_space<vmem>>) dst(%dma_wait3A_110 : memref<10240x64xf32, #tpu.memory_space<vmem_shared>>)
    %dma_start3A_111 = arith.constant 78 : i32
    %dma_start3A_112 = arith.constant 0 : i32
    %dma_start3A_113 = tpu.memref_slice %arg7[%dma_start3A_111, %dma_start3A_112] : memref<80x128xi32, #tpu.memory_space<vmem>> -> memref<1x128xi32, #tpu.memory_space<vmem>>
    %dma_start3A_114 = tpu.memref_squeeze %dma_start3A_113 : memref<1x128xi32, #tpu.memory_space<vmem>> -> memref<128xi32, #tpu.memory_space<vmem>>
    %dma_start3A_115 = arith.constant 0 : i32
    %dma_start3A_116 = arith.constant 0 : i32
    %dma_start3A_117 = tpu.memref_slice %arg2[%dma_start3A_115, %dma_start3A_116] : memref<10240x64xf32, #tpu.memory_space<hbm>> -> memref<10240x64xf32, #tpu.memory_space<hbm>>
    tpu.enqueue_indirect_dma source(%dma_start3A_117 : memref<10240x64xf32, #tpu.memory_space<hbm>>) target(%arg9 : memref<128x64xf32, #tpu.memory_space<vmem>>) offsets(%dma_start3A_114 : memref<128xi32, #tpu.memory_space<vmem>>) semaphore(%arg15 : memref<!tpu.dma_semaphore, #tpu.memory_space<semaphore_mem>>)
    %dma_wait3A_118 = arith.constant 76 : i32
    %dma_wait3A_119 = arith.constant 0 : i32
    %dma_wait3A_120 = tpu.memref_slice %arg7[%dma_wait3A_118, %dma_wait3A_119] : memref<80x128xi32, #tpu.memory_space<vmem>> -> memref<1x128xi32, #tpu.memory_space<vmem>>
    %dma_wait3A_121 = tpu.memref_squeeze %dma_wait3A_120 : memref<1x128xi32, #tpu.memory_space<vmem>> -> memref<128xi32, #tpu.memory_space<vmem>>
    %dma_wait3A_122 = arith.constant 0 : i32
    %dma_wait3A_123 = arith.constant 0 : i32
    %dma_wait3A_124 = tpu.memref_slice %arg2[%dma_wait3A_122, %dma_wait3A_123] : memref<10240x64xf32, #tpu.memory_space<hbm>> -> memref<10240x64xf32, #tpu.memory_space<hbm>>
    tpu.wait_indirect_dma semaphore(%arg19 : memref<!tpu.dma_semaphore, #tpu.memory_space<semaphore_mem>>) src(%dma_wait3A_124 : memref<10240x64xf32, #tpu.memory_space<hbm>>) dst(%arg13 : memref<128x64xf32, #tpu.memory_space<vmem>>)
    %dma_start3A_125 = arith.constant 76 : i32
    %dma_start3A_126 = arith.constant 0 : i32
    %dma_start3A_127 = tpu.memref_slice %arg8[%dma_start3A_125, %dma_start3A_126] : memref<80x128xi32, #tpu.memory_space<vmem>> -> memref<1x128xi32, #tpu.memory_space<vmem>>
    %dma_start3A_128 = tpu.memref_squeeze %dma_start3A_127 : memref<1x128xi32, #tpu.memory_space<vmem>> -> memref<128xi32, #tpu.memory_space<vmem>>
    %dma_start3A_129 = arith.constant 0 : i32
    %dma_start3A_130 = arith.constant 0 : i32
    %dma_start3A_131 = tpu.memref_slice %arg27[%dma_start3A_129, %dma_start3A_130] : memref<10240x64xf32, #tpu.memory_space<vmem_shared>> -> memref<10240x64xf32, #tpu.memory_space<vmem_shared>>
    tpu.enqueue_indirect_dma source(%arg13 : memref<128x64xf32, #tpu.memory_space<vmem>>) target(%dma_start3A_131 : memref<10240x64xf32, #tpu.memory_space<vmem_shared>>) offsets(%dma_start3A_128 : memref<128xi32, #tpu.memory_space<vmem>>) semaphore(%arg25 : memref<!tpu.dma_semaphore, #tpu.memory_space<semaphore_mem>>) {add = true}
    %dma_wait3A_132 = arith.constant 73 : i32
    %dma_wait3A_133 = arith.constant 0 : i32
    %dma_wait3A_134 = tpu.memref_slice %arg8[%dma_wait3A_132, %dma_wait3A_133] : memref<80x128xi32, #tpu.memory_space<vmem>> -> memref<1x128xi32, #tpu.memory_space<vmem>>
    %dma_wait3A_135 = tpu.memref_squeeze %dma_wait3A_134 : memref<1x128xi32, #tpu.memory_space<vmem>> -> memref<128xi32, #tpu.memory_space<vmem>>
    %dma_wait3A_136 = arith.constant 0 : i32
    %dma_wait3A_137 = arith.constant 0 : i32
    %dma_wait3A_138 = tpu.memref_slice %arg27[%dma_wait3A_136, %dma_wait3A_137] : memref<10240x64xf32, #tpu.memory_space<vmem_shared>> -> memref<10240x64xf32, #tpu.memory_space<vmem_shared>>
    tpu.wait_indirect_dma semaphore(%arg22 : memref<!tpu.dma_semaphore, #tpu.memory_space<semaphore_mem>>) src(%arg10 : memref<128x64xf32, #tpu.memory_space<vmem>>) dst(%dma_wait3A_138 : memref<10240x64xf32, #tpu.memory_space<vmem_shared>>)
    %dma_start3A_139 = arith.constant 79 : i32
    %dma_start3A_140 = arith.constant 0 : i32
    %dma_start3A_141 = tpu.memref_slice %arg7[%dma_start3A_139, %dma_start3A_140] : memref<80x128xi32, #tpu.memory_space<vmem>> -> memref<1x128xi32, #tpu.memory_space<vmem>>
    %dma_start3A_142 = tpu.memref_squeeze %dma_start3A_141 : memref<1x128xi32, #tpu.memory_space<vmem>> -> memref<128xi32, #tpu.memory_space<vmem>>
    %dma_start3A_143 = arith.constant 0 : i32
    %dma_start3A_144 = arith.constant 0 : i32
    %dma_start3A_145 = tpu.memref_slice %arg2[%dma_start3A_143, %dma_start3A_144] : memref<10240x64xf32, #tpu.memory_space<hbm>> -> memref<10240x64xf32, #tpu.memory_space<hbm>>
    tpu.enqueue_indirect_dma source(%dma_start3A_145 : memref<10240x64xf32, #tpu.memory_space<hbm>>) target(%arg10 : memref<128x64xf32, #tpu.memory_space<vmem>>) offsets(%dma_start3A_142 : memref<128xi32, #tpu.memory_space<vmem>>) semaphore(%arg16 : memref<!tpu.dma_semaphore, #tpu.memory_space<semaphore_mem>>)
    %dma_wait3A_146 = arith.constant 77 : i32
    %dma_wait3A_147 = arith.constant 0 : i32
    %dma_wait3A_148 = tpu.memref_slice %arg7[%dma_wait3A_146, %dma_wait3A_147] : memref<80x128xi32, #tpu.memory_space<vmem>> -> memref<1x128xi32, #tpu.memory_space<vmem>>
    %dma_wait3A_149 = tpu.memref_squeeze %dma_wait3A_148 : memref<1x128xi32, #tpu.memory_space<vmem>> -> memref<128xi32, #tpu.memory_space<vmem>>
    %dma_wait3A_150 = arith.constant 0 : i32
    %dma_wait3A_151 = arith.constant 0 : i32
    %dma_wait3A_152 = tpu.memref_slice %arg2[%dma_wait3A_150, %dma_wait3A_151] : memref<10240x64xf32, #tpu.memory_space<hbm>> -> memref<10240x64xf32, #tpu.memory_space<hbm>>
    tpu.wait_indirect_dma semaphore(%arg20 : memref<!tpu.dma_semaphore, #tpu.memory_space<semaphore_mem>>) src(%dma_wait3A_152 : memref<10240x64xf32, #tpu.memory_space<hbm>>) dst(%arg14 : memref<128x64xf32, #tpu.memory_space<vmem>>)
    %dma_start3A_153 = arith.constant 77 : i32
    %dma_start3A_154 = arith.constant 0 : i32
    %dma_start3A_155 = tpu.memref_slice %arg8[%dma_start3A_153, %dma_start3A_154] : memref<80x128xi32, #tpu.memory_space<vmem>> -> memref<1x128xi32, #tpu.memory_space<vmem>>
    %dma_start3A_156 = tpu.memref_squeeze %dma_start3A_155 : memref<1x128xi32, #tpu.memory_space<vmem>> -> memref<128xi32, #tpu.memory_space<vmem>>
    %dma_start3A_157 = arith.constant 0 : i32
    %dma_start3A_158 = arith.constant 0 : i32
    %dma_start3A_159 = tpu.memref_slice %arg27[%dma_start3A_157, %dma_start3A_158] : memref<10240x64xf32, #tpu.memory_space<vmem_shared>> -> memref<10240x64xf32, #tpu.memory_space<vmem_shared>>
    tpu.enqueue_indirect_dma source(%arg14 : memref<128x64xf32, #tpu.memory_space<vmem>>) target(%dma_start3A_159 : memref<10240x64xf32, #tpu.memory_space<vmem_shared>>) offsets(%dma_start3A_156 : memref<128xi32, #tpu.memory_space<vmem>>) semaphore(%arg26 : memref<!tpu.dma_semaphore, #tpu.memory_space<semaphore_mem>>) {add = true}
    %dma_wait3A_160 = arith.constant 74 : i32
    %dma_wait3A_161 = arith.constant 0 : i32
    %dma_wait3A_162 = tpu.memref_slice %arg8[%dma_wait3A_160, %dma_wait3A_161] : memref<80x128xi32, #tpu.memory_space<vmem>> -> memref<1x128xi32, #tpu.memory_space<vmem>>
    %dma_wait3A_163 = tpu.memref_squeeze %dma_wait3A_162 : memref<1x128xi32, #tpu.memory_space<vmem>> -> memref<128xi32, #tpu.memory_space<vmem>>
    %dma_wait3A_164 = arith.constant 0 : i32
    %dma_wait3A_165 = arith.constant 0 : i32
    %dma_wait3A_166 = tpu.memref_slice %arg27[%dma_wait3A_164, %dma_wait3A_165] : memref<10240x64xf32, #tpu.memory_space<vmem_shared>> -> memref<10240x64xf32, #tpu.memory_space<vmem_shared>>
    tpu.wait_indirect_dma semaphore(%arg23 : memref<!tpu.dma_semaphore, #tpu.memory_space<semaphore_mem>>) src(%arg11 : memref<128x64xf32, #tpu.memory_space<vmem>>) dst(%dma_wait3A_166 : memref<10240x64xf32, #tpu.memory_space<vmem_shared>>)
    %dma_wait3A_167 = arith.constant 78 : i32
    %dma_wait3A_168 = arith.constant 0 : i32
    %dma_wait3A_169 = tpu.memref_slice %arg7[%dma_wait3A_167, %dma_wait3A_168] : memref<80x128xi32, #tpu.memory_space<vmem>> -> memref<1x128xi32, #tpu.memory_space<vmem>>
    %dma_wait3A_170 = tpu.memref_squeeze %dma_wait3A_169 : memref<1x128xi32, #tpu.memory_space<vmem>> -> memref<128xi32, #tpu.memory_space<vmem>>
    %dma_wait3A_171 = arith.constant 0 : i32
    %dma_wait3A_172 = arith.constant 0 : i32
    %dma_wait3A_173 = tpu.memref_slice %arg2[%dma_wait3A_171, %dma_wait3A_172] : memref<10240x64xf32, #tpu.memory_space<hbm>> -> memref<10240x64xf32, #tpu.memory_space<hbm>>
    tpu.wait_indirect_dma semaphore(%arg15 : memref<!tpu.dma_semaphore, #tpu.memory_space<semaphore_mem>>) src(%dma_wait3A_173 : memref<10240x64xf32, #tpu.memory_space<hbm>>) dst(%arg9 : memref<128x64xf32, #tpu.memory_space<vmem>>)
    %dma_start3A_174 = arith.constant 78 : i32
    %dma_start3A_175 = arith.constant 0 : i32
    %dma_start3A_176 = tpu.memref_slice %arg8[%dma_start3A_174, %dma_start3A_175] : memref<80x128xi32, #tpu.memory_space<vmem>> -> memref<1x128xi32, #tpu.memory_space<vmem>>
    %dma_start3A_177 = tpu.memref_squeeze %dma_start3A_176 : memref<1x128xi32, #tpu.memory_space<vmem>> -> memref<128xi32, #tpu.memory_space<vmem>>
    %dma_start3A_178 = arith.constant 0 : i32
    %dma_start3A_179 = arith.constant 0 : i32
    %dma_start3A_180 = tpu.memref_slice %arg27[%dma_start3A_178, %dma_start3A_179] : memref<10240x64xf32, #tpu.memory_space<vmem_shared>> -> memref<10240x64xf32, #tpu.memory_space<vmem_shared>>
    tpu.enqueue_indirect_dma source(%arg9 : memref<128x64xf32, #tpu.memory_space<vmem>>) target(%dma_start3A_180 : memref<10240x64xf32, #tpu.memory_space<vmem_shared>>) offsets(%dma_start3A_177 : memref<128xi32, #tpu.memory_space<vmem>>) semaphore(%arg21 : memref<!tpu.dma_semaphore, #tpu.memory_space<semaphore_mem>>) {add = true}
    %dma_wait3A_181 = arith.constant 75 : i32
    %dma_wait3A_182 = arith.constant 0 : i32
    %dma_wait3A_183 = tpu.memref_slice %arg8[%dma_wait3A_181, %dma_wait3A_182] : memref<80x128xi32, #tpu.memory_space<vmem>> -> memref<1x128xi32, #tpu.memory_space<vmem>>
    %dma_wait3A_184 = tpu.memref_squeeze %dma_wait3A_183 : memref<1x128xi32, #tpu.memory_space<vmem>> -> memref<128xi32, #tpu.memory_space<vmem>>
    %dma_wait3A_185 = arith.constant 0 : i32
    %dma_wait3A_186 = arith.constant 0 : i32
    %dma_wait3A_187 = tpu.memref_slice %arg27[%dma_wait3A_185, %dma_wait3A_186] : memref<10240x64xf32, #tpu.memory_space<vmem_shared>> -> memref<10240x64xf32, #tpu.memory_space<vmem_shared>>
    tpu.wait_indirect_dma semaphore(%arg24 : memref<!tpu.dma_semaphore, #tpu.memory_space<semaphore_mem>>) src(%arg12 : memref<128x64xf32, #tpu.memory_space<vmem>>) dst(%dma_wait3A_187 : memref<10240x64xf32, #tpu.memory_space<vmem_shared>>)
    %dma_wait3A_188 = arith.constant 79 : i32
    %dma_wait3A_189 = arith.constant 0 : i32
    %dma_wait3A_190 = tpu.memref_slice %arg7[%dma_wait3A_188, %dma_wait3A_189] : memref<80x128xi32, #tpu.memory_space<vmem>> -> memref<1x128xi32, #tpu.memory_space<vmem>>
    %dma_wait3A_191 = tpu.memref_squeeze %dma_wait3A_190 : memref<1x128xi32, #tpu.memory_space<vmem>> -> memref<128xi32, #tpu.memory_space<vmem>>
    %dma_wait3A_192 = arith.constant 0 : i32
    %dma_wait3A_193 = arith.constant 0 : i32
    %dma_wait3A_194 = tpu.memref_slice %arg2[%dma_wait3A_192, %dma_wait3A_193] : memref<10240x64xf32, #tpu.memory_space<hbm>> -> memref<10240x64xf32, #tpu.memory_space<hbm>>
    tpu.wait_indirect_dma semaphore(%arg16 : memref<!tpu.dma_semaphore, #tpu.memory_space<semaphore_mem>>) src(%dma_wait3A_194 : memref<10240x64xf32, #tpu.memory_space<hbm>>) dst(%arg10 : memref<128x64xf32, #tpu.memory_space<vmem>>)
    %dma_start3A_195 = arith.constant 79 : i32
    %dma_start3A_196 = arith.constant 0 : i32
    %dma_start3A_197 = tpu.memref_slice %arg8[%dma_start3A_195, %dma_start3A_196] : memref<80x128xi32, #tpu.memory_space<vmem>> -> memref<1x128xi32, #tpu.memory_space<vmem>>
    %dma_start3A_198 = tpu.memref_squeeze %dma_start3A_197 : memref<1x128xi32, #tpu.memory_space<vmem>> -> memref<128xi32, #tpu.memory_space<vmem>>
    %dma_start3A_199 = arith.constant 0 : i32
    %dma_start3A_200 = arith.constant 0 : i32
    %dma_start3A_201 = tpu.memref_slice %arg27[%dma_start3A_199, %dma_start3A_200] : memref<10240x64xf32, #tpu.memory_space<vmem_shared>> -> memref<10240x64xf32, #tpu.memory_space<vmem_shared>>
    tpu.enqueue_indirect_dma source(%arg10 : memref<128x64xf32, #tpu.memory_space<vmem>>) target(%dma_start3A_201 : memref<10240x64xf32, #tpu.memory_space<vmem_shared>>) offsets(%dma_start3A_198 : memref<128xi32, #tpu.memory_space<vmem>>) semaphore(%arg22 : memref<!tpu.dma_semaphore, #tpu.memory_space<semaphore_mem>>) {add = true}
    %dma_wait3A_202 = arith.constant 76 : i32
    %dma_wait3A_203 = arith.constant 0 : i32
    %dma_wait3A_204 = tpu.memref_slice %arg8[%dma_wait3A_202, %dma_wait3A_203] : memref<80x128xi32, #tpu.memory_space<vmem>> -> memref<1x128xi32, #tpu.memory_space<vmem>>
    %dma_wait3A_205 = tpu.memref_squeeze %dma_wait3A_204 : memref<1x128xi32, #tpu.memory_space<vmem>> -> memref<128xi32, #tpu.memory_space<vmem>>
    %dma_wait3A_206 = arith.constant 0 : i32
    %dma_wait3A_207 = arith.constant 0 : i32
    %dma_wait3A_208 = tpu.memref_slice %arg27[%dma_wait3A_206, %dma_wait3A_207] : memref<10240x64xf32, #tpu.memory_space<vmem_shared>> -> memref<10240x64xf32, #tpu.memory_space<vmem_shared>>
    tpu.wait_indirect_dma semaphore(%arg25 : memref<!tpu.dma_semaphore, #tpu.memory_space<semaphore_mem>>) src(%arg13 : memref<128x64xf32, #tpu.memory_space<vmem>>) dst(%dma_wait3A_208 : memref<10240x64xf32, #tpu.memory_space<vmem_shared>>)
    %dma_wait3A_209 = arith.constant 77 : i32
    %dma_wait3A_210 = arith.constant 0 : i32
    %dma_wait3A_211 = tpu.memref_slice %arg8[%dma_wait3A_209, %dma_wait3A_210] : memref<80x128xi32, #tpu.memory_space<vmem>> -> memref<1x128xi32, #tpu.memory_space<vmem>>
    %dma_wait3A_212 = tpu.memref_squeeze %dma_wait3A_211 : memref<1x128xi32, #tpu.memory_space<vmem>> -> memref<128xi32, #tpu.memory_space<vmem>>
    %dma_wait3A_213 = arith.constant 0 : i32
    %dma_wait3A_214 = arith.constant 0 : i32
    %dma_wait3A_215 = tpu.memref_slice %arg27[%dma_wait3A_213, %dma_wait3A_214] : memref<10240x64xf32, #tpu.memory_space<vmem_shared>> -> memref<10240x64xf32, #tpu.memory_space<vmem_shared>>
    tpu.wait_indirect_dma semaphore(%arg26 : memref<!tpu.dma_semaphore, #tpu.memory_space<semaphore_mem>>) src(%arg14 : memref<128x64xf32, #tpu.memory_space<vmem>>) dst(%dma_wait3A_215 : memref<10240x64xf32, #tpu.memory_space<vmem_shared>>)
    %dma_wait3A_216 = arith.constant 78 : i32
    %dma_wait3A_217 = arith.constant 0 : i32
    %dma_wait3A_218 = tpu.memref_slice %arg8[%dma_wait3A_216, %dma_wait3A_217] : memref<80x128xi32, #tpu.memory_space<vmem>> -> memref<1x128xi32, #tpu.memory_space<vmem>>
    %dma_wait3A_219 = tpu.memref_squeeze %dma_wait3A_218 : memref<1x128xi32, #tpu.memory_space<vmem>> -> memref<128xi32, #tpu.memory_space<vmem>>
    %dma_wait3A_220 = arith.constant 0 : i32
    %dma_wait3A_221 = arith.constant 0 : i32
    %dma_wait3A_222 = tpu.memref_slice %arg27[%dma_wait3A_220, %dma_wait3A_221] : memref<10240x64xf32, #tpu.memory_space<vmem_shared>> -> memref<10240x64xf32, #tpu.memory_space<vmem_shared>>
    tpu.wait_indirect_dma semaphore(%arg21 : memref<!tpu.dma_semaphore, #tpu.memory_space<semaphore_mem>>) src(%arg9 : memref<128x64xf32, #tpu.memory_space<vmem>>) dst(%dma_wait3A_222 : memref<10240x64xf32, #tpu.memory_space<vmem_shared>>)
    %dma_wait3A_223 = arith.constant 79 : i32
    %dma_wait3A_224 = arith.constant 0 : i32
    %dma_wait3A_225 = tpu.memref_slice %arg8[%dma_wait3A_223, %dma_wait3A_224] : memref<80x128xi32, #tpu.memory_space<vmem>> -> memref<1x128xi32, #tpu.memory_space<vmem>>
    %dma_wait3A_226 = tpu.memref_squeeze %dma_wait3A_225 : memref<1x128xi32, #tpu.memory_space<vmem>> -> memref<128xi32, #tpu.memory_space<vmem>>
    %dma_wait3A_227 = arith.constant 0 : i32
    %dma_wait3A_228 = arith.constant 0 : i32
    %dma_wait3A_229 = tpu.memref_slice %arg27[%dma_wait3A_227, %dma_wait3A_228] : memref<10240x64xf32, #tpu.memory_space<vmem_shared>> -> memref<10240x64xf32, #tpu.memory_space<vmem_shared>>
    tpu.wait_indirect_dma semaphore(%arg22 : memref<!tpu.dma_semaphore, #tpu.memory_space<semaphore_mem>>) src(%arg10 : memref<128x64xf32, #tpu.memory_space<vmem>>) dst(%dma_wait3A_229 : memref<10240x64xf32, #tpu.memory_space<vmem_shared>>)
    %barrier3A_230 = arith.constant 0 : index
    tpu.barrier barrier_id(%barrier3A_230)
    %mul3A_231 = arith.constant 640 : i32
    %mul3A_232 = arith.muli %arg1, %mul3A_231 : i32
    %mul3A_233 = arith.constant 640 : i32
    %mul3A_234 = arith.muli %arg1, %mul3A_233 : i32
    %mul3A_235 = arith.constant 64 : i32
    %mul3A_236 = arith.muli %arg0, %mul3A_235 : i32
    "tpu.region"() ({
      %run_scoped3A = tpu.sem_alloc : memref<!tpu.dma_semaphore, #tpu.memory_space<semaphore_mem>>
      %dma_start3A_237 = tpu.memref_slice %arg6[%mul3A_234, %mul3A_236] : memref<10240x128xf32, #tpu.memory_space<hbm>> -> memref<640x64xf32, #tpu.memory_space<hbm>>
      %dma_start3A_238 = arith.constant 0 : i32
      %dma_start3A_239 = tpu.memref_slice %arg27[%mul3A_232, %dma_start3A_238] : memref<10240x64xf32, #tpu.memory_space<vmem_shared>> -> memref<640x64xf32, #tpu.memory_space<vmem_shared>>
      tpu.enqueue_dma source(%dma_start3A_239 : memref<640x64xf32, #tpu.memory_space<vmem_shared>>) target(%dma_start3A_237 : memref<640x64xf32, #tpu.memory_space<hbm>>) target_semaphore(%run_scoped3A : memref<!tpu.dma_semaphore, #tpu.memory_space<semaphore_mem>>)
      %dma_wait3A_240 = tpu.memref_slice %arg6[%mul3A_234, %mul3A_236] : memref<10240x128xf32, #tpu.memory_space<hbm>> -> memref<640x64xf32, #tpu.memory_space<hbm>>
      %dma_wait3A_241 = arith.constant 0 : i32
      %dma_wait3A_242 = tpu.memref_slice %arg27[%mul3A_232, %dma_wait3A_241] : memref<10240x64xf32, #tpu.memory_space<vmem_shared>> -> memref<640x64xf32, #tpu.memory_space<vmem_shared>>
      tpu.wait_dma2 semaphore(%run_scoped3A : memref<!tpu.dma_semaphore, #tpu.memory_space<semaphore_mem>>) src(%dma_wait3A_242 : memref<640x64xf32, #tpu.memory_space<vmem_shared>>) dst(%dma_wait3A_240 : memref<640x64xf32, #tpu.memory_space<hbm>>)
      tpu.yield
    }) : () -> ()
    return
  }
}

module attributes {stable_mosaic.version = 14 : i64} {
  func.func @_mm1_body(%arg0: i32, %arg1: memref<1024x128xf32, #tpu.memory_space<vmem>>, %arg2: memref<128x64xf32, #tpu.memory_space<vmem>>, %arg3: memref<2x1024xf32, #tpu.memory_space<vmem>>, %arg4: memref<1024x64xf32, #tpu.memory_space<vmem>>) attributes {dimension_semantics = [#tpu.dimension_semantics<arbitrary>], iteration_bounds = array<i64: 10>, scalar_prefetch = 0 : i64, scratch_operands = 0 : i64, tpu.core_type = #tpu.core_type<tc>, window_params = [{transform_indices = @transform_0, window_bounds = array<i64: 1024, 128>}, {pipeline_mode = #tpu.pipeline_mode<synchronous>, transform_indices = @transform_1, window_bounds = array<i64: 128, 64>}, {transform_indices = @transform_2, window_bounds = array<i64: 2, 1024>}, {transform_indices = @transform_3, window_bounds = array<i64: 1024, 64>}]} {
    %get3A = arith.constant 0 : index
    %get3A_0 = arith.constant 0 : index
    %get3A_1 = vector.load %arg3[%get3A, %get3A_0] : memref<2x1024xf32, #tpu.memory_space<vmem>>, vector<1x1024xf32>
    %get3A_2 = arith.constant 1 : index
    %get3A_3 = arith.constant 0 : index
    %get3A_4 = vector.load %arg3[%get3A_2, %get3A_3] : memref<2x1024xf32, #tpu.memory_space<vmem>>, vector<1x1024xf32>
    %add3A = arith.addf %get3A_1, %get3A_4 : vector<1x1024xf32>
    %add3A_5 = arith.constant 1.000000e+00 : f32
    %add3A_6 = vector.broadcast %add3A_5 : f32 to vector<1x1024xf32>
    %add3A_7 = arith.addf %add3A, %add3A_6 : vector<1x1024xf32>
    %rsqrt3A = math.rsqrt %add3A_7 : vector<1x1024xf32>
    %transpose3A = tpu.transpose %rsqrt3A, [1, 0] : vector<1x1024xf32> -> vector<1024x1xf32>
    %get3A_8 = arith.constant 0 : index
    %get3A_9 = arith.constant 0 : index
    %get3A_10 = vector.load %arg1[%get3A_8, %get3A_9] : memref<1024x128xf32, #tpu.memory_space<vmem>>, vector<1024x128xf32>
    %get3A_11 = arith.constant 0 : index
    %get3A_12 = arith.constant 0 : index
    %get3A_13 = vector.load %arg2[%get3A_11, %get3A_12] : memref<128x64xf32, #tpu.memory_space<vmem>>, vector<128x64xf32>
    %dot_general3A = arith.constant dense<0.000000e+00> : vector<1024x64xf32>
    %dot_general3A_14 = tpu.matmul %get3A_10, %get3A_13, %dot_general3A {dimension_numbers = #tpu.dot_dimension_numbers<[1], [0], [0], [1], [0, 0, 1, 1], [], []>, transpose_lhs_hint = false} : vector<1024x128xf32>, vector<128x64xf32>, vector<1024x64xf32> -> vector<1024x64xf32>
    %mul3A = vector.broadcast %transpose3A : vector<1024x1xf32> to vector<1024x64xf32>
    %mul3A_15 = arith.mulf %dot_general3A_14, %mul3A : vector<1024x64xf32>
    %swap3A = arith.constant 0 : index
    %swap3A_16 = arith.constant 0 : index
    %swap3A_17 = vector.load %arg4[%swap3A, %swap3A_16] : memref<1024x64xf32, #tpu.memory_space<vmem>>, vector<1024x64xf32>
    tpu.vector_store %arg4[%swap3A, %swap3A_16], %mul3A_15 {strides = array<i32>} : memref<1024x64xf32, #tpu.memory_space<vmem>>, vector<1024x64xf32>,
    return
  }
  func.func @transform_0(%arg0: i32) -> (i32, i32) {
    %c0_i32 = arith.constant 0 : i32
    %c0_i32_0 = arith.constant 0 : i32
    return %arg0, %c0_i32 : i32, i32
  }
  func.func @transform_1(%arg0: i32) -> (i32, i32) {
    %c0_i32 = arith.constant 0 : i32
    %c0_i32_0 = arith.constant 0 : i32
    %c0_i32_1 = arith.constant 0 : i32
    return %c0_i32, %c0_i32_0 : i32, i32
  }
  func.func @transform_2(%arg0: i32) -> (i32, i32) {
    %c0_i32 = arith.constant 0 : i32
    %c0_i32_0 = arith.constant 0 : i32
    return %c0_i32, %arg0 : i32, i32
  }
  func.func @transform_3(%arg0: i32) -> (i32, i32) {
    %c0_i32 = arith.constant 0 : i32
    %c0_i32_0 = arith.constant 0 : i32
    return %arg0, %c0_i32 : i32, i32
  }
}

module attributes {stable_mosaic.version = 14 : i64} {
  func.func @_mm2_body(%arg0: i32, %arg1: memref<1024x128xf32, #tpu.memory_space<vmem>>, %arg2: memref<1024x64xf32, #tpu.memory_space<vmem>>, %arg3: memref<2x1024xf32, #tpu.memory_space<vmem>>, %arg4: memref<1x64xf32, #tpu.memory_space<vmem>>, %arg5: memref<64x64xf32, #tpu.memory_space<vmem>>, %arg6: memref<1024x64xf32, #tpu.memory_space<vmem>>) attributes {dimension_semantics = [#tpu.dimension_semantics<arbitrary>], iteration_bounds = array<i64: 10>, scalar_prefetch = 0 : i64, scratch_operands = 0 : i64, tpu.core_type = #tpu.core_type<tc>, window_params = [{transform_indices = @transform_0, window_bounds = array<i64: 1024, 128>}, {transform_indices = @transform_1, window_bounds = array<i64: 1024, 64>}, {transform_indices = @transform_2, window_bounds = array<i64: 2, 1024>}, {pipeline_mode = #tpu.pipeline_mode<synchronous>, transform_indices = @transform_3, window_bounds = array<i64: 1, 64>}, {pipeline_mode = #tpu.pipeline_mode<synchronous>, transform_indices = @transform_4, window_bounds = array<i64: 64, 64>}, {transform_indices = @transform_5, window_bounds = array<i64: 1024, 64>}]} {
    %get3A = arith.constant 0 : index
    %get3A_0 = arith.constant 0 : index
    %get3A_1 = vector.load %arg3[%get3A, %get3A_0] : memref<2x1024xf32, #tpu.memory_space<vmem>>, vector<1x1024xf32>
    %get3A_2 = arith.constant 1 : index
    %get3A_3 = arith.constant 0 : index
    %get3A_4 = vector.load %arg3[%get3A_2, %get3A_3] : memref<2x1024xf32, #tpu.memory_space<vmem>>, vector<1x1024xf32>
    %add3A = arith.addf %get3A_1, %get3A_4 : vector<1x1024xf32>
    %add3A_5 = arith.constant 1.000000e+00 : f32
    %add3A_6 = vector.broadcast %add3A_5 : f32 to vector<1x1024xf32>
    %add3A_7 = arith.addf %add3A, %add3A_6 : vector<1x1024xf32>
    %rsqrt3A = math.rsqrt %add3A_7 : vector<1x1024xf32>
    %transpose3A = tpu.transpose %rsqrt3A, [1, 0] : vector<1x1024xf32> -> vector<1024x1xf32>
    %get3A_8 = arith.constant 0 : index
    %get3A_9 = arith.constant 0 : index
    %get3A_10 = vector.load %arg1[%get3A_8, %get3A_9] : memref<1024x128xf32, #tpu.memory_space<vmem>>, vector<1024x64xf32>
    %get3A_11 = arith.constant 0 : index
    %get3A_12 = arith.constant 64 : index
    %get3A_13 = vector.load %arg1[%get3A_11, %get3A_12] : memref<1024x128xf32, #tpu.memory_space<vmem>>, vector<1024x64xf32>
    %add3A_14 = arith.addf %get3A_10, %get3A_13 : vector<1024x64xf32>
    %get3A_15 = arith.constant 0 : index
    %get3A_16 = arith.constant 0 : index
    %get3A_17 = vector.load %arg2[%get3A_15, %get3A_16] : memref<1024x64xf32, #tpu.memory_space<vmem>>, vector<1024x64xf32>
    %add3A_18 = arith.addf %add3A_14, %get3A_17 : vector<1024x64xf32>
    %mul3A = vector.broadcast %transpose3A : vector<1024x1xf32> to vector<1024x64xf32>
    %mul3A_19 = arith.mulf %add3A_18, %mul3A : vector<1024x64xf32>
    %get3A_20 = arith.constant 0 : index
    %get3A_21 = arith.constant 0 : index
    %get3A_22 = vector.load %arg4[%get3A_20, %get3A_21] : memref<1x64xf32, #tpu.memory_space<vmem>>, vector<1x64xf32>
    %add3A_23 = vector.broadcast %get3A_22 : vector<1x64xf32> to vector<1024x64xf32>
    %add3A_24 = arith.addf %mul3A_19, %add3A_23 : vector<1024x64xf32>
    %max3A = arith.constant 0.000000e+00 : f32
    %max3A_25 = vector.broadcast %max3A : f32 to vector<1024x64xf32>
    %max3A_26 = arith.maximumf %add3A_24, %max3A_25 : vector<1024x64xf32>
    %get3A_27 = arith.constant 0 : index
    %get3A_28 = arith.constant 0 : index
    %get3A_29 = vector.load %arg5[%get3A_27, %get3A_28] : memref<64x64xf32, #tpu.memory_space<vmem>>, vector<64x64xf32>
    %dot_general3A = arith.constant dense<0.000000e+00> : vector<1024x64xf32>
    %dot_general3A_30 = tpu.matmul %max3A_26, %get3A_29, %dot_general3A {dimension_numbers = #tpu.dot_dimension_numbers<[1], [0], [0], [1], [0, 0, 1, 1], [], []>, transpose_lhs_hint = false} : vector<1024x64xf32>, vector<64x64xf32>, vector<1024x64xf32> -> vector<1024x64xf32>
    %mul3A_31 = vector.broadcast %transpose3A : vector<1024x1xf32> to vector<1024x64xf32>
    %mul3A_32 = arith.mulf %dot_general3A_30, %mul3A_31 : vector<1024x64xf32>
    %swap3A = arith.constant 0 : index
    %swap3A_33 = arith.constant 0 : index
    %swap3A_34 = vector.load %arg6[%swap3A, %swap3A_33] : memref<1024x64xf32, #tpu.memory_space<vmem>>, vector<1024x64xf32>
    tpu.vector_store %arg6[%swap3A, %swap3A_33], %mul3A_32 {strides = array<i32>} : memref<1024x64xf32, #tpu.memory_space<vmem>>, vector<1024x64xf32>,
    return
  }
  func.func @transform_0(%arg0: i32) -> (i32, i32) {
    %c0_i32 = arith.constant 0 : i32
    %c0_i32_0 = arith.constant 0 : i32
    return %arg0, %c0_i32 : i32, i32
  }
  func.func @transform_1(%arg0: i32) -> (i32, i32) {
    %c0_i32 = arith.constant 0 : i32
    %c0_i32_0 = arith.constant 0 : i32
    return %arg0, %c0_i32 : i32, i32
  }
  func.func @transform_2(%arg0: i32) -> (i32, i32) {
    %c0_i32 = arith.constant 0 : i32
    %c0_i32_0 = arith.constant 0 : i32
    return %c0_i32, %arg0 : i32, i32
  }
  func.func @transform_3(%arg0: i32) -> (i32, i32) {
    %c0_i32 = arith.constant 0 : i32
    %c0_i32_0 = arith.constant 0 : i32
    %c0_i32_1 = arith.constant 0 : i32
    return %c0_i32, %c0_i32_0 : i32, i32
  }
  func.func @transform_4(%arg0: i32) -> (i32, i32) {
    %c0_i32 = arith.constant 0 : i32
    %c0_i32_0 = arith.constant 0 : i32
    %c0_i32_1 = arith.constant 0 : i32
    return %c0_i32, %c0_i32_0 : i32, i32
  }
  func.func @transform_5(%arg0: i32) -> (i32, i32) {
    %c0_i32 = arith.constant 0 : i32
    %c0_i32_0 = arith.constant 0 : i32
    return %arg0, %c0_i32 : i32, i32
  }
}

module attributes {stable_mosaic.version = 14 : i64} {
  func.func @_mm3_body(%arg0: i32, %arg1: memref<1024x128xf32, #tpu.memory_space<vmem>>, %arg2: memref<1024x64xf32, #tpu.memory_space<vmem>>, %arg3: memref<2x1024xf32, #tpu.memory_space<vmem>>, %arg4: memref<1x64xf32, #tpu.memory_space<vmem>>, %arg5: memref<64x128xf32, #tpu.memory_space<vmem>>, %arg6: memref<1x128xf32, #tpu.memory_space<vmem>>, %arg7: memref<1024x64xf32, #tpu.memory_space<vmem>>, %arg8: memref<1024x128xf32, #tpu.memory_space<vmem>>) attributes {dimension_semantics = [#tpu.dimension_semantics<arbitrary>], iteration_bounds = array<i64: 10>, scalar_prefetch = 0 : i64, scratch_operands = 0 : i64, tpu.core_type = #tpu.core_type<tc>, window_params = [{transform_indices = @transform_0, window_bounds = array<i64: 1024, 128>}, {transform_indices = @transform_1, window_bounds = array<i64: 1024, 64>}, {transform_indices = @transform_2, window_bounds = array<i64: 2, 1024>}, {pipeline_mode = #tpu.pipeline_mode<synchronous>, transform_indices = @transform_3, window_bounds = array<i64: 1, 64>}, {pipeline_mode = #tpu.pipeline_mode<synchronous>, transform_indices = @transform_4, window_bounds = array<i64: 64, 128>}, {pipeline_mode = #tpu.pipeline_mode<synchronous>, transform_indices = @transform_5, window_bounds = array<i64: 1, 128>}, {transform_indices = @transform_6, window_bounds = array<i64: 1024, 64>}, {transform_indices = @transform_7, window_bounds = array<i64: 1024, 128>}]} {
    %get3A = arith.constant 0 : index
    %get3A_0 = arith.constant 0 : index
    %get3A_1 = vector.load %arg3[%get3A, %get3A_0] : memref<2x1024xf32, #tpu.memory_space<vmem>>, vector<1x1024xf32>
    %get3A_2 = arith.constant 1 : index
    %get3A_3 = arith.constant 0 : index
    %get3A_4 = vector.load %arg3[%get3A_2, %get3A_3] : memref<2x1024xf32, #tpu.memory_space<vmem>>, vector<1x1024xf32>
    %add3A = arith.addf %get3A_1, %get3A_4 : vector<1x1024xf32>
    %add3A_5 = arith.constant 1.000000e+00 : f32
    %add3A_6 = vector.broadcast %add3A_5 : f32 to vector<1x1024xf32>
    %add3A_7 = arith.addf %add3A, %add3A_6 : vector<1x1024xf32>
    %rsqrt3A = math.rsqrt %add3A_7 : vector<1x1024xf32>
    %transpose3A = tpu.transpose %rsqrt3A, [1, 0] : vector<1x1024xf32> -> vector<1024x1xf32>
    %get3A_8 = arith.constant 0 : index
    %get3A_9 = arith.constant 0 : index
    %get3A_10 = vector.load %arg1[%get3A_8, %get3A_9] : memref<1024x128xf32, #tpu.memory_space<vmem>>, vector<1024x64xf32>
    %get3A_11 = arith.constant 0 : index
    %get3A_12 = arith.constant 64 : index
    %get3A_13 = vector.load %arg1[%get3A_11, %get3A_12] : memref<1024x128xf32, #tpu.memory_space<vmem>>, vector<1024x64xf32>
    %add3A_14 = arith.addf %get3A_10, %get3A_13 : vector<1024x64xf32>
    %get3A_15 = arith.constant 0 : index
    %get3A_16 = arith.constant 0 : index
    %get3A_17 = vector.load %arg2[%get3A_15, %get3A_16] : memref<1024x64xf32, #tpu.memory_space<vmem>>, vector<1024x64xf32>
    %add3A_18 = arith.addf %add3A_14, %get3A_17 : vector<1024x64xf32>
    %mul3A = vector.broadcast %transpose3A : vector<1024x1xf32> to vector<1024x64xf32>
    %mul3A_19 = arith.mulf %add3A_18, %mul3A : vector<1024x64xf32>
    %get3A_20 = arith.constant 0 : index
    %get3A_21 = arith.constant 0 : index
    %get3A_22 = vector.load %arg4[%get3A_20, %get3A_21] : memref<1x64xf32, #tpu.memory_space<vmem>>, vector<1x64xf32>
    %add3A_23 = vector.broadcast %get3A_22 : vector<1x64xf32> to vector<1024x64xf32>
    %add3A_24 = arith.addf %mul3A_19, %add3A_23 : vector<1024x64xf32>
    %max3A = arith.constant 0.000000e+00 : f32
    %max3A_25 = vector.broadcast %max3A : f32 to vector<1024x64xf32>
    %max3A_26 = arith.maximumf %add3A_24, %max3A_25 : vector<1024x64xf32>
    %swap3A = arith.constant 0 : index
    %swap3A_27 = arith.constant 0 : index
    %swap3A_28 = vector.load %arg7[%swap3A, %swap3A_27] : memref<1024x64xf32, #tpu.memory_space<vmem>>, vector<1024x64xf32>
    tpu.vector_store %arg7[%swap3A, %swap3A_27], %max3A_26 {strides = array<i32>} : memref<1024x64xf32, #tpu.memory_space<vmem>>, vector<1024x64xf32>,
    %get3A_29 = arith.constant 0 : index
    %get3A_30 = arith.constant 0 : index
    %get3A_31 = vector.load %arg5[%get3A_29, %get3A_30] : memref<64x128xf32, #tpu.memory_space<vmem>>, vector<64x128xf32>
    %dot_general3A = arith.constant dense<0.000000e+00> : vector<1024x128xf32>
    %dot_general3A_32 = tpu.matmul %max3A_26, %get3A_31, %dot_general3A {dimension_numbers = #tpu.dot_dimension_numbers<[1], [0], [0], [1], [0, 0, 1, 1], [], []>, transpose_lhs_hint = false} : vector<1024x64xf32>, vector<64x128xf32>, vector<1024x128xf32> -> vector<1024x128xf32>
    %get3A_33 = arith.constant 0 : index
    %get3A_34 = arith.constant 0 : index
    %get3A_35 = vector.load %arg6[%get3A_33, %get3A_34] : memref<1x128xf32, #tpu.memory_space<vmem>>, vector<1x128xf32>
    %add3A_36 = vector.broadcast %get3A_35 : vector<1x128xf32> to vector<1024x128xf32>
    %add3A_37 = arith.addf %dot_general3A_32, %add3A_36 : vector<1024x128xf32>
    %swap3A_38 = arith.constant 0 : index
    %swap3A_39 = arith.constant 0 : index
    %swap3A_40 = vector.load %arg8[%swap3A_38, %swap3A_39] : memref<1024x128xf32, #tpu.memory_space<vmem>>, vector<1024x128xf32>
    tpu.vector_store %arg8[%swap3A_38, %swap3A_39], %add3A_37 {strides = array<i32>} : memref<1024x128xf32, #tpu.memory_space<vmem>>, vector<1024x128xf32>,
    return
  }
  func.func @transform_0(%arg0: i32) -> (i32, i32) {
    %c0_i32 = arith.constant 0 : i32
    %c0_i32_0 = arith.constant 0 : i32
    return %arg0, %c0_i32 : i32, i32
  }
  func.func @transform_1(%arg0: i32) -> (i32, i32) {
    %c0_i32 = arith.constant 0 : i32
    %c0_i32_0 = arith.constant 0 : i32
    return %arg0, %c0_i32 : i32, i32
  }
  func.func @transform_2(%arg0: i32) -> (i32, i32) {
    %c0_i32 = arith.constant 0 : i32
    %c0_i32_0 = arith.constant 0 : i32
    return %c0_i32, %arg0 : i32, i32
  }
  func.func @transform_3(%arg0: i32) -> (i32, i32) {
    %c0_i32 = arith.constant 0 : i32
    %c0_i32_0 = arith.constant 0 : i32
    %c0_i32_1 = arith.constant 0 : i32
    return %c0_i32, %c0_i32_0 : i32, i32
  }
  func.func @transform_4(%arg0: i32) -> (i32, i32) {
    %c0_i32 = arith.constant 0 : i32
    %c0_i32_0 = arith.constant 0 : i32
    %c0_i32_1 = arith.constant 0 : i32
    return %c0_i32, %c0_i32_0 : i32, i32
  }
  func.func @transform_5(%arg0: i32) -> (i32, i32) {
    %c0_i32 = arith.constant 0 : i32
    %c0_i32_0 = arith.constant 0 : i32
    %c0_i32_1 = arith.constant 0 : i32
    return %c0_i32, %c0_i32_0 : i32, i32
  }
  func.func @transform_6(%arg0: i32) -> (i32, i32) {
    %c0_i32 = arith.constant 0 : i32
    %c0_i32_0 = arith.constant 0 : i32
    return %arg0, %c0_i32 : i32, i32
  }
  func.func @transform_7(%arg0: i32) -> (i32, i32) {
    %c0_i32 = arith.constant 0 : i32
    %c0_i32_0 = arith.constant 0 : i32
    return %arg0, %c0_i32 : i32, i32
  }
}

</mosaic_0001>

<sc_bundles>
// kernel: kernel.11.cloned.1.call-start
scs
__scs_entry_jumppad:
0x0: {  	(pc) =	sbr.rel $0x88, $3  }
0x1: {  	(tag) =	ssettag $0x0;
	lr =	simm.s32 $0x1  }
0x2: {  	[smem:$0x3F99] =	sst lr;
	_ =	strace $0xD0000000  }
0x3: {  	_ = 	snop  }
0x4: {  	_ = 	snop  }
0x5: {  	_ = 	snop  }
0x6: {  	_ = 	snop  }
0x7: {  	_ = 	snop  }
__scs_overlays_trampoline_lowered:
0x8: {  	[smem:$0x3FA8] =	sst s0  }
0x9: {  	[smem:$0x3FA9] =	sst s1  }
0xa: {  	[smem:$0x3FAA] =	sst s2  }
0xb: {  	[smem:$0x3FAB] =	sst s3  }
0xc: {  	[smem:$0x3FAC] =	sst s4  }
0xd: {  	[smem:$0x3FAD] =	sst s5  }
0xe: {  	[smem:$0x3FAE] =	sst s6  }
0xf: {  	[smem:$0x3FAF] =	sst s7  }
0x10: {  	[smem:$0x3FB0] =	sst s8  }
0x11: {  	[smem:$0x3FB1] =	sst s9;
	s0 =	simm.s32 @!p0 $0x0  }
0x12: {  	s1 =	sld [smem:$0x3F97];
	s0 =	simm.s32 @p0 $0x1  }
0x13: {  	[smem:$0x3FB2] =	sst s0;
	s0 =	simm.s32 @!p1 $0x0  }
0x14: {  	s2 =	sld [smem:$0x3F96];
	s0 =	simm.s32 @p1 $0x1  }
0x15: {  	[smem:$0x3FB3] =	sst s0;
	s0 =	simm.s32 @!p2 $0x0  }
0x16: {  	s3 =	sld [smem:$0x3FDB];
	s0 =	simm.s32 @p2 $0x1  }
0x17: {  	s4 =	simm.s32 $0x1BF5;
	[smem:$0x3FB5] =	sst s0  }
0x18: {  	s0 =	sld [smem:$0x3F98];
	_ =	swait.ge [sflag:s4], $0x0  }
0x19: {  	s7 =	sld [smem:$0x3F99]  }
0x1a: {  	s8 =	sadd.s32 $0xFFFFE003, lr  }
0x1b: {  	s9 =	sadd.s32 $0xFFFFFEF7, lr;
	s5 =	simm.s32 $0xFFFFFFFF;
	p2 =	slt.u32 s8, $0xFFFFF086  }
0x1c: {  	p1 =	slt.u32 s9, $0xF7A;
	s5 =	simm.s32 @!p2 $0x0  }
0x1d: {  	s5 =	simm.s32 @p1 $0x1;
	p0 =	seq.s32 s7, s2  }
0x1e: {  	s7 =	smul.u32 @!p0 $0xF7A, s2;
	p2 =	seq.s32 @!p0 s5, $0x0  }
0x1f: {  	s9 =	smul.u32 $0xF7A, s1;
	s8 =	simm.s32 @!p0 $0x1BF5;
	p2 =	por !p2, p0  }
0x20: {  	[sflag:s8] =	ssyncset.s32 @!p0 $0xFFFFF086;
	s6 =	sadd.s32 @!p0 s3, s7;
	s7 =	simm.s32 @!p0 $0x108  }
0x21: {  	s3 =	sadd.s32 s3, s9;
	s6 =	sadd.s32 @!p0 $0x88, s6;
	s7 =	simm.s32 @p2 $0x1082  }
0x22: {  	[simem:s7], [sflag:s8] =	dma.local @!p0 [hbm:s6], $0xF7A  }
0x23: {  	s9 =	sor.u32 $0xD0000000, s2;
	s6 =	simm.s32 $0x108;
	_ =	swait.ge @!p0 [sflag:s8], $0x0  }
0x24: {  	s3 =	sadd.s32 $0x88, s3;
	s6 =	simm.s32 @!p1 $0x1082;
	[sflag:s4] =	ssyncset.s32 $0xFFFFF086  }
0x25: {  	[simem:s6], [sflag:s4] =	dma.local [hbm:s3], $0xF7A  }
0x26: {  	[smem:$0x3F99] =	sst s1;
	(tag) =	ssettag s2;
	_ =	strace s9  }
0x27: {  	s1 =	sld [smem:$0x3FA9]  }
0x28: {  	s2 =	sld [smem:$0x3FAA]  }
0x29: {  	s4 =	sld [smem:$0x3FAC]  }
0x2a: {  	p0 =	seq.s32 s5, $0x0;
	s5 =	sld [smem:$0x3FAD]  }
0x2b: {  	s6 =	sld [smem:$0x3FAE]  }
0x2c: {  	s7 =	sld [smem:$0x3FAF]  }
0x2d: {  	s3 =	simm.s32 $0x108;
	s8 =	sld [smem:$0x3FB0]  }
0x2e: {  	s3 =	simm.s32 @!p0 $0x1082;
	s9 =	sld [smem:$0x3FB1]  }
0x2f: {  	lr =	sadd.s32 s0, s3;
	s0 =	sld [smem:$0x3FA8]  }
0x30: {  	s3 =	sld [smem:$0x3FAB]  }
0x31: {  	[smem:$0x3FB4] =	sst s10  }
0x32: {  	s10 =	sld [smem:$0x3FB2];
	_ =	sdelay $0x3  }
0x33: {  	p0 =	seq.s32 s10, $0x1;
	s10 =	sld [smem:$0x3FB4];
	_ =	sdelay $0x3  }
0x34: {  	[smem:$0x3FB4] =	sst s10  }
0x35: {  	s10 =	sld [smem:$0x3FB3];
	_ =	sdelay $0x3  }
0x36: {  	p1 =	seq.s32 s10, $0x1;
	s10 =	sld [smem:$0x3FB4];
	_ =	sdelay $0x3  }
0x37: {  	[smem:$0x3FB4] =	sst s10  }
0x38: {  	s10 =	sld [smem:$0x3FB5]  }
0x39: {  	_ = 	snop;
	(pc) =	sbr.ind lr, $3  }
0x3a: {  	_ = 	snop  }
0x3b: {  	_ = 	snop  }
0x3c: {  	p2 =	seq.s32 s10, $0x1;
	s10 =	sld [smem:$0x3FB4]  }
0x3d: {  	_ =	shalt  }
0x3e: {  	_ =	shalt  }
0x3f: {  	_ =	shalt  }
0x40: {  	_ =	shalt  }
0x41: {  	_ =	shalt  }
0x42: {  	_ =	shalt  }
0x43: {  	_ =	shalt  }
0x44: {  	_ =	shalt  }
0x45: {  	_ =	shalt  }
0x46: {  	_ =	shalt  }
0x47: {  	_ =	shalt  }
0x48: {  	_ =	shalt  }
0x49: {  	_ =	shalt  }
0x4a: {  	_ =	shalt  }
0x4b: {  	_ =	shalt  }
0x4c: {  	_ =	shalt  }
0x4d: {  	_ =	shalt  }
0x4e: {  	_ =	shalt  }
0x4f: {  	_ =	shalt  }
0x50: {  	_ =	shalt  }
0x51: {  	_ =	shalt  }
0x52: {  	_ =	shalt  }
0x53: {  	_ =	shalt  }
0x54: {  	_ =	shalt  }
0x55: {  	_ =	shalt  }
0x56: {  	_ =	shalt  }
0x57: {  	_ =	shalt  }
0x58: {  	_ =	shalt  }
0x59: {  	_ =	shalt  }
0x5a: {  	_ =	shalt  }
0x5b: {  	_ =	shalt  }
0x5c: {  	_ =	shalt  }
0x5d: {  	_ =	shalt  }
0x5e: {  	_ =	shalt  }
0x5f: {  	_ =	shalt  }
0x60: {  	_ =	shalt  }
0x61: {  	_ =	shalt  }
0x62: {  	_ =	shalt  }
0x63: {  	_ =	shalt  }
0x64: {  	_ =	shalt  }
0x65: {  	_ =	shalt  }
0x66: {  	_ =	shalt  }
0x67: {  	_ =	shalt  }
0x68: {  	_ =	shalt  }
0x69: {  	_ =	shalt  }
0x6a: {  	_ =	shalt  }
0x6b: {  	_ =	shalt  }
0x6c: {  	_ =	shalt  }
0x6d: {  	_ =	shalt  }
0x6e: {  	_ =	shalt  }
0x6f: {  	_ =	shalt  }
0x70: {  	_ =	shalt  }
0x71: {  	_ =	shalt  }
0x72: {  	_ =	shalt  }
0x73: {  	_ =	shalt  }
0x74: {  	_ =	shalt  }
0x75: {  	_ =	shalt  }
0x76: {  	_ =	shalt  }
0x77: {  	_ =	shalt  }
0x78: {  	_ =	shalt  }
0x79: {  	_ =	shalt  }
0x7a: {  	_ =	shalt  }
0x7b: {  	_ =	shalt  }
0x7c: {  	_ =	shalt  }
0x7d: {  	_ =	shalt  }
0x7e: {  	_ =	shalt  }
0x7f: {  	_ =	shalt  }
0x80: {  	_ =	shalt  }
0x81: {  	_ =	shalt  }
0x82: {  	_ =	shalt  }
0x83: {  	_ =	shalt  }
0x84: {  	_ =	shalt  }
0x85: {  	_ =	shalt  }
0x86: {  	_ =	shalt  }
0x87: {  	_ =	shalt  }
.Lfunc_end0:
.L_simem_size_0:
called_computation.1_lowered:
.L_overlay_start_0:
0x88: {  	s2 =	sld [smem:$0x3FD9]  }
0x89: {  	s3 =	sld [smem:$0x3FFE];
	_ =	sdelay $0x1  }
0x8a: {  	s1 =	srdreg.scid  }
0x8b: {  	s0 =	sand.u32 $0x1, s1  }
0x8c: {  	s14 =	sshll.u32 s0, $0xA;
	s2 =	sadd.s32 s3, s2  }
0x8d: {  	s2 =	sadd.s32 s2, s14  }
0x8e: {  	[smem:$0x3FC0] =	sst s2  }
0x8f: {  	_ = 	snop  }
0x90: {  	s2 =	sld [smem:$0x3FD0];
	_ =	sdelay $0x2  }
0x91: {  	s15 =	simm.s32 $0xA;
	s4 =	simm.s32 $0x10  }
0x92: {  	[smem:s4], [sflag:s15] =	dma.local [hbm:s2], $0x1  }
0x93: {  	_ =	swait.eq [sflag:s15], $0x1  }
0x94: {  	[sflag:s15] =	ssyncset.done $0x0  }
0x95: {  	s16 =	sld [smem:$0x10];
	[sflag:s15] =	ssyncadd.s32 $0xFFFFFFFF  }
0x96: {  	s17 =	sld [smem:$0x11];
	(tm) =	ssettm $0x1  }
0x97: {  	s18 =	sld [smem:$0x3FFB];
	_ =	sdelay $0x3  }
0x98: {  	_ =	strace s18  }
0x99: {  	s4 =	sld [smem:$0x3FFC];
	_ =	sdelay $0x3  }
0x9a: {  	_ =	strace s4  }
0x9b: {  	s4 =	sld [smem:$0x3FFD];
	_ =	sdelay $0x3  }
0x9c: {  	_ =	strace s4  }
0x9d: {  	_ =	strace $0x8FFFFFFF  }
0x9e: {  	s19 =	sld [smem:$0x3FDB];
	_ =	sdelay $0x1  }
0x9f: {  	s5 =	simm.s32 $_scs_section_size  }
0xa0: {  	s6 =	simm.s32 $_size__tile_overlayer_lowered;
	s7 =	simm.s32 $_tile_overlayer_lowered  }
0xa1: {  	s22 =	simm.s32 $0x1BFF;
	s21 =	sshll.u32 s7, $0x1;
	s4 =	sadd.s32 s5, s19  }
0xa2: {  	s8 =	simm.s32 $0x0;
	s20 =	sshll.u32 s6, $0x1;
	s6 =	sadd.s32 s21, s4  }
0xa3: {  	[timem:s8], [sflag:s22] =	dma.local [hbm:s6], s20  }
0xa4: {  	_ =	swait.ge [sflag:s22], s20  }
0xa5: {  	s5 =	ssub.s32 $0x0, s20;
	[sflag:s22] =	ssyncset.done $0x0  }
0xa6: {  	[sflag:s22] =	ssyncadd.s32 s5;
	_ =	sdelay $0x1  }
0xa7: {  	s23 =	simm.s32 $0x1B8B  }
0xa8: {  	_ =	swait.ge [sflag:s23], $0x1  }
0xa9: {  	[sflag:s23] =	ssyncset.done $0x0  }
0xaa: {  	s25 =	simm.s32 $0x1B8E;
	s24 =	sld [smem:$0x3FFE];
	[sflag:s23] =	ssyncadd.s32 $0xFFFFFFFF  }
0xab: {  	s26 =	simm.s32 $execute0_lowered;
	[smem:$0x3FD2] =	sst s25  }
0xac: {  	s6 =	sshll.u32 s26, $0x1;
	_ =	strace $0x80000049;
	[dreg:$0x1] =	wrdreg $0xFFFFFFFF  }
0xad: {  	s28 =	simm.s32 $_size_execute0_lowered;
	s4 =	sadd.s32 s4, s6;
	[dreg:$0x0] =	wrdreg $0x0  }
0xae: {  	s6 =	sshll.u32 s28, $0x1;
	[dreg:$0x2] =	wrdreg s4  }
0xaf: {  	[dreg:$0x3] =	wrdreg s6  }
0xb0: {  	[dreg:$0x4] =	wrdreg $0xC0  }
0xb1: {  	_ =	task [dreg:s8], $0x5FFFF  }
0xb2: {  	[dreg:$0x1] =	wrdreg $0xFFFFFFFF  }
0xb3: {  	[dreg:$0x0] =	wrdreg $0x60  }
0xb4: {  	[dreg:$0x2] =	wrdreg s17  }
0xb5: {  	[dreg:$0x3] =	wrdreg s16  }
0xb6: {  	[dreg:$0x4] =	wrdreg s24  }
0xb7: {  	[dreg:$0x5] =	wrdreg $0x110000  }
0xb8: {  	[dreg:$0x6] =	wrdreg $0x9  }
0xb9: {  	_ =	task.clear_ibuf [dreg:s8], $0x7FFFF;
	_ =	strace $0x90000049  }
0xba: {  	s29 =	simm.s32 $0x9;
	_ =	strace $0x8000004B  }
0xbb: {  	_ =	swait.ge [sflag:s29], $0x1  }
0xbc: {  	[sflag:s29] =	ssyncadd.s32 $0xFFFFFFFF  }
0xbd: {  	_ =	strace $0x9000004B  }
0xbe: {  	_ =	sfence  }
0xbf: {  	s30 =	sld [smem:$0x0];
	_ =	sdelay $0x2  }
0xc0: {  	s31 =	sshll.u32 s1, $0xD;
	s1 =	sshrl.u32 s1, $0x2  }
0xc1: {  	s3 =	sand.u32 $0x4000, s31;
	s1 =	sadd.s32 s1, s30  }
0xc2: {  	s0 =	sor.u32 s3, s0;
	s1 =	sshll.u32 s1, $0x11  }
0xc3: {  	s0 =	sor.u32 s1, s0  }
0xc4: {  	s0 =	sadd.s32 $0x8F2B, s0  }
0xc5: {  	[sflag:s0] =	ssyncadd.remote.s32 $0x1  }
0xc6: {  	_ =	sfence.sel $0xFFFF  }
0xc7: {  	[dreg:$0x0] =	wrdreg $0xFFFFFFFF;
	(pc) =	sbr.abs _section_cstart, $3  }
0xc8: {  	[dreg:$0x1] =	wrdreg $0xFFFFFFFF  }
0xc9: {  	_ =	task.clear_ibuf [dreg:s8], $0x2FFFF;
	_ =	strace $0x9FFFFFFF  }
0xca: {  	(tm) =	ssettm $0x7FFFFFFF  }
0xcb: {  	_ =	shalt  }
tec
execute0_lowered:
.L_overlay_start_1:
0x0: {  	(tag) =	ssettag $0x1  }
0x1: {  	s0 =	rddreg [dreg:$0x0]  }
0x2: {  	s2 =	rddreg [dreg:$0x1]  }
0x3: {  	s1 =	srdreg.scid;
	s5 =	rddreg [dreg:$0x2]  }
0x4: {  	s11 =	stileid.u32;
	s3 =	rddreg [dreg:$0x3]  }
0x5: {  	s14 =	simm.s32 $0x80;
	s15 =	simm.s32 $0x5000;
	s16 =	simm.s32 $0x7000  }
0x6: {  	s18 =	simm.s32 $0x9000;
	s19 =	simm.s32 $0x1;
	s21 =	simm.s32 $0xB000  }
0x7: {  	s22 =	simm.s32 $0x2;
	s30 =	simm.s32 $0xF000;
	s31 =	simm.s32 $0x4  }
0x8: {  	s17 =	simm.s32 $0x8;
	s20 =	simm.s32 $0x6;
	s28 =	simm.s32 $0xB  }
0x9: {  	s29 =	simm.s32 $0xC;
	s1 =	sand.u32 $0x1, s1;
	s7 =	smul.u32 $0x14000, s11  }
0xa: {  	s10 =	smul.u32 $0x28000, s11;
	s12 =	sadd.s32 $0xC000, s5;
	s26 =	sshll.u32 s11, $0x6  }
0xb: {  	s4 =	sshll.u32 s1, $0x4;
	s8 =	sshll.u32 s1, $0x6;
	s1 =	ssub.s32 $0x2, s1  }
0xc: {  	s6 =	sor.u32 s11, s4;
	s4 =	simm.s32 $0x0;
	s7 =	sor.u32 s8, s7  }
0xd: {  	s23 =	sshrl.u32 s1, $0x1;
	s25 =	sshrl.u32 s10, $0x2;
	s10 =	simm.s32 $0xD  }
0xe: {  	s6 =	smul.u32 $0x500, s6;
	[smem:$0x7FF] =	sst s4;
	s7 =	sshrl.u32 s7, $0x3  }
0xf: {  	s1 =	ssub.s32 s1, s23;
	s23 =	simm.s32 $0x9;
	_ =	strace $0x8000004A  }
0x10: {  	[dreg:$0x5] =	wrdreg s12;
	s12 =	sor.u32 $0x1C0D, s26;
	s26 =	simm.s32 $0x3  }
0x11: {  	s9 =	sadd.s32 s6, s5;
	s5 =	sadd.s32 s7, s5;
	s2 =	sadd.s32 s2, s6  }
0x12: {  	[dreg:$0x6] =	wrdreg s2;
	s24 =	sadd.s32 $0x2000, s9;
	s2 =	sadd.s32 s25, s3  }
0x13: {  	s8 =	sadd.s32 $0xD400, s5;
	s9 =	smax.u32 s1, $0x1;
	s25 =	simm.s32 $0xD000  }
0x14: {  	s1 =	simm.s32 $0x5;
	s5 =	simm.s32 $0x0;
	[dreg:$0x7] =	wrdreg s24  }
0x15: {  	s13 =	sshrl.u32 s2, $0x3;
	s2 =	simm.s32 $0x7;
	s24 =	simm.s32 $0xA  }
.LBB2_1:
0x16: {  	s6 =	rddreg [dreg:$0x6]  }
0x17: {  	[tilespmem:s4], [sflag:$0xD] =	stream.linear.gather [hbm4b:s6+s4], $0x2800, $0x38;
	[tilespmem:$0x1B000] =	vst v63  }
0x18: {  	_ =	swait.ge [sflag:s10], $0x2800  }
0x19: {  	[sflag:s10] =	ssyncset.done $0x0  }
0x1a: {  	s7 =	simm.s32 $0x2800;
	s11 =	rddreg [dreg:$0x7];
	[sflag:s10] =	ssyncadd.s32 $0xFFFFD800  }
0x1b: {  	[tilespmem:s7], [sflag:$0xD] =	stream.linear.gather [hbm4b:s11+s4], $0x2800, $0x38;
	[tilespmem:$0x1B000] =	vst v63  }
0x1c: {  	_ =	swait.ge [sflag:s10], $0x2800  }
0x1d: {  	[sflag:s10] =	ssyncset.done $0x0  }
0x1e: {  	s11 =	rddreg [dreg:$0x5];
	[sflag:s10] =	ssyncadd.s32 $0xFFFFD800  }
0x1f: {  	[spmem:s13], [sflag:s12] =	dma.local [hbm:s11], $0x1400  }
0x20: {  	_ =	swait.ge [sflag:s10], $0x1400  }
0x21: {  	[sflag:s10] =	ssyncset.done $0x0  }
0x22: {  	[sflag:s10] =	ssyncadd.s32 $0xFFFFEC00  }
0x23: {  	[bflag:$0x0] =	sbarrier.arrive $0xFFFF  }
0x24: {  	[tilespmem:s15], [sflag:$0x1] =	stream.indirect.gather [hbm4b:s0+s14], $0x40, s4, s14, $0xb8;
	[tilespmem:$0x1B000] =	vst v63  }
0x25: {  	_ = 	snop  }
0x26: {  	[tilespmem:s16], [sflag:$0x2] =	stream.indirect.gather [hbm4b:s0+s14], $0x40, s14, s14, $0xb8;
	[tilespmem:$0x1B000] =	vst v63  }
0x27: {  	s11 =	simm.s32 $0x100  }
0x28: {  	[tilespmem:s18], [sflag:$0x3] =	stream.indirect.gather [hbm4b:s0+s14], $0x40, s11, s14, $0xb8;
	[tilespmem:$0x1B000] =	vst v63  }
0x29: {  	_ =	swait.ge [sflag:s19], $0x2000  }
0x2a: {  	[sflag:s19] =	ssyncset.done $0x0  }
0x2b: {  	[sflag:s19] =	ssyncadd.s32 $0xFFFFE000  }
0x2c: {  	[spmem:s3] =	stream.indirect.scatter.add.f32 [tilespmem:s15], [sflag:$0x7], $0x40, s7, s14, $0xb8;
	[tilespmem:$0x1B000] =	vst v63  }
0x2d: {  	s7 =	simm.s32 $0x180  }
0x2e: {  	[tilespmem:s21], [sflag:$0x4] =	stream.indirect.gather [hbm4b:s0+s14], $0x40, s7, s14, $0xb8;
	[tilespmem:$0x1B000] =	vst v63  }
0x2f: {  	_ =	swait.ge [sflag:s22], $0x2000  }
0x30: {  	[sflag:s22] =	ssyncset.done $0x0  }
0x31: {  	s11 =	simm.s32 $0x2880;
	[sflag:s22] =	ssyncadd.s32 $0xFFFFE000  }
0x32: {  	[spmem:s3] =	stream.indirect.scatter.add.f32 [tilespmem:s16], [sflag:$0x8], $0x40, s11, s14, $0xb8;
	[tilespmem:$0x1B000] =	vst v63  }
0x33: {  	s7 =	simm.s32 $0x200  }
0x34: {  	[tilespmem:s25], [sflag:$0x5] =	stream.indirect.gather [hbm4b:s0+s14], $0x40, s7, s14, $0xb8;
	[tilespmem:$0x1B000] =	vst v63  }
0x35: {  	_ =	swait.ge [sflag:s26], $0x2000  }
0x36: {  	[sflag:s26] =	ssyncset.done $0x0  }
0x37: {  	s11 =	simm.s32 $0x2900;
	[sflag:s26] =	ssyncadd.s32 $0xFFFFE000  }
0x38: {  	[spmem:s3] =	stream.indirect.scatter.add.f32 [tilespmem:s18], [sflag:$0x9], $0x40, s11, s14, $0xb8;
	[tilespmem:$0x1B000] =	vst v63  }
0x39: {  	s7 =	simm.s32 $0x280  }
0x3a: {  	[tilespmem:s30], [sflag:$0x6] =	stream.indirect.gather [hbm4b:s0+s14], $0x40, s7, s14, $0xb8;
	[tilespmem:$0x1B000] =	vst v63  }
0x3b: {  	_ =	swait.ge [sflag:s31], $0x2000  }
0x3c: {  	[sflag:s31] =	ssyncset.done $0x0  }
0x3d: {  	s11 =	simm.s32 $0x2980;
	[sflag:s31] =	ssyncadd.s32 $0xFFFFE000  }
0x3e: {  	[spmem:s3] =	stream.indirect.scatter.add.f32 [tilespmem:s21], [sflag:$0xA], $0x40, s11, s14, $0xb8;
	[tilespmem:$0x1B000] =	vst v63  }
0x3f: {  	_ =	swait.ge [sflag:s2], $0x2000  }
0x40: {  	[sflag:s2] =	ssyncset.done $0x0  }
0x41: {  	s7 =	simm.s32 $0x300;
	[sflag:s2] =	ssyncadd.s32 $0xFFFFE000  }
0x42: {  	[tilespmem:s15], [sflag:$0x1] =	stream.indirect.gather [hbm4b:s0+s14], $0x40, s7, s14, $0xb8;
	[tilespmem:$0x1B000] =	vst v63  }
0x43: {  	_ =	swait.ge [sflag:s1], $0x2000  }
0x44: {  	[sflag:s1] =	ssyncset.done $0x0  }
0x45: {  	s11 =	simm.s32 $0x2A00;
	[sflag:s1] =	ssyncadd.s32 $0xFFFFE000  }
0x46: {  	[spmem:s3] =	stream.indirect.scatter.add.f32 [tilespmem:s25], [sflag:$0xB], $0x40, s11, s14, $0xb8;
	[tilespmem:$0x1B000] =	vst v63  }
0x47: {  	_ =	swait.ge [sflag:s17], $0x2000  }
0x48: {  	[sflag:s17] =	ssyncset.done $0x0  }
0x49: {  	s7 =	simm.s32 $0x380;
	[sflag:s17] =	ssyncadd.s32 $0xFFFFE000  }
0x4a: {  	[tilespmem:s16], [sflag:$0x2] =	stream.indirect.gather [hbm4b:s0+s14], $0x40, s7, s14, $0xb8;
	[tilespmem:$0x1B000] =	vst v63  }
0x4b: {  	_ =	swait.ge [sflag:s20], $0x2000  }
0x4c: {  	[sflag:s20] =	ssyncset.done $0x0  }
0x4d: {  	s11 =	simm.s32 $0x2A80;
	[sflag:s20] =	ssyncadd.s32 $0xFFFFE000  }
0x4e: {  	[spmem:s3] =	stream.indirect.scatter.add.f32 [tilespmem:s30], [sflag:$0xC], $0x40, s11, s14, $0xb8;
	[tilespmem:$0x1B000] =	vst v63  }
0x4f: {  	_ =	swait.ge [sflag:s23], $0x2000  }
0x50: {  	[sflag:s23] =	ssyncset.done $0x0  }
0x51: {  	s7 =	simm.s32 $0x400;
	[sflag:s23] =	ssyncadd.s32 $0xFFFFE000  }
0x52: {  	[tilespmem:s18], [sflag:$0x3] =	stream.indirect.gather [hbm4b:s0+s14], $0x40, s7, s14, $0xb8;
	[tilespmem:$0x1B000] =	vst v63  }
0x53: {  	_ =	swait.ge [sflag:s19], $0x2000  }
0x54: {  	[sflag:s19] =	ssyncset.done $0x0  }
0x55: {  	s11 =	simm.s32 $0x2B00;
	[sflag:s19] =	ssyncadd.s32 $0xFFFFE000  }
0x56: {  	[spmem:s3] =	stream.indirect.scatter.add.f32 [tilespmem:s15], [sflag:$0x7], $0x40, s11, s14, $0xb8;
	[tilespmem:$0x1B000] =	vst v63  }
0x57: {  	_ =	swait.ge [sflag:s24], $0x2000  }
0x58: {  	[sflag:s24] =	ssyncset.done $0x0  }
0x59: {  	s7 =	simm.s32 $0x480;
	[sflag:s24] =	ssyncadd.s32 $0xFFFFE000  }
0x5a: {  	[tilespmem:s21], [sflag:$0x4] =	stream.indirect.gather [hbm4b:s0+s14], $0x40, s7, s14, $0xb8;
	[tilespmem:$0x1B000] =	vst v63  }
0x5b: {  	_ =	swait.ge [sflag:s22], $0x2000  }
0x5c: {  	[sflag:s22] =	ssyncset.done $0x0  }
0x5d: {  	s11 =	simm.s32 $0x2B80;
	[sflag:s22] =	ssyncadd.s32 $0xFFFFE000  }
0x5e: {  	[spmem:s3] =	stream.indirect.scatter.add.f32 [tilespmem:s16], [sflag:$0x8], $0x40, s11, s14, $0xb8;
	[tilespmem:$0x1B000] =	vst v63  }
0x5f: {  	_ =	swait.ge [sflag:s28], $0x2000  }
0x60: {  	[sflag:s28] =	ssyncset.done $0x0  }
0x61: {  	s7 =	simm.s32 $0x500;
	[sflag:s28] =	ssyncadd.s32 $0xFFFFE000  }
0x62: {  	[tilespmem:s25], [sflag:$0x5] =	stream.indirect.gather [hbm4b:s0+s14], $0x40, s7, s14, $0xb8;
	[tilespmem:$0x1B000] =	vst v63  }
0x63: {  	_ =	swait.ge [sflag:s26], $0x2000  }
0x64: {  	[sflag:s26] =	ssyncset.done $0x0  }
0x65: {  	s11 =	simm.s32 $0x2C00;
	[sflag:s26] =	ssyncadd.s32 $0xFFFFE000  }
0x66: {  	[spmem:s3] =	stream.indirect.scatter.add.f32 [tilespmem:s18], [sflag:$0x9], $0x40, s11, s14, $0xb8;
	[tilespmem:$0x1B000] =	vst v63  }
0x67: {  	_ =	swait.ge [sflag:s29], $0x2000  }
0x68: {  	[sflag:s29] =	ssyncset.done $0x0  }
0x69: {  	s6 =	simm.s32 $0xC00;
	s7 =	simm.s32 $0x580;
	[sflag:s29] =	ssyncadd.s32 $0xFFFFE000  }
.LBB2_2:
0x6a: {  	[tilespmem:s30], [sflag:$0x6] =	stream.indirect.gather [hbm4b:s0+s14], $0x40, s7, s14, $0xb8;
	[tilespmem:$0x1B000] =	vst v63  }
0x6b: {  	s7 =	smov.u32 s6  }
0x6c: {  	p0 =	sne.s32 s6, $0x8400;
	s6 =	sadd.s32 $0xC00, s6;
	_ =	swait.ge [sflag:s31], $0x2000  }
0x6d: {  	s7 =	sshra.s32 s7, $0x2;
	[sflag:s31] =	ssyncset.done $0x0  }
0x6e: {  	s11 =	sadd.s32 $0x2980, s7;
	[sflag:s31] =	ssyncadd.s32 $0xFFFFE000  }
0x6f: {  	[spmem:s3] =	stream.indirect.scatter.add.f32 [tilespmem:s21], [sflag:$0xA], $0x40, s11, s14, $0xb8;
	[tilespmem:$0x1B000] =	vst v63  }
0x70: {  	_ =	swait.ge [sflag:s2], $0x2000  }
0x71: {  	[sflag:s2] =	ssyncset.done $0x0  }
0x72: {  	s11 =	sadd.s32 $0x300, s7;
	[sflag:s2] =	ssyncadd.s32 $0xFFFFE000  }
0x73: {  	[tilespmem:s15], [sflag:$0x1] =	stream.indirect.gather [hbm4b:s0+s14], $0x40, s11, s14, $0xb8;
	[tilespmem:$0x1B000] =	vst v63  }
0x74: {  	_ =	swait.ge [sflag:s1], $0x2000  }
0x75: {  	[sflag:s1] =	ssyncset.done $0x0  }
0x76: {  	s11 =	sadd.s32 $0x2A00, s7;
	[sflag:s1] =	ssyncadd.s32 $0xFFFFE000  }
0x77: {  	[spmem:s3] =	stream.indirect.scatter.add.f32 [tilespmem:s25], [sflag:$0xB], $0x40, s11, s14, $0xb8;
	[tilespmem:$0x1B000] =	vst v63  }
0x78: {  	_ =	swait.ge [sflag:s17], $0x2000  }
0x79: {  	[sflag:s17] =	ssyncset.done $0x0  }
0x7a: {  	s11 =	sadd.s32 $0x380, s7;
	[sflag:s17] =	ssyncadd.s32 $0xFFFFE000  }
0x7b: {  	[tilespmem:s16], [sflag:$0x2] =	stream.indirect.gather [hbm4b:s0+s14], $0x40, s11, s14, $0xb8;
	[tilespmem:$0x1B000] =	vst v63  }
0x7c: {  	_ =	swait.ge [sflag:s20], $0x2000  }
0x7d: {  	[sflag:s20] =	ssyncset.done $0x0  }
0x7e: {  	s11 =	sadd.s32 $0x2A80, s7;
	[sflag:s20] =	ssyncadd.s32 $0xFFFFE000  }
0x7f: {  	[spmem:s3] =	stream.indirect.scatter.add.f32 [tilespmem:s30], [sflag:$0xC], $0x40, s11, s14, $0xb8;
	[tilespmem:$0x1B000] =	vst v63  }
0x80: {  	_ =	swait.ge [sflag:s23], $0x2000  }
0x81: {  	[sflag:s23] =	ssyncset.done $0x0  }
0x82: {  	s11 =	sadd.s32 $0x400, s7;
	[sflag:s23] =	ssyncadd.s32 $0xFFFFE000  }
0x83: {  	[tilespmem:s18], [sflag:$0x3] =	stream.indirect.gather [hbm4b:s0+s14], $0x40, s11, s14, $0xb8;
	[tilespmem:$0x1B000] =	vst v63  }
0x84: {  	_ =	swait.ge [sflag:s19], $0x2000  }
0x85: {  	[sflag:s19] =	ssyncset.done $0x0  }
0x86: {  	s11 =	sadd.s32 $0x2B00, s7;
	[sflag:s19] =	ssyncadd.s32 $0xFFFFE000  }
0x87: {  	[spmem:s3] =	stream.indirect.scatter.add.f32 [tilespmem:s15], [sflag:$0x7], $0x40, s11, s14, $0xb8;
	[tilespmem:$0x1B000] =	vst v63  }
0x88: {  	_ =	swait.ge [sflag:s24], $0x2000  }
0x89: {  	[sflag:s24] =	ssyncset.done $0x0  }
0x8a: {  	s11 =	sadd.s32 $0x480, s7;
	[sflag:s24] =	ssyncadd.s32 $0xFFFFE000  }
0x8b: {  	[tilespmem:s21], [sflag:$0x4] =	stream.indirect.gather [hbm4b:s0+s14], $0x40, s11, s14, $0xb8;
	[tilespmem:$0x1B000] =	vst v63  }
0x8c: {  	_ =	swait.ge [sflag:s22], $0x2000  }
0x8d: {  	[sflag:s22] =	ssyncset.done $0x0  }
0x8e: {  	s11 =	sadd.s32 $0x2B80, s7;
	[sflag:s22] =	ssyncadd.s32 $0xFFFFE000  }
0x8f: {  	[spmem:s3] =	stream.indirect.scatter.add.f32 [tilespmem:s16], [sflag:$0x8], $0x40, s11, s14, $0xb8;
	[tilespmem:$0x1B000] =	vst v63  }
0x90: {  	_ =	swait.ge [sflag:s28], $0x2000  }
0x91: {  	[sflag:s28] =	ssyncset.done $0x0  }
0x92: {  	s11 =	sadd.s32 $0x500, s7;
	[sflag:s28] =	ssyncadd.s32 $0xFFFFE000  }
0x93: {  	[tilespmem:s25], [sflag:$0x5] =	stream.indirect.gather [hbm4b:s0+s14], $0x40, s11, s14, $0xb8;
	[tilespmem:$0x1B000] =	vst v63  }
0x94: {  	_ =	swait.ge [sflag:s26], $0x2000  }
0x95: {  	[sflag:s26] =	ssyncset.done $0x0  }
.Ltmp0:
0x96: {  	s11 =	sadd.s32 $0x2C00, s7;
	[sflag:s26] =	ssyncadd.s32 $0xFFFFE000;
	(pc) =	sbr.rel @p0 .LBB2_2-.Ltmp0, $4  }
0x97: {  	[spmem:s3] =	stream.indirect.scatter.add.f32 [tilespmem:s18], [sflag:$0x9], $0x40, s11, s14, $0xb8;
	[tilespmem:$0x1B000] =	vst v63  }
0x98: {  	_ =	swait.ge [sflag:s29], $0x2000  }
0x99: {  	[sflag:s29] =	ssyncset.done $0x0  }
0x9a: {  	s7 =	sadd.s32 $0x580, s7;
	[sflag:s29] =	ssyncadd.s32 $0xFFFFE000  }
0x9b: {  	[tilespmem:s30], [sflag:$0x6] =	stream.indirect.gather [hbm4b:s0+s14], $0x40, s7, s14, $0xb8;
	[tilespmem:$0x1B000] =	vst v63  }
0x9c: {  	_ =	swait.ge [sflag:s31], $0x2000  }
0x9d: {  	[sflag:s31] =	ssyncset.done $0x0  }
0x9e: {  	s6 =	simm.s32 $0x4D80;
	[sflag:s31] =	ssyncadd.s32 $0xFFFFE000  }
0x9f: {  	[spmem:s3] =	stream.indirect.scatter.add.f32 [tilespmem:s21], [sflag:$0xA], $0x40, s6, s14, $0xb8;
	[tilespmem:$0x1B000] =	vst v63  }
0xa0: {  	_ =	swait.ge [sflag:s2], $0x2000  }
0xa1: {  	[sflag:s2] =	ssyncset.done $0x0  }
0xa2: {  	s11 =	simm.s32 $0x2700;
	[sflag:s2] =	ssyncadd.s32 $0xFFFFE000  }
0xa3: {  	[tilespmem:s15], [sflag:$0x1] =	stream.indirect.gather [hbm4b:s0+s14], $0x40, s11, s14, $0xb8;
	[tilespmem:$0x1B000] =	vst v63  }
0xa4: {  	_ =	swait.ge [sflag:s1], $0x2000  }
0xa5: {  	[sflag:s1] =	ssyncset.done $0x0  }
0xa6: {  	s7 =	simm.s32 $0x4E00;
	[sflag:s1] =	ssyncadd.s32 $0xFFFFE000  }
0xa7: {  	[spmem:s3] =	stream.indirect.scatter.add.f32 [tilespmem:s25], [sflag:$0xB], $0x40, s7, s14, $0xb8;
	[tilespmem:$0x1B000] =	vst v63  }
0xa8: {  	_ =	swait.ge [sflag:s17], $0x2000  }
0xa9: {  	[sflag:s17] =	ssyncset.done $0x0  }
0xaa: {  	s11 =	simm.s32 $0x2780;
	[sflag:s17] =	ssyncadd.s32 $0xFFFFE000  }
0xab: {  	[tilespmem:s16], [sflag:$0x2] =	stream.indirect.gather [hbm4b:s0+s14], $0x40, s11, s14, $0xb8;
	[tilespmem:$0x1B000] =	vst v63  }
0xac: {  	_ =	swait.ge [sflag:s20], $0x2000  }
0xad: {  	[sflag:s20] =	ssyncset.done $0x0  }
0xae: {  	s7 =	simm.s32 $0x4E80;
	[sflag:s20] =	ssyncadd.s32 $0xFFFFE000  }
0xaf: {  	[spmem:s3] =	stream.indirect.scatter.add.f32 [tilespmem:s30], [sflag:$0xC], $0x40, s7, s14, $0xb8;
	[tilespmem:$0x1B000] =	vst v63  }
0xb0: {  	_ =	swait.ge [sflag:s23], $0x2000  }
0xb1: {  	[sflag:s23] =	ssyncset.done $0x0  }
0xb2: {  	[sflag:s23] =	ssyncadd.s32 $0xFFFFE000  }
0xb3: {  	_ =	swait.ge [sflag:s19], $0x2000  }
0xb4: {  	[sflag:s19] =	ssyncset.done $0x0  }
0xb5: {  	s11 =	simm.s32 $0x4F00;
	[sflag:s19] =	ssyncadd.s32 $0xFFFFE000  }
0xb6: {  	[spmem:s3] =	stream.indirect.scatter.add.f32 [tilespmem:s15], [sflag:$0x7], $0x40, s11, s14, $0xb8;
	[tilespmem:$0x1B000] =	vst v63  }
0xb7: {  	_ =	swait.ge [sflag:s24], $0x2000  }
0xb8: {  	[sflag:s24] =	ssyncset.done $0x0  }
0xb9: {  	[sflag:s24] =	ssyncadd.s32 $0xFFFFE000  }
0xba: {  	_ =	swait.ge [sflag:s22], $0x2000  }
0xbb: {  	[sflag:s22] =	ssyncset.done $0x0  }
0xbc: {  	s7 =	simm.s32 $0x4F80;
	[sflag:s22] =	ssyncadd.s32 $0xFFFFE000  }
0xbd: {  	[spmem:s3] =	stream.indirect.scatter.add.f32 [tilespmem:s16], [sflag:$0x8], $0x40, s7, s14, $0xb8;
	[tilespmem:$0x1B000] =	vst v63  }
0xbe: {  	_ =	swait.ge [sflag:s28], $0x2000  }
0xbf: {  	[sflag:s28] =	ssyncset.done $0x0  }
0xc0: {  	[sflag:s28] =	ssyncadd.s32 $0xFFFFE000  }
0xc1: {  	_ =	swait.ge [sflag:s29], $0x2000  }
0xc2: {  	[sflag:s29] =	ssyncset.done $0x0  }
0xc3: {  	[sflag:s29] =	ssyncadd.s32 $0xFFFFE000  }
0xc4: {  	_ =	swait.ge [sflag:s2], $0x2000  }
0xc5: {  	[sflag:s2] =	ssyncset.done $0x0  }
0xc6: {  	[sflag:s2] =	ssyncadd.s32 $0xFFFFE000  }
0xc7: {  	_ =	swait.ge [sflag:s17], $0x2000  }
0xc8: {  	s5 =	sadd.s32 $0x1, s5;
	[sflag:s17] =	ssyncset.done $0x0  }
0xc9: {  	p0 =	sne.s32 s5, s9;
	[sflag:s17] =	ssyncadd.s32 $0xFFFFE000  }
.Ltmp1:
0xca: {  	s11 =	simm.s32 $0x10;
	[bflag:$0x0] =	sbarrier.arrive $0xFFFF;
	(pc) =	sbr.rel @p0 .LBB2_1-.Ltmp1, $4  }
0xcb: {  	[hbm:s8@s11], [sflag:s12] =	dma.strided [spmem:s13@s17], $0x1400, s19, $0x8   }
0xcc: {  	_ =	swait.ge [sflag:s10], $0x1400  }
0xcd: {  	[sflag:s10] =	ssyncset.done $0x0  }
0xce: {  	[sflag:s10] =	ssyncadd.s32 $0xFFFFEC00  }
0xcf: {  	_ =	sfence.sel $0x180000  }
0xd0: {  	[bflag:$0x0] =	sbarrier.arrive $0xFFFF  }
0xd1: {  	_ =	strace $0x9000004A  }
0xd2: {  	s0 =	stileid.u32;
	[bflag:$0x2] =	sbarrier.arrive $0xFFFF  }
0xd3: {  	p0 =	sne.s32 s0, $0x0;
	s0 =	rddreg [dreg:$0x4]  }
0xd4: {  	s0 =	sadd.s32 @!p0 $0x100000, s0  }
0xd5: {  	[sflag:s0] =	ssyncadd.tile.s32 @!p0 $0x1;
	_ =	shalt  }
.Lfunc_end2:
_tile_overlayer_lowered:
.L_overlay_start_2:
0xd6: {  	(tag) =	ssettag $0x2  }
0xd7: {  	s0 =	rddreg [dreg:$0x0];
	s2 =	stileid.u32  }
0xd8: {  	s1 =	rddreg [dreg:$0x1];
	p0 =	sne.s32 s2, $0x0  }
0xd9: {  	s3 =	rddreg [dreg:$0x2];
	[bflag:$0x3] =	sbarrier.arrive $0xFFFF;
	s2 =	simm.s32 @!p0 $0x1C0D  }
0xda: {  	[timem:s3], [sflag:s2] =	dma.local @!p0 [hbm:s0], s1  }
0xdb: {  	s0 =	simm.s32 @!p0 $0xD  }
0xdc: {  	_ =	swait.ge @!p0 [sflag:s0], s1  }
0xdd: {  	s1 =	ssub.s32 @!p0 $0x0, s1;
	[sflag:s0] =	ssyncset.done @!p0 $0x0  }
0xde: {  	[sflag:s0] =	ssyncadd.s32 @!p0 s1  }
0xdf: {  	[bflag:$0x3] =	sbarrier.arrive $0xFFFF  }
0xe0: {  	_ =	shalt  }

// kernel: kernel.14.cloned.1.call-start
scs
__scs_entry_jumppad:
0x0: {  	(pc) =	sbr.rel $0x88, $3  }
0x1: {  	(tag) =	ssettag $0x0;
	lr =	simm.s32 $0x1  }
0x2: {  	[smem:$0x3F99] =	sst lr;
	_ =	strace $0xD0000000  }
0x3: {  	_ = 	snop  }
0x4: {  	_ = 	snop  }
0x5: {  	_ = 	snop  }
0x6: {  	_ = 	snop  }
0x7: {  	_ = 	snop  }
__scs_overlays_trampoline_lowered:
0x8: {  	[smem:$0x3FA8] =	sst s0  }
0x9: {  	[smem:$0x3FA9] =	sst s1  }
0xa: {  	[smem:$0x3FAA] =	sst s2  }
0xb: {  	[smem:$0x3FAB] =	sst s3  }
0xc: {  	[smem:$0x3FAC] =	sst s4  }
0xd: {  	[smem:$0x3FAD] =	sst s5  }
0xe: {  	[smem:$0x3FAE] =	sst s6  }
0xf: {  	[smem:$0x3FAF] =	sst s7  }
0x10: {  	[smem:$0x3FB0] =	sst s8  }
0x11: {  	[smem:$0x3FB1] =	sst s9;
	s0 =	simm.s32 @!p0 $0x0  }
0x12: {  	s1 =	sld [smem:$0x3F97];
	s0 =	simm.s32 @p0 $0x1  }
0x13: {  	[smem:$0x3FB2] =	sst s0;
	s0 =	simm.s32 @!p1 $0x0  }
0x14: {  	s2 =	sld [smem:$0x3F96];
	s0 =	simm.s32 @p1 $0x1  }
0x15: {  	[smem:$0x3FB3] =	sst s0;
	s0 =	simm.s32 @!p2 $0x0  }
0x16: {  	s3 =	sld [smem:$0x3FDB];
	s0 =	simm.s32 @p2 $0x1  }
0x17: {  	s4 =	simm.s32 $0x1BF5;
	[smem:$0x3FB5] =	sst s0  }
0x18: {  	s0 =	sld [smem:$0x3F98];
	_ =	swait.ge [sflag:s4], $0x0  }
0x19: {  	s7 =	sld [smem:$0x3F99]  }
0x1a: {  	s8 =	sadd.s32 $0xFFFFE003, lr  }
0x1b: {  	s9 =	sadd.s32 $0xFFFFFEF7, lr;
	s5 =	simm.s32 $0xFFFFFFFF;
	p2 =	slt.u32 s8, $0xFFFFF086  }
0x1c: {  	p1 =	slt.u32 s9, $0xF7A;
	s5 =	simm.s32 @!p2 $0x0  }
0x1d: {  	s5 =	simm.s32 @p1 $0x1;
	p0 =	seq.s32 s7, s2  }
0x1e: {  	s7 =	smul.u32 @!p0 $0xF7A, s2;
	p2 =	seq.s32 @!p0 s5, $0x0  }
0x1f: {  	s9 =	smul.u32 $0xF7A, s1;
	s8 =	simm.s32 @!p0 $0x1BF5;
	p2 =	por !p2, p0  }
0x20: {  	[sflag:s8] =	ssyncset.s32 @!p0 $0xFFFFF086;
	s6 =	sadd.s32 @!p0 s3, s7;
	s7 =	simm.s32 @!p0 $0x108  }
0x21: {  	s3 =	sadd.s32 s3, s9;
	s6 =	sadd.s32 @!p0 $0x88, s6;
	s7 =	simm.s32 @p2 $0x1082  }
0x22: {  	[simem:s7], [sflag:s8] =	dma.local @!p0 [hbm:s6], $0xF7A  }
0x23: {  	s9 =	sor.u32 $0xD0000000, s2;
	s6 =	simm.s32 $0x108;
	_ =	swait.ge @!p0 [sflag:s8], $0x0  }
0x24: {  	s3 =	sadd.s32 $0x88, s3;
	s6 =	simm.s32 @!p1 $0x1082;
	[sflag:s4] =	ssyncset.s32 $0xFFFFF086  }
0x25: {  	[simem:s6], [sflag:s4] =	dma.local [hbm:s3], $0xF7A  }
0x26: {  	[smem:$0x3F99] =	sst s1;
	(tag) =	ssettag s2;
	_ =	strace s9  }
0x27: {  	s1 =	sld [smem:$0x3FA9]  }
0x28: {  	s2 =	sld [smem:$0x3FAA]  }
0x29: {  	s4 =	sld [smem:$0x3FAC]  }
0x2a: {  	p0 =	seq.s32 s5, $0x0;
	s5 =	sld [smem:$0x3FAD]  }
0x2b: {  	s6 =	sld [smem:$0x3FAE]  }
0x2c: {  	s7 =	sld [smem:$0x3FAF]  }
0x2d: {  	s3 =	simm.s32 $0x108;
	s8 =	sld [smem:$0x3FB0]  }
0x2e: {  	s3 =	simm.s32 @!p0 $0x1082;
	s9 =	sld [smem:$0x3FB1]  }
0x2f: {  	lr =	sadd.s32 s0, s3;
	s0 =	sld [smem:$0x3FA8]  }
0x30: {  	s3 =	sld [smem:$0x3FAB]  }
0x31: {  	[smem:$0x3FB4] =	sst s10  }
0x32: {  	s10 =	sld [smem:$0x3FB2];
	_ =	sdelay $0x3  }
0x33: {  	p0 =	seq.s32 s10, $0x1;
	s10 =	sld [smem:$0x3FB4];
	_ =	sdelay $0x3  }
0x34: {  	[smem:$0x3FB4] =	sst s10  }
0x35: {  	s10 =	sld [smem:$0x3FB3];
	_ =	sdelay $0x3  }
0x36: {  	p1 =	seq.s32 s10, $0x1;
	s10 =	sld [smem:$0x3FB4];
	_ =	sdelay $0x3  }
0x37: {  	[smem:$0x3FB4] =	sst s10  }
0x38: {  	s10 =	sld [smem:$0x3FB5]  }
0x39: {  	_ = 	snop;
	(pc) =	sbr.ind lr, $3  }
0x3a: {  	_ = 	snop  }
0x3b: {  	_ = 	snop  }
0x3c: {  	p2 =	seq.s32 s10, $0x1;
	s10 =	sld [smem:$0x3FB4]  }
0x3d: {  	_ =	shalt  }
0x3e: {  	_ =	shalt  }
0x3f: {  	_ =	shalt  }
0x40: {  	_ =	shalt  }
0x41: {  	_ =	shalt  }
0x42: {  	_ =	shalt  }
0x43: {  	_ =	shalt  }
0x44: {  	_ =	shalt  }
0x45: {  	_ =	shalt  }
0x46: {  	_ =	shalt  }
0x47: {  	_ =	shalt  }
0x48: {  	_ =	shalt  }
0x49: {  	_ =	shalt  }
0x4a: {  	_ =	shalt  }
0x4b: {  	_ =	shalt  }
0x4c: {  	_ =	shalt  }
0x4d: {  	_ =	shalt  }
0x4e: {  	_ =	shalt  }
0x4f: {  	_ =	shalt  }
0x50: {  	_ =	shalt  }
0x51: {  	_ =	shalt  }
0x52: {  	_ =	shalt  }
0x53: {  	_ =	shalt  }
0x54: {  	_ =	shalt  }
0x55: {  	_ =	shalt  }
0x56: {  	_ =	shalt  }
0x57: {  	_ =	shalt  }
0x58: {  	_ =	shalt  }
0x59: {  	_ =	shalt  }
0x5a: {  	_ =	shalt  }
0x5b: {  	_ =	shalt  }
0x5c: {  	_ =	shalt  }
0x5d: {  	_ =	shalt  }
0x5e: {  	_ =	shalt  }
0x5f: {  	_ =	shalt  }
0x60: {  	_ =	shalt  }
0x61: {  	_ =	shalt  }
0x62: {  	_ =	shalt  }
0x63: {  	_ =	shalt  }
0x64: {  	_ =	shalt  }
0x65: {  	_ =	shalt  }
0x66: {  	_ =	shalt  }
0x67: {  	_ =	shalt  }
0x68: {  	_ =	shalt  }
0x69: {  	_ =	shalt  }
0x6a: {  	_ =	shalt  }
0x6b: {  	_ =	shalt  }
0x6c: {  	_ =	shalt  }
0x6d: {  	_ =	shalt  }
0x6e: {  	_ =	shalt  }
0x6f: {  	_ =	shalt  }
0x70: {  	_ =	shalt  }
0x71: {  	_ =	shalt  }
0x72: {  	_ =	shalt  }
0x73: {  	_ =	shalt  }
0x74: {  	_ =	shalt  }
0x75: {  	_ =	shalt  }
0x76: {  	_ =	shalt  }
0x77: {  	_ =	shalt  }
0x78: {  	_ =	shalt  }
0x79: {  	_ =	shalt  }
0x7a: {  	_ =	shalt  }
0x7b: {  	_ =	shalt  }
0x7c: {  	_ =	shalt  }
0x7d: {  	_ =	shalt  }
0x7e: {  	_ =	shalt  }
0x7f: {  	_ =	shalt  }
0x80: {  	_ =	shalt  }
0x81: {  	_ =	shalt  }
0x82: {  	_ =	shalt  }
0x83: {  	_ =	shalt  }
0x84: {  	_ =	shalt  }
0x85: {  	_ =	shalt  }
0x86: {  	_ =	shalt  }
0x87: {  	_ =	shalt  }
.Lfunc_end0:
.L_simem_size_0:
called_computation.2_lowered:
.L_overlay_start_0:
0x88: {  	s2 =	sld [smem:$0x3FD9]  }
0x89: {  	s3 =	sld [smem:$0x3FFE];
	_ =	sdelay $0x1  }
0x8a: {  	s1 =	srdreg.scid  }
0x8b: {  	s0 =	sand.u32 $0x1, s1  }
0x8c: {  	s14 =	sshll.u32 s0, $0xA;
	s2 =	sadd.s32 s3, s2  }
0x8d: {  	s2 =	sadd.s32 s2, s14  }
0x8e: {  	[smem:$0x3FC0] =	sst s2  }
0x8f: {  	_ = 	snop  }
0x90: {  	s2 =	sld [smem:$0x3FD0];
	_ =	sdelay $0x2  }
0x91: {  	s15 =	simm.s32 $0xA;
	s4 =	simm.s32 $0x10  }
0x92: {  	[smem:s4], [sflag:s15] =	dma.local [hbm:s2], $0x1  }
0x93: {  	_ =	swait.eq [sflag:s15], $0x1  }
0x94: {  	[sflag:s15] =	ssyncset.done $0x0  }
0x95: {  	s16 =	sld [smem:$0x10];
	[sflag:s15] =	ssyncadd.s32 $0xFFFFFFFF  }
0x96: {  	s17 =	sld [smem:$0x11];
	(tm) =	ssettm $0x1  }
0x97: {  	s18 =	sld [smem:$0x3FFB];
	_ =	sdelay $0x3  }
0x98: {  	_ =	strace s18  }
0x99: {  	s4 =	sld [smem:$0x3FFC];
	_ =	sdelay $0x3  }
0x9a: {  	_ =	strace s4  }
0x9b: {  	s4 =	sld [smem:$0x3FFD];
	_ =	sdelay $0x3  }
0x9c: {  	_ =	strace s4  }
0x9d: {  	_ =	strace $0x8FFFFFFF  }
0x9e: {  	s19 =	sld [smem:$0x3FDB];
	_ =	sdelay $0x1  }
0x9f: {  	s5 =	simm.s32 $_scs_section_size  }
0xa0: {  	s6 =	simm.s32 $_size__tile_overlayer_lowered;
	s7 =	simm.s32 $_tile_overlayer_lowered  }
0xa1: {  	s22 =	simm.s32 $0x1BFF;
	s21 =	sshll.u32 s7, $0x1;
	s4 =	sadd.s32 s5, s19  }
0xa2: {  	s8 =	simm.s32 $0x0;
	s20 =	sshll.u32 s6, $0x1;
	s6 =	sadd.s32 s21, s4  }
0xa3: {  	[timem:s8], [sflag:s22] =	dma.local [hbm:s6], s20  }
0xa4: {  	_ =	swait.ge [sflag:s22], s20  }
0xa5: {  	s5 =	ssub.s32 $0x0, s20;
	[sflag:s22] =	ssyncset.done $0x0  }
0xa6: {  	[sflag:s22] =	ssyncadd.s32 s5;
	_ =	sdelay $0x1  }
0xa7: {  	s23 =	simm.s32 $0x1B8B  }
0xa8: {  	_ =	swait.ge [sflag:s23], $0x1  }
0xa9: {  	[sflag:s23] =	ssyncset.done $0x0  }
0xaa: {  	s25 =	simm.s32 $0x1B8E;
	s24 =	sld [smem:$0x3FFE];
	[sflag:s23] =	ssyncadd.s32 $0xFFFFFFFF  }
0xab: {  	s26 =	simm.s32 $execute0_lowered;
	[smem:$0x3FD2] =	sst s25  }
0xac: {  	s6 =	sshll.u32 s26, $0x1;
	_ =	strace $0x8000004C;
	[dreg:$0x1] =	wrdreg $0xFFFFFFFF  }
0xad: {  	s28 =	simm.s32 $_size_execute0_lowered;
	s4 =	sadd.s32 s4, s6;
	[dreg:$0x0] =	wrdreg $0x0  }
0xae: {  	s6 =	sshll.u32 s28, $0x1;
	[dreg:$0x2] =	wrdreg s4  }
0xaf: {  	[dreg:$0x3] =	wrdreg s6  }
0xb0: {  	[dreg:$0x4] =	wrdreg $0xC0  }
0xb1: {  	_ =	task [dreg:s8], $0x5FFFF  }
0xb2: {  	[dreg:$0x1] =	wrdreg $0xFFFFFFFF  }
0xb3: {  	[dreg:$0x0] =	wrdreg $0x60  }
0xb4: {  	[dreg:$0x2] =	wrdreg s17  }
0xb5: {  	[dreg:$0x3] =	wrdreg s16  }
0xb6: {  	[dreg:$0x4] =	wrdreg s24  }
0xb7: {  	[dreg:$0x5] =	wrdreg $0x110000  }
0xb8: {  	[dreg:$0x6] =	wrdreg $0x9  }
0xb9: {  	_ =	task.clear_ibuf [dreg:s8], $0x7FFFF;
	_ =	strace $0x9000004C  }
0xba: {  	s29 =	simm.s32 $0x9;
	_ =	strace $0x8000004E  }
0xbb: {  	_ =	swait.ge [sflag:s29], $0x1  }
0xbc: {  	[sflag:s29] =	ssyncadd.s32 $0xFFFFFFFF  }
0xbd: {  	_ =	strace $0x9000004E  }
0xbe: {  	_ =	sfence  }
0xbf: {  	s30 =	sld [smem:$0x0];
	_ =	sdelay $0x2  }
0xc0: {  	s31 =	sshll.u32 s1, $0xD;
	s1 =	sshrl.u32 s1, $0x2  }
0xc1: {  	s3 =	sand.u32 $0x4000, s31;
	s1 =	sadd.s32 s1, s30  }
0xc2: {  	s0 =	sor.u32 s3, s0;
	s1 =	sshll.u32 s1, $0x11  }
0xc3: {  	s0 =	sor.u32 s1, s0  }
0xc4: {  	s0 =	sadd.s32 $0x8F2B, s0  }
0xc5: {  	[sflag:s0] =	ssyncadd.remote.s32 $0x1  }
0xc6: {  	_ =	sfence.sel $0xFFFF  }
0xc7: {  	[dreg:$0x0] =	wrdreg $0xFFFFFFFF;
	(pc) =	sbr.abs _section_cstart, $3  }
0xc8: {  	[dreg:$0x1] =	wrdreg $0xFFFFFFFF  }
0xc9: {  	_ =	task.clear_ibuf [dreg:s8], $0x2FFFF;
	_ =	strace $0x9FFFFFFF  }
0xca: {  	(tm) =	ssettm $0x7FFFFFFF  }
0xcb: {  	_ =	shalt  }
tec
execute0_lowered:
.L_overlay_start_1:
0x0: {  	(tag) =	ssettag $0x1  }
0x1: {  	s0 =	rddreg [dreg:$0x0]  }
0x2: {  	s2 =	rddreg [dreg:$0x1]  }
0x3: {  	s1 =	srdreg.scid;
	s5 =	rddreg [dreg:$0x2]  }
0x4: {  	s11 =	stileid.u32;
	s3 =	rddreg [dreg:$0x3]  }
0x5: {  	s14 =	simm.s32 $0x80;
	s15 =	simm.s32 $0x5000;
	s16 =	simm.s32 $0x7000  }
0x6: {  	s18 =	simm.s32 $0x9000;
	s19 =	simm.s32 $0x1;
	s21 =	simm.s32 $0xB000  }
0x7: {  	s22 =	simm.s32 $0x2;
	s30 =	simm.s32 $0xF000;
	s31 =	simm.s32 $0x4  }
0x8: {  	s17 =	simm.s32 $0x8;
	s20 =	simm.s32 $0x6;
	s28 =	simm.s32 $0xB  }
0x9: {  	s29 =	simm.s32 $0xC;
	s1 =	sand.u32 $0x1, s1;
	s7 =	smul.u32 $0x14000, s11  }
0xa: {  	s10 =	smul.u32 $0x28000, s11;
	s12 =	sadd.s32 $0xC000, s5;
	s26 =	sshll.u32 s11, $0x6  }
0xb: {  	s4 =	sshll.u32 s1, $0x4;
	s8 =	sshll.u32 s1, $0x6;
	s1 =	ssub.s32 $0x2, s1  }
0xc: {  	s6 =	sor.u32 s11, s4;
	s4 =	simm.s32 $0x0;
	s7 =	sor.u32 s8, s7  }
0xd: {  	s23 =	sshrl.u32 s1, $0x1;
	s25 =	sshrl.u32 s10, $0x2;
	s10 =	simm.s32 $0xD  }
0xe: {  	s6 =	smul.u32 $0x500, s6;
	[smem:$0x7FF] =	sst s4;
	s7 =	sshrl.u32 s7, $0x3  }
0xf: {  	s1 =	ssub.s32 s1, s23;
	s23 =	simm.s32 $0x9;
	_ =	strace $0x8000004D  }
0x10: {  	[dreg:$0x5] =	wrdreg s12;
	s12 =	sor.u32 $0x1C0D, s26;
	s26 =	simm.s32 $0x3  }
0x11: {  	s9 =	sadd.s32 s6, s5;
	s5 =	sadd.s32 s7, s5;
	s2 =	sadd.s32 s2, s6  }
0x12: {  	[dreg:$0x6] =	wrdreg s2;
	s24 =	sadd.s32 $0x2000, s9;
	s2 =	sadd.s32 s25, s3  }
0x13: {  	s8 =	sadd.s32 $0xD400, s5;
	s9 =	smax.u32 s1, $0x1;
	s25 =	simm.s32 $0xD000  }
0x14: {  	s1 =	simm.s32 $0x5;
	s5 =	simm.s32 $0x0;
	[dreg:$0x7] =	wrdreg s24  }
0x15: {  	s13 =	sshrl.u32 s2, $0x3;
	s2 =	simm.s32 $0x7;
	s24 =	simm.s32 $0xA  }
.LBB2_1:
0x16: {  	s6 =	rddreg [dreg:$0x6]  }
0x17: {  	[tilespmem:s4], [sflag:$0xD] =	stream.linear.gather [hbm4b:s6+s4], $0x2800, $0x38;
	[tilespmem:$0x1B000] =	vst v63  }
0x18: {  	_ =	swait.ge [sflag:s10], $0x2800  }
0x19: {  	[sflag:s10] =	ssyncset.done $0x0  }
0x1a: {  	s7 =	simm.s32 $0x2800;
	s11 =	rddreg [dreg:$0x7];
	[sflag:s10] =	ssyncadd.s32 $0xFFFFD800  }
0x1b: {  	[tilespmem:s7], [sflag:$0xD] =	stream.linear.gather [hbm4b:s11+s4], $0x2800, $0x38;
	[tilespmem:$0x1B000] =	vst v63  }
0x1c: {  	_ =	swait.ge [sflag:s10], $0x2800  }
0x1d: {  	[sflag:s10] =	ssyncset.done $0x0  }
0x1e: {  	s11 =	rddreg [dreg:$0x5];
	[sflag:s10] =	ssyncadd.s32 $0xFFFFD800  }
0x1f: {  	[spmem:s13], [sflag:s12] =	dma.local [hbm:s11], $0x1400  }
0x20: {  	_ =	swait.ge [sflag:s10], $0x1400  }
0x21: {  	[sflag:s10] =	ssyncset.done $0x0  }
0x22: {  	[sflag:s10] =	ssyncadd.s32 $0xFFFFEC00  }
0x23: {  	[bflag:$0x0] =	sbarrier.arrive $0xFFFF  }
0x24: {  	[tilespmem:s15], [sflag:$0x1] =	stream.indirect.gather [hbm4b:s0+s14], $0x40, s4, s14, $0xb8;
	[tilespmem:$0x1B000] =	vst v63  }
0x25: {  	_ = 	snop  }
0x26: {  	[tilespmem:s16], [sflag:$0x2] =	stream.indirect.gather [hbm4b:s0+s14], $0x40, s14, s14, $0xb8;
	[tilespmem:$0x1B000] =	vst v63  }
0x27: {  	s11 =	simm.s32 $0x100  }
0x28: {  	[tilespmem:s18], [sflag:$0x3] =	stream.indirect.gather [hbm4b:s0+s14], $0x40, s11, s14, $0xb8;
	[tilespmem:$0x1B000] =	vst v63  }
0x29: {  	_ =	swait.ge [sflag:s19], $0x2000  }
0x2a: {  	[sflag:s19] =	ssyncset.done $0x0  }
0x2b: {  	[sflag:s19] =	ssyncadd.s32 $0xFFFFE000  }
0x2c: {  	[spmem:s3] =	stream.indirect.scatter.add.f32 [tilespmem:s15], [sflag:$0x7], $0x40, s7, s14, $0xb8;
	[tilespmem:$0x1B000] =	vst v63  }
0x2d: {  	s7 =	simm.s32 $0x180  }
0x2e: {  	[tilespmem:s21], [sflag:$0x4] =	stream.indirect.gather [hbm4b:s0+s14], $0x40, s7, s14, $0xb8;
	[tilespmem:$0x1B000] =	vst v63  }
0x2f: {  	_ =	swait.ge [sflag:s22], $0x2000  }
0x30: {  	[sflag:s22] =	ssyncset.done $0x0  }
0x31: {  	s11 =	simm.s32 $0x2880;
	[sflag:s22] =	ssyncadd.s32 $0xFFFFE000  }
0x32: {  	[spmem:s3] =	stream.indirect.scatter.add.f32 [tilespmem:s16], [sflag:$0x8], $0x40, s11, s14, $0xb8;
	[tilespmem:$0x1B000] =	vst v63  }
0x33: {  	s7 =	simm.s32 $0x200  }
0x34: {  	[tilespmem:s25], [sflag:$0x5] =	stream.indirect.gather [hbm4b:s0+s14], $0x40, s7, s14, $0xb8;
	[tilespmem:$0x1B000] =	vst v63  }
0x35: {  	_ =	swait.ge [sflag:s26], $0x2000  }
0x36: {  	[sflag:s26] =	ssyncset.done $0x0  }
0x37: {  	s11 =	simm.s32 $0x2900;
	[sflag:s26] =	ssyncadd.s32 $0xFFFFE000  }
0x38: {  	[spmem:s3] =	stream.indirect.scatter.add.f32 [tilespmem:s18], [sflag:$0x9], $0x40, s11, s14, $0xb8;
	[tilespmem:$0x1B000] =	vst v63  }
0x39: {  	s7 =	simm.s32 $0x280  }
0x3a: {  	[tilespmem:s30], [sflag:$0x6] =	stream.indirect.gather [hbm4b:s0+s14], $0x40, s7, s14, $0xb8;
	[tilespmem:$0x1B000] =	vst v63  }
0x3b: {  	_ =	swait.ge [sflag:s31], $0x2000  }
0x3c: {  	[sflag:s31] =	ssyncset.done $0x0  }
0x3d: {  	s11 =	simm.s32 $0x2980;
	[sflag:s31] =	ssyncadd.s32 $0xFFFFE000  }
0x3e: {  	[spmem:s3] =	stream.indirect.scatter.add.f32 [tilespmem:s21], [sflag:$0xA], $0x40, s11, s14, $0xb8;
	[tilespmem:$0x1B000] =	vst v63  }
0x3f: {  	_ =	swait.ge [sflag:s2], $0x2000  }
0x40: {  	[sflag:s2] =	ssyncset.done $0x0  }
0x41: {  	s7 =	simm.s32 $0x300;
	[sflag:s2] =	ssyncadd.s32 $0xFFFFE000  }
0x42: {  	[tilespmem:s15], [sflag:$0x1] =	stream.indirect.gather [hbm4b:s0+s14], $0x40, s7, s14, $0xb8;
	[tilespmem:$0x1B000] =	vst v63  }
0x43: {  	_ =	swait.ge [sflag:s1], $0x2000  }
0x44: {  	[sflag:s1] =	ssyncset.done $0x0  }
0x45: {  	s11 =	simm.s32 $0x2A00;
	[sflag:s1] =	ssyncadd.s32 $0xFFFFE000  }
0x46: {  	[spmem:s3] =	stream.indirect.scatter.add.f32 [tilespmem:s25], [sflag:$0xB], $0x40, s11, s14, $0xb8;
	[tilespmem:$0x1B000] =	vst v63  }
0x47: {  	_ =	swait.ge [sflag:s17], $0x2000  }
0x48: {  	[sflag:s17] =	ssyncset.done $0x0  }
0x49: {  	s7 =	simm.s32 $0x380;
	[sflag:s17] =	ssyncadd.s32 $0xFFFFE000  }
0x4a: {  	[tilespmem:s16], [sflag:$0x2] =	stream.indirect.gather [hbm4b:s0+s14], $0x40, s7, s14, $0xb8;
	[tilespmem:$0x1B000] =	vst v63  }
0x4b: {  	_ =	swait.ge [sflag:s20], $0x2000  }
0x4c: {  	[sflag:s20] =	ssyncset.done $0x0  }
0x4d: {  	s11 =	simm.s32 $0x2A80;
	[sflag:s20] =	ssyncadd.s32 $0xFFFFE000  }
0x4e: {  	[spmem:s3] =	stream.indirect.scatter.add.f32 [tilespmem:s30], [sflag:$0xC], $0x40, s11, s14, $0xb8;
	[tilespmem:$0x1B000] =	vst v63  }
0x4f: {  	_ =	swait.ge [sflag:s23], $0x2000  }
0x50: {  	[sflag:s23] =	ssyncset.done $0x0  }
0x51: {  	s7 =	simm.s32 $0x400;
	[sflag:s23] =	ssyncadd.s32 $0xFFFFE000  }
0x52: {  	[tilespmem:s18], [sflag:$0x3] =	stream.indirect.gather [hbm4b:s0+s14], $0x40, s7, s14, $0xb8;
	[tilespmem:$0x1B000] =	vst v63  }
0x53: {  	_ =	swait.ge [sflag:s19], $0x2000  }
0x54: {  	[sflag:s19] =	ssyncset.done $0x0  }
0x55: {  	s11 =	simm.s32 $0x2B00;
	[sflag:s19] =	ssyncadd.s32 $0xFFFFE000  }
0x56: {  	[spmem:s3] =	stream.indirect.scatter.add.f32 [tilespmem:s15], [sflag:$0x7], $0x40, s11, s14, $0xb8;
	[tilespmem:$0x1B000] =	vst v63  }
0x57: {  	_ =	swait.ge [sflag:s24], $0x2000  }
0x58: {  	[sflag:s24] =	ssyncset.done $0x0  }
0x59: {  	s7 =	simm.s32 $0x480;
	[sflag:s24] =	ssyncadd.s32 $0xFFFFE000  }
0x5a: {  	[tilespmem:s21], [sflag:$0x4] =	stream.indirect.gather [hbm4b:s0+s14], $0x40, s7, s14, $0xb8;
	[tilespmem:$0x1B000] =	vst v63  }
0x5b: {  	_ =	swait.ge [sflag:s22], $0x2000  }
0x5c: {  	[sflag:s22] =	ssyncset.done $0x0  }
0x5d: {  	s11 =	simm.s32 $0x2B80;
	[sflag:s22] =	ssyncadd.s32 $0xFFFFE000  }
0x5e: {  	[spmem:s3] =	stream.indirect.scatter.add.f32 [tilespmem:s16], [sflag:$0x8], $0x40, s11, s14, $0xb8;
	[tilespmem:$0x1B000] =	vst v63  }
0x5f: {  	_ =	swait.ge [sflag:s28], $0x2000  }
0x60: {  	[sflag:s28] =	ssyncset.done $0x0  }
0x61: {  	s7 =	simm.s32 $0x500;
	[sflag:s28] =	ssyncadd.s32 $0xFFFFE000  }
0x62: {  	[tilespmem:s25], [sflag:$0x5] =	stream.indirect.gather [hbm4b:s0+s14], $0x40, s7, s14, $0xb8;
	[tilespmem:$0x1B000] =	vst v63  }
0x63: {  	_ =	swait.ge [sflag:s26], $0x2000  }
0x64: {  	[sflag:s26] =	ssyncset.done $0x0  }
0x65: {  	s11 =	simm.s32 $0x2C00;
	[sflag:s26] =	ssyncadd.s32 $0xFFFFE000  }
0x66: {  	[spmem:s3] =	stream.indirect.scatter.add.f32 [tilespmem:s18], [sflag:$0x9], $0x40, s11, s14, $0xb8;
	[tilespmem:$0x1B000] =	vst v63  }
0x67: {  	_ =	swait.ge [sflag:s29], $0x2000  }
0x68: {  	[sflag:s29] =	ssyncset.done $0x0  }
0x69: {  	s6 =	simm.s32 $0xC00;
	s7 =	simm.s32 $0x580;
	[sflag:s29] =	ssyncadd.s32 $0xFFFFE000  }
.LBB2_2:
0x6a: {  	[tilespmem:s30], [sflag:$0x6] =	stream.indirect.gather [hbm4b:s0+s14], $0x40, s7, s14, $0xb8;
	[tilespmem:$0x1B000] =	vst v63  }
0x6b: {  	s7 =	smov.u32 s6  }
0x6c: {  	p0 =	sne.s32 s6, $0x8400;
	s6 =	sadd.s32 $0xC00, s6;
	_ =	swait.ge [sflag:s31], $0x2000  }
0x6d: {  	s7 =	sshra.s32 s7, $0x2;
	[sflag:s31] =	ssyncset.done $0x0  }
0x6e: {  	s11 =	sadd.s32 $0x2980, s7;
	[sflag:s31] =	ssyncadd.s32 $0xFFFFE000  }
0x6f: {  	[spmem:s3] =	stream.indirect.scatter.add.f32 [tilespmem:s21], [sflag:$0xA], $0x40, s11, s14, $0xb8;
	[tilespmem:$0x1B000] =	vst v63  }
0x70: {  	_ =	swait.ge [sflag:s2], $0x2000  }
0x71: {  	[sflag:s2] =	ssyncset.done $0x0  }
0x72: {  	s11 =	sadd.s32 $0x300, s7;
	[sflag:s2] =	ssyncadd.s32 $0xFFFFE000  }
0x73: {  	[tilespmem:s15], [sflag:$0x1] =	stream.indirect.gather [hbm4b:s0+s14], $0x40, s11, s14, $0xb8;
	[tilespmem:$0x1B000] =	vst v63  }
0x74: {  	_ =	swait.ge [sflag:s1], $0x2000  }
0x75: {  	[sflag:s1] =	ssyncset.done $0x0  }
0x76: {  	s11 =	sadd.s32 $0x2A00, s7;
	[sflag:s1] =	ssyncadd.s32 $0xFFFFE000  }
0x77: {  	[spmem:s3] =	stream.indirect.scatter.add.f32 [tilespmem:s25], [sflag:$0xB], $0x40, s11, s14, $0xb8;
	[tilespmem:$0x1B000] =	vst v63  }
0x78: {  	_ =	swait.ge [sflag:s17], $0x2000  }
0x79: {  	[sflag:s17] =	ssyncset.done $0x0  }
0x7a: {  	s11 =	sadd.s32 $0x380, s7;
	[sflag:s17] =	ssyncadd.s32 $0xFFFFE000  }
0x7b: {  	[tilespmem:s16], [sflag:$0x2] =	stream.indirect.gather [hbm4b:s0+s14], $0x40, s11, s14, $0xb8;
	[tilespmem:$0x1B000] =	vst v63  }
0x7c: {  	_ =	swait.ge [sflag:s20], $0x2000  }
0x7d: {  	[sflag:s20] =	ssyncset.done $0x0  }
0x7e: {  	s11 =	sadd.s32 $0x2A80, s7;
	[sflag:s20] =	ssyncadd.s32 $0xFFFFE000  }
0x7f: {  	[spmem:s3] =	stream.indirect.scatter.add.f32 [tilespmem:s30], [sflag:$0xC], $0x40, s11, s14, $0xb8;
	[tilespmem:$0x1B000] =	vst v63  }
0x80: {  	_ =	swait.ge [sflag:s23], $0x2000  }
0x81: {  	[sflag:s23] =	ssyncset.done $0x0  }
0x82: {  	s11 =	sadd.s32 $0x400, s7;
	[sflag:s23] =	ssyncadd.s32 $0xFFFFE000  }
0x83: {  	[tilespmem:s18], [sflag:$0x3] =	stream.indirect.gather [hbm4b:s0+s14], $0x40, s11, s14, $0xb8;
	[tilespmem:$0x1B000] =	vst v63  }
0x84: {  	_ =	swait.ge [sflag:s19], $0x2000  }
0x85: {  	[sflag:s19] =	ssyncset.done $0x0  }
0x86: {  	s11 =	sadd.s32 $0x2B00, s7;
	[sflag:s19] =	ssyncadd.s32 $0xFFFFE000  }
0x87: {  	[spmem:s3] =	stream.indirect.scatter.add.f32 [tilespmem:s15], [sflag:$0x7], $0x40, s11, s14, $0xb8;
	[tilespmem:$0x1B000] =	vst v63  }
0x88: {  	_ =	swait.ge [sflag:s24], $0x2000  }
0x89: {  	[sflag:s24] =	ssyncset.done $0x0  }
0x8a: {  	s11 =	sadd.s32 $0x480, s7;
	[sflag:s24] =	ssyncadd.s32 $0xFFFFE000  }
0x8b: {  	[tilespmem:s21], [sflag:$0x4] =	stream.indirect.gather [hbm4b:s0+s14], $0x40, s11, s14, $0xb8;
	[tilespmem:$0x1B000] =	vst v63  }
0x8c: {  	_ =	swait.ge [sflag:s22], $0x2000  }
0x8d: {  	[sflag:s22] =	ssyncset.done $0x0  }
0x8e: {  	s11 =	sadd.s32 $0x2B80, s7;
	[sflag:s22] =	ssyncadd.s32 $0xFFFFE000  }
0x8f: {  	[spmem:s3] =	stream.indirect.scatter.add.f32 [tilespmem:s16], [sflag:$0x8], $0x40, s11, s14, $0xb8;
	[tilespmem:$0x1B000] =	vst v63  }
0x90: {  	_ =	swait.ge [sflag:s28], $0x2000  }
0x91: {  	[sflag:s28] =	ssyncset.done $0x0  }
0x92: {  	s11 =	sadd.s32 $0x500, s7;
	[sflag:s28] =	ssyncadd.s32 $0xFFFFE000  }
0x93: {  	[tilespmem:s25], [sflag:$0x5] =	stream.indirect.gather [hbm4b:s0+s14], $0x40, s11, s14, $0xb8;
	[tilespmem:$0x1B000] =	vst v63  }
0x94: {  	_ =	swait.ge [sflag:s26], $0x2000  }
0x95: {  	[sflag:s26] =	ssyncset.done $0x0  }
.Ltmp0:
0x96: {  	s11 =	sadd.s32 $0x2C00, s7;
	[sflag:s26] =	ssyncadd.s32 $0xFFFFE000;
	(pc) =	sbr.rel @p0 .LBB2_2-.Ltmp0, $4  }
0x97: {  	[spmem:s3] =	stream.indirect.scatter.add.f32 [tilespmem:s18], [sflag:$0x9], $0x40, s11, s14, $0xb8;
	[tilespmem:$0x1B000] =	vst v63  }
0x98: {  	_ =	swait.ge [sflag:s29], $0x2000  }
0x99: {  	[sflag:s29] =	ssyncset.done $0x0  }
0x9a: {  	s7 =	sadd.s32 $0x580, s7;
	[sflag:s29] =	ssyncadd.s32 $0xFFFFE000  }
0x9b: {  	[tilespmem:s30], [sflag:$0x6] =	stream.indirect.gather [hbm4b:s0+s14], $0x40, s7, s14, $0xb8;
	[tilespmem:$0x1B000] =	vst v63  }
0x9c: {  	_ =	swait.ge [sflag:s31], $0x2000  }
0x9d: {  	[sflag:s31] =	ssyncset.done $0x0  }
0x9e: {  	s6 =	simm.s32 $0x4D80;
	[sflag:s31] =	ssyncadd.s32 $0xFFFFE000  }
0x9f: {  	[spmem:s3] =	stream.indirect.scatter.add.f32 [tilespmem:s21], [sflag:$0xA], $0x40, s6, s14, $0xb8;
	[tilespmem:$0x1B000] =	vst v63  }
0xa0: {  	_ =	swait.ge [sflag:s2], $0x2000  }
0xa1: {  	[sflag:s2] =	ssyncset.done $0x0  }
0xa2: {  	s11 =	simm.s32 $0x2700;
	[sflag:s2] =	ssyncadd.s32 $0xFFFFE000  }
0xa3: {  	[tilespmem:s15], [sflag:$0x1] =	stream.indirect.gather [hbm4b:s0+s14], $0x40, s11, s14, $0xb8;
	[tilespmem:$0x1B000] =	vst v63  }
0xa4: {  	_ =	swait.ge [sflag:s1], $0x2000  }
0xa5: {  	[sflag:s1] =	ssyncset.done $0x0  }
0xa6: {  	s7 =	simm.s32 $0x4E00;
	[sflag:s1] =	ssyncadd.s32 $0xFFFFE000  }
0xa7: {  	[spmem:s3] =	stream.indirect.scatter.add.f32 [tilespmem:s25], [sflag:$0xB], $0x40, s7, s14, $0xb8;
	[tilespmem:$0x1B000] =	vst v63  }
0xa8: {  	_ =	swait.ge [sflag:s17], $0x2000  }
0xa9: {  	[sflag:s17] =	ssyncset.done $0x0  }
0xaa: {  	s11 =	simm.s32 $0x2780;
	[sflag:s17] =	ssyncadd.s32 $0xFFFFE000  }
0xab: {  	[tilespmem:s16], [sflag:$0x2] =	stream.indirect.gather [hbm4b:s0+s14], $0x40, s11, s14, $0xb8;
	[tilespmem:$0x1B000] =	vst v63  }
0xac: {  	_ =	swait.ge [sflag:s20], $0x2000  }
0xad: {  	[sflag:s20] =	ssyncset.done $0x0  }
0xae: {  	s7 =	simm.s32 $0x4E80;
	[sflag:s20] =	ssyncadd.s32 $0xFFFFE000  }
0xaf: {  	[spmem:s3] =	stream.indirect.scatter.add.f32 [tilespmem:s30], [sflag:$0xC], $0x40, s7, s14, $0xb8;
	[tilespmem:$0x1B000] =	vst v63  }
0xb0: {  	_ =	swait.ge [sflag:s23], $0x2000  }
0xb1: {  	[sflag:s23] =	ssyncset.done $0x0  }
0xb2: {  	[sflag:s23] =	ssyncadd.s32 $0xFFFFE000  }
0xb3: {  	_ =	swait.ge [sflag:s19], $0x2000  }
0xb4: {  	[sflag:s19] =	ssyncset.done $0x0  }
0xb5: {  	s11 =	simm.s32 $0x4F00;
	[sflag:s19] =	ssyncadd.s32 $0xFFFFE000  }
0xb6: {  	[spmem:s3] =	stream.indirect.scatter.add.f32 [tilespmem:s15], [sflag:$0x7], $0x40, s11, s14, $0xb8;
	[tilespmem:$0x1B000] =	vst v63  }
0xb7: {  	_ =	swait.ge [sflag:s24], $0x2000  }
0xb8: {  	[sflag:s24] =	ssyncset.done $0x0  }
0xb9: {  	[sflag:s24] =	ssyncadd.s32 $0xFFFFE000  }
0xba: {  	_ =	swait.ge [sflag:s22], $0x2000  }
0xbb: {  	[sflag:s22] =	ssyncset.done $0x0  }
0xbc: {  	s7 =	simm.s32 $0x4F80;
	[sflag:s22] =	ssyncadd.s32 $0xFFFFE000  }
0xbd: {  	[spmem:s3] =	stream.indirect.scatter.add.f32 [tilespmem:s16], [sflag:$0x8], $0x40, s7, s14, $0xb8;
	[tilespmem:$0x1B000] =	vst v63  }
0xbe: {  	_ =	swait.ge [sflag:s28], $0x2000  }
0xbf: {  	[sflag:s28] =	ssyncset.done $0x0  }
0xc0: {  	[sflag:s28] =	ssyncadd.s32 $0xFFFFE000  }
0xc1: {  	_ =	swait.ge [sflag:s29], $0x2000  }
0xc2: {  	[sflag:s29] =	ssyncset.done $0x0  }
0xc3: {  	[sflag:s29] =	ssyncadd.s32 $0xFFFFE000  }
0xc4: {  	_ =	swait.ge [sflag:s2], $0x2000  }
0xc5: {  	[sflag:s2] =	ssyncset.done $0x0  }
0xc6: {  	[sflag:s2] =	ssyncadd.s32 $0xFFFFE000  }
0xc7: {  	_ =	swait.ge [sflag:s17], $0x2000  }
0xc8: {  	s5 =	sadd.s32 $0x1, s5;
	[sflag:s17] =	ssyncset.done $0x0  }
0xc9: {  	p0 =	sne.s32 s5, s9;
	[sflag:s17] =	ssyncadd.s32 $0xFFFFE000  }
.Ltmp1:
0xca: {  	s11 =	simm.s32 $0x10;
	[bflag:$0x0] =	sbarrier.arrive $0xFFFF;
	(pc) =	sbr.rel @p0 .LBB2_1-.Ltmp1, $4  }
0xcb: {  	[hbm:s8@s11], [sflag:s12] =	dma.strided [spmem:s13@s17], $0x1400, s19, $0x8   }
0xcc: {  	_ =	swait.ge [sflag:s10], $0x1400  }
0xcd: {  	[sflag:s10] =	ssyncset.done $0x0  }
0xce: {  	[sflag:s10] =	ssyncadd.s32 $0xFFFFEC00  }
0xcf: {  	_ =	sfence.sel $0x180000  }
0xd0: {  	[bflag:$0x0] =	sbarrier.arrive $0xFFFF  }
0xd1: {  	_ =	strace $0x9000004D  }
0xd2: {  	s0 =	stileid.u32;
	[bflag:$0x2] =	sbarrier.arrive $0xFFFF  }
0xd3: {  	p0 =	sne.s32 s0, $0x0;
	s0 =	rddreg [dreg:$0x4]  }
0xd4: {  	s0 =	sadd.s32 @!p0 $0x100000, s0  }
0xd5: {  	[sflag:s0] =	ssyncadd.tile.s32 @!p0 $0x1;
	_ =	shalt  }
.Lfunc_end2:
_tile_overlayer_lowered:
.L_overlay_start_2:
0xd6: {  	(tag) =	ssettag $0x2  }
0xd7: {  	s0 =	rddreg [dreg:$0x0];
	s2 =	stileid.u32  }
0xd8: {  	s1 =	rddreg [dreg:$0x1];
	p0 =	sne.s32 s2, $0x0  }
0xd9: {  	s3 =	rddreg [dreg:$0x2];
	[bflag:$0x3] =	sbarrier.arrive $0xFFFF;
	s2 =	simm.s32 @!p0 $0x1C0D  }
0xda: {  	[timem:s3], [sflag:s2] =	dma.local @!p0 [hbm:s0], s1  }
0xdb: {  	s0 =	simm.s32 @!p0 $0xD  }
0xdc: {  	_ =	swait.ge @!p0 [sflag:s0], s1  }
0xdd: {  	s1 =	ssub.s32 @!p0 $0x0, s1;
	[sflag:s0] =	ssyncset.done @!p0 $0x0  }
0xde: {  	[sflag:s0] =	ssyncadd.s32 @!p0 s1  }
0xdf: {  	[bflag:$0x3] =	sbarrier.arrive $0xFFFF  }
0xe0: {  	_ =	shalt  }

// kernel: kernel.8.cloned.1.call-start
scs
__scs_entry_jumppad:
0x0: {  	(pc) =	sbr.rel $0x88, $3  }
0x1: {  	(tag) =	ssettag $0x0;
	lr =	simm.s32 $0x1  }
0x2: {  	[smem:$0x3F99] =	sst lr;
	_ =	strace $0xD0000000  }
0x3: {  	_ = 	snop  }
0x4: {  	_ = 	snop  }
0x5: {  	_ = 	snop  }
0x6: {  	_ = 	snop  }
0x7: {  	_ = 	snop  }
__scs_overlays_trampoline_lowered:
0x8: {  	[smem:$0x3FA8] =	sst s0  }
0x9: {  	[smem:$0x3FA9] =	sst s1  }
0xa: {  	[smem:$0x3FAA] =	sst s2  }
0xb: {  	[smem:$0x3FAB] =	sst s3  }
0xc: {  	[smem:$0x3FAC] =	sst s4  }
0xd: {  	[smem:$0x3FAD] =	sst s5  }
0xe: {  	[smem:$0x3FAE] =	sst s6  }
0xf: {  	[smem:$0x3FAF] =	sst s7  }
0x10: {  	[smem:$0x3FB0] =	sst s8  }
0x11: {  	[smem:$0x3FB1] =	sst s9;
	s0 =	simm.s32 @!p0 $0x0  }
0x12: {  	s1 =	sld [smem:$0x3F97];
	s0 =	simm.s32 @p0 $0x1  }
0x13: {  	[smem:$0x3FB2] =	sst s0;
	s0 =	simm.s32 @!p1 $0x0  }
0x14: {  	s2 =	sld [smem:$0x3F96];
	s0 =	simm.s32 @p1 $0x1  }
0x15: {  	[smem:$0x3FB3] =	sst s0;
	s0 =	simm.s32 @!p2 $0x0  }
0x16: {  	s3 =	sld [smem:$0x3FDB];
	s0 =	simm.s32 @p2 $0x1  }
0x17: {  	s4 =	simm.s32 $0x1BF5;
	[smem:$0x3FB5] =	sst s0  }
0x18: {  	s0 =	sld [smem:$0x3F98];
	_ =	swait.ge [sflag:s4], $0x0  }
0x19: {  	s7 =	sld [smem:$0x3F99]  }
0x1a: {  	s8 =	sadd.s32 $0xFFFFE003, lr  }
0x1b: {  	s9 =	sadd.s32 $0xFFFFFEF7, lr;
	s5 =	simm.s32 $0xFFFFFFFF;
	p2 =	slt.u32 s8, $0xFFFFF086  }
0x1c: {  	p1 =	slt.u32 s9, $0xF7A;
	s5 =	simm.s32 @!p2 $0x0  }
0x1d: {  	s5 =	simm.s32 @p1 $0x1;
	p0 =	seq.s32 s7, s2  }
0x1e: {  	s7 =	smul.u32 @!p0 $0xF7A, s2;
	p2 =	seq.s32 @!p0 s5, $0x0  }
0x1f: {  	s9 =	smul.u32 $0xF7A, s1;
	s8 =	simm.s32 @!p0 $0x1BF5;
	p2 =	por !p2, p0  }
0x20: {  	[sflag:s8] =	ssyncset.s32 @!p0 $0xFFFFF086;
	s6 =	sadd.s32 @!p0 s3, s7;
	s7 =	simm.s32 @!p0 $0x108  }
0x21: {  	s3 =	sadd.s32 s3, s9;
	s6 =	sadd.s32 @!p0 $0x88, s6;
	s7 =	simm.s32 @p2 $0x1082  }
0x22: {  	[simem:s7], [sflag:s8] =	dma.local @!p0 [hbm:s6], $0xF7A  }
0x23: {  	s9 =	sor.u32 $0xD0000000, s2;
	s6 =	simm.s32 $0x108;
	_ =	swait.ge @!p0 [sflag:s8], $0x0  }
0x24: {  	s3 =	sadd.s32 $0x88, s3;
	s6 =	simm.s32 @!p1 $0x1082;
	[sflag:s4] =	ssyncset.s32 $0xFFFFF086  }
0x25: {  	[simem:s6], [sflag:s4] =	dma.local [hbm:s3], $0xF7A  }
0x26: {  	[smem:$0x3F99] =	sst s1;
	(tag) =	ssettag s2;
	_ =	strace s9  }
0x27: {  	s1 =	sld [smem:$0x3FA9]  }
0x28: {  	s2 =	sld [smem:$0x3FAA]  }
0x29: {  	s4 =	sld [smem:$0x3FAC]  }
0x2a: {  	p0 =	seq.s32 s5, $0x0;
	s5 =	sld [smem:$0x3FAD]  }
0x2b: {  	s6 =	sld [smem:$0x3FAE]  }
0x2c: {  	s7 =	sld [smem:$0x3FAF]  }
0x2d: {  	s3 =	simm.s32 $0x108;
	s8 =	sld [smem:$0x3FB0]  }
0x2e: {  	s3 =	simm.s32 @!p0 $0x1082;
	s9 =	sld [smem:$0x3FB1]  }
0x2f: {  	lr =	sadd.s32 s0, s3;
	s0 =	sld [smem:$0x3FA8]  }
0x30: {  	s3 =	sld [smem:$0x3FAB]  }
0x31: {  	[smem:$0x3FB4] =	sst s10  }
0x32: {  	s10 =	sld [smem:$0x3FB2];
	_ =	sdelay $0x3  }
0x33: {  	p0 =	seq.s32 s10, $0x1;
	s10 =	sld [smem:$0x3FB4];
	_ =	sdelay $0x3  }
0x34: {  	[smem:$0x3FB4] =	sst s10  }
0x35: {  	s10 =	sld [smem:$0x3FB3];
	_ =	sdelay $0x3  }
0x36: {  	p1 =	seq.s32 s10, $0x1;
	s10 =	sld [smem:$0x3FB4];
	_ =	sdelay $0x3  }
0x37: {  	[smem:$0x3FB4] =	sst s10  }
0x38: {  	s10 =	sld [smem:$0x3FB5]  }
0x39: {  	_ = 	snop;
	(pc) =	sbr.ind lr, $3  }
0x3a: {  	_ = 	snop  }
0x3b: {  	_ = 	snop  }
0x3c: {  	p2 =	seq.s32 s10, $0x1;
	s10 =	sld [smem:$0x3FB4]  }
0x3d: {  	_ =	shalt  }
0x3e: {  	_ =	shalt  }
0x3f: {  	_ =	shalt  }
0x40: {  	_ =	shalt  }
0x41: {  	_ =	shalt  }
0x42: {  	_ =	shalt  }
0x43: {  	_ =	shalt  }
0x44: {  	_ =	shalt  }
0x45: {  	_ =	shalt  }
0x46: {  	_ =	shalt  }
0x47: {  	_ =	shalt  }
0x48: {  	_ =	shalt  }
0x49: {  	_ =	shalt  }
0x4a: {  	_ =	shalt  }
0x4b: {  	_ =	shalt  }
0x4c: {  	_ =	shalt  }
0x4d: {  	_ =	shalt  }
0x4e: {  	_ =	shalt  }
0x4f: {  	_ =	shalt  }
0x50: {  	_ =	shalt  }
0x51: {  	_ =	shalt  }
0x52: {  	_ =	shalt  }
0x53: {  	_ =	shalt  }
0x54: {  	_ =	shalt  }
0x55: {  	_ =	shalt  }
0x56: {  	_ =	shalt  }
0x57: {  	_ =	shalt  }
0x58: {  	_ =	shalt  }
0x59: {  	_ =	shalt  }
0x5a: {  	_ =	shalt  }
0x5b: {  	_ =	shalt  }
0x5c: {  	_ =	shalt  }
0x5d: {  	_ =	shalt  }
0x5e: {  	_ =	shalt  }
0x5f: {  	_ =	shalt  }
0x60: {  	_ =	shalt  }
0x61: {  	_ =	shalt  }
0x62: {  	_ =	shalt  }
0x63: {  	_ =	shalt  }
0x64: {  	_ =	shalt  }
0x65: {  	_ =	shalt  }
0x66: {  	_ =	shalt  }
0x67: {  	_ =	shalt  }
0x68: {  	_ =	shalt  }
0x69: {  	_ =	shalt  }
0x6a: {  	_ =	shalt  }
0x6b: {  	_ =	shalt  }
0x6c: {  	_ =	shalt  }
0x6d: {  	_ =	shalt  }
0x6e: {  	_ =	shalt  }
0x6f: {  	_ =	shalt  }
0x70: {  	_ =	shalt  }
0x71: {  	_ =	shalt  }
0x72: {  	_ =	shalt  }
0x73: {  	_ =	shalt  }
0x74: {  	_ =	shalt  }
0x75: {  	_ =	shalt  }
0x76: {  	_ =	shalt  }
0x77: {  	_ =	shalt  }
0x78: {  	_ =	shalt  }
0x79: {  	_ =	shalt  }
0x7a: {  	_ =	shalt  }
0x7b: {  	_ =	shalt  }
0x7c: {  	_ =	shalt  }
0x7d: {  	_ =	shalt  }
0x7e: {  	_ =	shalt  }
0x7f: {  	_ =	shalt  }
0x80: {  	_ =	shalt  }
0x81: {  	_ =	shalt  }
0x82: {  	_ =	shalt  }
0x83: {  	_ =	shalt  }
0x84: {  	_ =	shalt  }
0x85: {  	_ =	shalt  }
0x86: {  	_ =	shalt  }
0x87: {  	_ =	shalt  }
.Lfunc_end0:
.L_simem_size_0:
called_computation_lowered:
.L_overlay_start_0:
0x88: {  	s2 =	sld [smem:$0x3FD9]  }
0x89: {  	s3 =	sld [smem:$0x3FFE];
	_ =	sdelay $0x1  }
0x8a: {  	s1 =	srdreg.scid  }
0x8b: {  	s0 =	sand.u32 $0x1, s1  }
0x8c: {  	s14 =	sshll.u32 s0, $0xA;
	s2 =	sadd.s32 s3, s2  }
0x8d: {  	s2 =	sadd.s32 s2, s14  }
0x8e: {  	[smem:$0x3FC0] =	sst s2  }
0x8f: {  	_ = 	snop  }
0x90: {  	s2 =	sld [smem:$0x3FD0];
	_ =	sdelay $0x2  }
0x91: {  	s15 =	simm.s32 $0xA;
	s4 =	simm.s32 $0x10  }
0x92: {  	[smem:s4], [sflag:s15] =	dma.local [hbm:s2], $0x1  }
0x93: {  	_ =	swait.eq [sflag:s15], $0x1  }
0x94: {  	[sflag:s15] =	ssyncset.done $0x0  }
0x95: {  	[sflag:s15] =	ssyncadd.s32 $0xFFFFFFFF  }
0x96: {  	s16 =	sld [smem:$0x11];
	(tm) =	ssettm $0x1  }
0x97: {  	s17 =	sld [smem:$0x3FFB];
	_ =	sdelay $0x3  }
0x98: {  	_ =	strace s17  }
0x99: {  	s3 =	sld [smem:$0x3FFC];
	_ =	sdelay $0x3  }
0x9a: {  	_ =	strace s3  }
0x9b: {  	s3 =	sld [smem:$0x3FFD];
	_ =	sdelay $0x3  }
0x9c: {  	_ =	strace s3  }
0x9d: {  	_ =	strace $0x8FFFFFFF  }
0x9e: {  	s18 =	sld [smem:$0x3FDB];
	_ =	sdelay $0x1  }
0x9f: {  	s19 =	simm.s32 $_scs_section_size  }
0xa0: {  	s5 =	simm.s32 $_size__tile_overlayer_lowered;
	s6 =	simm.s32 $_tile_overlayer_lowered  }
0xa1: {  	s22 =	simm.s32 $0x1BFF;
	s21 =	sshll.u32 s6, $0x1;
	s3 =	sadd.s32 s19, s18  }
0xa2: {  	s7 =	simm.s32 $0x0;
	s20 =	sshll.u32 s5, $0x1;
	s5 =	sadd.s32 s21, s3  }
0xa3: {  	[timem:s7], [sflag:s22] =	dma.local [hbm:s5], s20  }
0xa4: {  	_ =	swait.ge [sflag:s22], s20  }
0xa5: {  	s4 =	ssub.s32 $0x0, s20;
	[sflag:s22] =	ssyncset.done $0x0  }
0xa6: {  	[sflag:s22] =	ssyncadd.s32 s4;
	_ =	sdelay $0x1  }
0xa7: {  	s23 =	simm.s32 $0x1B8B  }
0xa8: {  	_ =	swait.ge [sflag:s23], $0x1  }
0xa9: {  	[sflag:s23] =	ssyncset.done $0x0  }
0xaa: {  	s25 =	simm.s32 $0x1B8E;
	s24 =	sld [smem:$0x3FFE];
	[sflag:s23] =	ssyncadd.s32 $0xFFFFFFFF  }
0xab: {  	s26 =	simm.s32 $execute0_lowered;
	[smem:$0x3FD2] =	sst s25  }
0xac: {  	s5 =	sshll.u32 s26, $0x1;
	_ =	strace $0x80000046;
	[dreg:$0x1] =	wrdreg $0xFFFFFFFF  }
0xad: {  	s28 =	simm.s32 $_size_execute0_lowered;
	s3 =	sadd.s32 s3, s5;
	[dreg:$0x0] =	wrdreg $0x0  }
0xae: {  	s5 =	sshll.u32 s28, $0x1;
	[dreg:$0x2] =	wrdreg s3  }
0xaf: {  	[dreg:$0x3] =	wrdreg s5  }
0xb0: {  	[dreg:$0x4] =	wrdreg $0xC0  }
0xb1: {  	_ =	task [dreg:s7], $0x5FFFF  }
0xb2: {  	[dreg:$0x1] =	wrdreg $0xFFFFFFFF  }
0xb3: {  	[dreg:$0x0] =	wrdreg $0x60  }
0xb4: {  	[dreg:$0x2] =	wrdreg s24  }
0xb5: {  	[dreg:$0x3] =	wrdreg s16  }
0xb6: {  	[dreg:$0x4] =	wrdreg $0x28800  }
0xb7: {  	[dreg:$0x5] =	wrdreg $0x9  }
0xb8: {  	_ =	task.clear_ibuf [dreg:s7], $0x6FFFF;
	_ =	strace $0x90000046  }
0xb9: {  	s29 =	simm.s32 $0x9;
	_ =	strace $0x80000048  }
0xba: {  	_ =	swait.ge [sflag:s29], $0x1  }
0xbb: {  	[sflag:s29] =	ssyncadd.s32 $0xFFFFFFFF  }
0xbc: {  	_ =	strace $0x90000048  }
0xbd: {  	_ =	sfence  }
0xbe: {  	s30 =	sld [smem:$0x0];
	_ =	sdelay $0x2  }
0xbf: {  	s31 =	sshll.u32 s1, $0xD;
	s1 =	sshrl.u32 s1, $0x2  }
0xc0: {  	s3 =	sand.u32 $0x4000, s31;
	s1 =	sadd.s32 s1, s30  }
0xc1: {  	s0 =	sor.u32 s3, s0;
	s1 =	sshll.u32 s1, $0x11  }
0xc2: {  	s0 =	sor.u32 s1, s0  }
0xc3: {  	s0 =	sadd.s32 $0x8F2B, s0  }
0xc4: {  	[sflag:s0] =	ssyncadd.remote.s32 $0x1  }
0xc5: {  	_ =	sfence.sel $0xFFFF  }
0xc6: {  	[dreg:$0x0] =	wrdreg $0xFFFFFFFF;
	(pc) =	sbr.abs _section_cstart, $3  }
0xc7: {  	[dreg:$0x1] =	wrdreg $0xFFFFFFFF  }
0xc8: {  	_ =	task.clear_ibuf [dreg:s7], $0x2FFFF;
	_ =	strace $0x9FFFFFFF  }
0xc9: {  	(tm) =	ssettm $0x7FFFFFFF  }
tec
execute0_lowered:
.L_overlay_start_1:
0x0: {  	(tag) =	ssettag $0x1  }
0x1: {  	s5 =	rddreg [dreg:$0x0]  }
0x2: {  	s7 =	rddreg [dreg:$0x1]  }
0x3: {  	s0 =	srdreg.scid;
	s2 =	rddreg [dreg:$0x2]  }
0x4: {  	s3 =	simm.s32 $0x0;
	s13 =	simm.s32 $0x80;
	s14 =	simm.s32 $0x100  }
0x5: {  	s15 =	simm.s32 $0x180;
	s16 =	simm.s32 $0x1;
	s17 =	simm.s32 $0x2  }
0x6: {  	s18 =	simm.s32 $0x3;
	s19 =	simm.s32 $0x4;
	s20 =	simm.s32 $0x0  }
0x7: {  	s4 =	sand.u32 $0x1, s0;
	s0 =	stileid.u32;
	[smem:$0x7FF] =	sst s3  }
0x8: {  	s1 =	sshll.u32 s4, $0x4;
	s8 =	smul.u32 $0x280, s0;
	s9 =	ssub.s32 $0x2, s4  }
0x9: {  	s10 =	smul.u32 $0x2800, s4;
	s4 =	sadd.s32 $0xC000, s5;
	s31 =	sshll.u32 s0, $0x6  }
0xa: {  	s6 =	sor.u32 s0, s1;
	s1 =	rddreg [dreg:$0x3];
	s11 =	sshrl.u32 s9, $0x1  }
0xb: {  	_ =	strace $0x80000047;
	s6 =	smul.u32 $0x500, s6;
	s9 =	ssub.s32 s9, s11  }
0xc: {  	s10 =	sadd.s32 s8, s10;
	s12 =	sadd.s32 s8, s2;
	s11 =	sor.u32 $0x1C05, s31  }
0xd: {  	s30 =	sshrl.u32 s10, $0x3;
	s8 =	smax.u32 s9, $0x1;
	s9 =	simm.s32 $0x5  }
0xe: {  	s10 =	simm.s32 $0x2800;
	s12 =	sshrl.u32 s12, $0x3;
	s6 =	sadd.s32 s6, s5  }
0xf: {  	s5 =	sadd.s32 $0xC200, s5;
	s7 =	sadd.s32 s7, s30;
	s6 =	sadd.s32 $0x2000, s6  }
.LBB2_1:
0x10: {  	[tilespmem:s3], [sflag:$0x5] =	stream.linear.gather [hbm4b:s6+s3], $0x2800, $0x38;
	[tilespmem:$0x2B00] =	vst v63  }
0x11: {  	_ =	swait.ge [sflag:s9], $0x2800  }
0x12: {  	[sflag:s9] =	ssyncset.done $0x0  }
0x13: {  	[sflag:s9] =	ssyncadd.s32 $0xFFFFD800  }
0x14: {  	[tilespmem:s10], [sflag:$0x5] =	stream.linear.gather [hbm4b:s4+s3], $0x80, $0x38;
	[tilespmem:$0x2B00] =	vst v63  }
0x15: {  	_ =	swait.ge [sflag:s9], $0x80  }
0x16: {  	[sflag:s9] =	ssyncset.done $0x0  }
0x17: {  	[sflag:s9] =	ssyncadd.s32 $0xFFFFFF80  }
0x18: {  	[spmem:s12], [sflag:s11] =	dma.local [hbm:s5], $0x50  }
0x19: {  	_ =	swait.ge [sflag:s9], $0x50  }
0x1a: {  	[sflag:s9] =	ssyncset.done $0x0  }
0x1b: {  	[sflag:s9] =	ssyncadd.s32 $0xFFFFFFB0  }
0x1c: {  	[bflag:$0x0] =	sbarrier.arrive $0xFFFF  }
0x1d: {  	[spmem:s2] =	stream.indirect.scatter.add.f32 [tilespmem:s10], [sflag:$0x1], $0x1, s3, s13, $0xb8;
	[tilespmem:$0x2B00] =	vst v63  }
0x1e: {  	_ = 	snop  }
0x1f: {  	[spmem:s2] =	stream.indirect.scatter.add.f32 [tilespmem:s10], [sflag:$0x2], $0x1, s13, s13, $0xb8;
	[tilespmem:$0x2B00] =	vst v63  }
0x20: {  	_ = 	snop  }
0x21: {  	[spmem:s2] =	stream.indirect.scatter.add.f32 [tilespmem:s10], [sflag:$0x3], $0x1, s14, s13, $0xb8;
	[tilespmem:$0x2B00] =	vst v63  }
0x22: {  	_ = 	snop  }
0x23: {  	[spmem:s2] =	stream.indirect.scatter.add.f32 [tilespmem:s10], [sflag:$0x4], $0x1, s15, s13, $0xb8;
	[tilespmem:$0x2B00] =	vst v63  }
0x24: {  	_ =	swait.ge [sflag:s16], $0x80  }
0x25: {  	[sflag:s16] =	ssyncset.done $0x0  }
0x26: {  	s21 =	simm.s32 $0x200;
	[sflag:s16] =	ssyncadd.s32 $0xFFFFFF80  }
0x27: {  	[spmem:s2] =	stream.indirect.scatter.add.f32 [tilespmem:s10], [sflag:$0x1], $0x1, s21, s13, $0xb8;
	[tilespmem:$0x2B00] =	vst v63  }
0x28: {  	_ =	swait.ge [sflag:s17], $0x80  }
0x29: {  	[sflag:s17] =	ssyncset.done $0x0  }
0x2a: {  	s30 =	simm.s32 $0x280;
	[sflag:s17] =	ssyncadd.s32 $0xFFFFFF80  }
0x2b: {  	[spmem:s2] =	stream.indirect.scatter.add.f32 [tilespmem:s10], [sflag:$0x2], $0x1, s30, s13, $0xb8;
	[tilespmem:$0x2B00] =	vst v63  }
0x2c: {  	_ =	swait.ge [sflag:s18], $0x80  }
0x2d: {  	[sflag:s18] =	ssyncset.done $0x0  }
0x2e: {  	s31 =	simm.s32 $0x300;
	[sflag:s18] =	ssyncadd.s32 $0xFFFFFF80  }
0x2f: {  	[spmem:s2] =	stream.indirect.scatter.add.f32 [tilespmem:s10], [sflag:$0x3], $0x1, s31, s13, $0xb8;
	[tilespmem:$0x2B00] =	vst v63  }
0x30: {  	_ =	swait.ge [sflag:s19], $0x80  }
0x31: {  	[sflag:s19] =	ssyncset.done $0x0  }
0x32: {  	s22 =	simm.s32 $0x380;
	s21 =	simm.s32 $0xFFFF7000;
	[sflag:s19] =	ssyncadd.s32 $0xFFFFFF80  }
.LBB2_2:
0x33: {  	[spmem:s2] =	stream.indirect.scatter.add.f32 [tilespmem:s10], [sflag:$0x4], $0x1, s22, s13, $0xb8;
	[tilespmem:$0x2B00] =	vst v63  }
0x34: {  	s22 =	smov.u32 s21  }
0x35: {  	p0 =	sne.s32 s21, $0xFFFFF800;
	s21 =	sadd.s32 $0x800, s21;
	_ =	swait.ge [sflag:s16], $0x80  }
0x36: {  	s22 =	sshra.s32 s22, $0x2;
	[sflag:s16] =	ssyncset.done $0x0  }
0x37: {  	s23 =	sadd.s32 $0x2800, s22;
	[sflag:s16] =	ssyncadd.s32 $0xFFFFFF80  }
0x38: {  	[spmem:s2] =	stream.indirect.scatter.add.f32 [tilespmem:s10], [sflag:$0x1], $0x1, s23, s13, $0xb8;
	[tilespmem:$0x2B00] =	vst v63  }
0x39: {  	_ =	swait.ge [sflag:s17], $0x80  }
0x3a: {  	[sflag:s17] =	ssyncset.done $0x0  }
0x3b: {  	s23 =	sadd.s32 $0x2880, s22;
	[sflag:s17] =	ssyncadd.s32 $0xFFFFFF80  }
0x3c: {  	[spmem:s2] =	stream.indirect.scatter.add.f32 [tilespmem:s10], [sflag:$0x2], $0x1, s23, s13, $0xb8;
	[tilespmem:$0x2B00] =	vst v63  }
0x3d: {  	_ =	swait.ge [sflag:s18], $0x80  }
0x3e: {  	[sflag:s18] =	ssyncset.done $0x0  }
.Ltmp0:
0x3f: {  	s23 =	sadd.s32 $0x2900, s22;
	[sflag:s18] =	ssyncadd.s32 $0xFFFFFF80;
	(pc) =	sbr.rel @p0 .LBB2_2-.Ltmp0, $4  }
0x40: {  	[spmem:s2] =	stream.indirect.scatter.add.f32 [tilespmem:s10], [sflag:$0x3], $0x1, s23, s13, $0xb8;
	[tilespmem:$0x2B00] =	vst v63  }
0x41: {  	_ =	swait.ge [sflag:s19], $0x80  }
0x42: {  	[sflag:s19] =	ssyncset.done $0x0  }
0x43: {  	s22 =	sadd.s32 $0x2980, s22;
	[sflag:s19] =	ssyncadd.s32 $0xFFFFFF80  }
0x44: {  	[spmem:s2] =	stream.indirect.scatter.add.f32 [tilespmem:s10], [sflag:$0x4], $0x1, s22, s13, $0xb8;
	[tilespmem:$0x2B00] =	vst v63  }
0x45: {  	_ =	swait.ge [sflag:s16], $0x80  }
0x46: {  	[sflag:s16] =	ssyncset.done $0x0  }
0x47: {  	[sflag:s16] =	ssyncadd.s32 $0xFFFFFF80  }
0x48: {  	_ =	swait.ge [sflag:s17], $0x80  }
0x49: {  	[sflag:s17] =	ssyncset.done $0x0  }
0x4a: {  	[sflag:s17] =	ssyncadd.s32 $0xFFFFFF80  }
0x4b: {  	_ =	swait.ge [sflag:s18], $0x80  }
0x4c: {  	[sflag:s18] =	ssyncset.done $0x0  }
0x4d: {  	[sflag:s18] =	ssyncadd.s32 $0xFFFFFF80  }
0x4e: {  	_ =	swait.ge [sflag:s19], $0x80  }
0x4f: {  	s20 =	sadd.s32 $0x1, s20;
	[sflag:s19] =	ssyncset.done $0x0  }
0x50: {  	p0 =	sne.s32 s20, s8;
	[sflag:s19] =	ssyncadd.s32 $0xFFFFFF80  }
.Ltmp1:
0x51: {  	[bflag:$0x0] =	sbarrier.arrive $0xFFFF;
	(pc) =	sbr.rel @p0 .LBB2_1-.Ltmp1, $4  }
0x52: {  	[hbm:s7], [sflag:s11] =	dma.local [spmem:s12], $0x50  }
0x53: {  	_ =	swait.ge [sflag:s9], $0x50  }
0x54: {  	[sflag:s9] =	ssyncset.done $0x0  }
0x55: {  	[sflag:s9] =	ssyncadd.s32 $0xFFFFFFB0  }
0x56: {  	_ =	sfence.sel $0x180000  }
0x57: {  	[bflag:$0x0] =	sbarrier.arrive $0xFFFF  }
0x58: {  	p0 =	sne.s32 s0, $0x0;
	_ =	strace $0x90000047  }
0x59: {  	s0 =	sadd.s32 @!p0 $0x100000, s1;
	[bflag:$0x2] =	sbarrier.arrive $0xFFFF  }
0x5a: {  	[sflag:s0] =	ssyncadd.tile.s32 @!p0 $0x1;
	_ =	shalt  }
.Lfunc_end2:
_tile_overlayer_lowered:
.L_overlay_start_2:
0x5b: {  	(tag) =	ssettag $0x2  }
0x5c: {  	s0 =	rddreg [dreg:$0x0];
	s2 =	stileid.u32  }
0x5d: {  	s1 =	rddreg [dreg:$0x1];
	p0 =	sne.s32 s2, $0x0  }
0x5e: {  	s3 =	rddreg [dreg:$0x2];
	[bflag:$0x3] =	sbarrier.arrive $0xFFFF;
	s2 =	simm.s32 @!p0 $0x1C05  }
0x5f: {  	[timem:s3], [sflag:s2] =	dma.local @!p0 [hbm:s0], s1  }
0x60: {  	s0 =	simm.s32 @!p0 $0x5  }
0x61: {  	_ =	swait.ge @!p0 [sflag:s0], s1  }
0x62: {  	s1 =	ssub.s32 @!p0 $0x0, s1;
	[sflag:s0] =	ssyncset.done @!p0 $0x0  }
0x63: {  	[sflag:s0] =	ssyncadd.s32 @!p0 s1  }
0x64: {  	[bflag:$0x3] =	sbarrier.arrive $0xFFFF  }
0x65: {  	_ =	shalt  }

</sc_bundles>
